<compile_context>
chip_gen: v7x
topology: tpu7x:2x2x1
jax: 0.10.2.dev20260603
libtpu: 0.0.44.dev20260713+nightly
codegen_flags: <defaults>
</compile_context>

<pallas_src>
import functools

import jax
import jax.numpy as jnp
from jax import lax
from jax.experimental import pallas as pl
from jax.experimental.pallas import tpu as pltpu
from jax.experimental.pallas import tpu_sc as plsc

B = 64
N_TOK = 196
D = 768
POOL = 512
TOPK = 4
L = 5
DUAL = 2
ROW = 20 * 12 * 64
N_ROWS_OUT = L * B * DUAL * TOPK
N_ROWS_TABLE = L * DUAL * POOL

B_BLK = 8
P_BLK = 128


def _sim_topk_body(x_ref, pk_ref, sim_ref, idx_ref):
    x_mean = jnp.mean(x_ref[...], axis=0)
    x_norm = x_mean * lax.rsqrt(
        jnp.maximum(jnp.sum(x_mean * x_mean, axis=-1, keepdims=True), 1e-12))
    pk = pk_ref[...]
    pk_norm = pk * lax.rsqrt(
        jnp.maximum(jnp.sum(pk * pk, axis=-1, keepdims=True), 1e-12))
    sim = jnp.dot(x_norm, pk_norm.T,
                  preferred_element_type=jnp.float32)
    sim_ref[...] = sim

    iota = lax.broadcasted_iota(jnp.int32, (B_BLK, POOL), 1)
    cur = sim
    cols = []
    for _ in range(TOPK):
        m = jnp.max(cur, axis=1, keepdims=True)
        j = jnp.min(jnp.where(cur == m, iota, POOL), axis=1)
        cols.append(j[:, None])
        cur = jnp.where(iota == j[:, None], jnp.float32(-jnp.inf), cur)
    idx_ref[...] = jnp.concatenate(cols, axis=1)


def _sim_topk(xv, prompt_key):
    return pl.pallas_call(
        _sim_topk_body,
        grid=(B // B_BLK,),
        in_specs=[
            pl.BlockSpec((N_TOK, B_BLK, D), lambda i: (0, i, 0)),
            pl.BlockSpec((POOL, D), lambda i: (0, 0)),
        ],
        out_specs=[
            pl.BlockSpec((B_BLK, POOL), lambda i: (i, 0)),
            pl.BlockSpec((B_BLK, TOPK), lambda i: (i, 0)),
        ],
        out_shape=[
            jax.ShapeDtypeStruct((B, POOL), jnp.float32),
            jax.ShapeDtypeStruct((B, TOPK), jnp.int32),
        ],
    )(xv, prompt_key)


def _transpose_body(x_ref, o_ref):
    x = x_ref[0, 0].reshape(ROW, P_BLK)
    o_ref[0, 0] = x.T


def _pool_major_table(ptv):
    return pl.pallas_call(
        _transpose_body,
        grid=(L, DUAL, POOL // P_BLK),
        in_specs=[
            pl.BlockSpec((1, 1, 20, 768, P_BLK),
                         lambda l, d, j: (l, d, 0, 0, j)),
        ],
        out_specs=pl.BlockSpec((1, 1, P_BLK, ROW),
                               lambda l, d, j: (l, d, j, 0)),
        out_shape=jax.ShapeDtypeStruct((L, DUAL, POOL, ROW), jnp.float32),
    )(ptv)


_NW = 32
_RPW = N_ROWS_OUT // _NW
_CHUNK = 8
_NCHUNK = _RPW // _CHUNK


@functools.cache
def _sc_gather_fn():
    @functools.partial(
        pl.kernel,
        out_type=jax.ShapeDtypeStruct((N_ROWS_OUT, ROW), jnp.float32),
        mesh=plsc.VectorSubcoreMesh(core_axis_name="c", subcore_axis_name="s"),
        scratch_types=[
            pltpu.VMEM((_NCHUNK, _CHUNK), jnp.int32),
            pltpu.VMEM((_CHUNK, ROW), jnp.float32),
            pltpu.SemaphoreType.DMA,
        ],
    )
    def _sc_gather(table_hbm, src_hbm, out_hbm, idx_v, buf, sem):
        wid = lax.axis_index("s") * 2 + lax.axis_index("c")
        pltpu.sync_copy(src_hbm.at[wid], idx_v)
        base = wid * _RPW
        for g in range(_NCHUNK):
            pltpu.async_copy(table_hbm.at[idx_v.at[g]], buf, sem).wait()
            pltpu.sync_copy(buf, out_hbm.at[pl.ds(base + g * _CHUNK, _CHUNK)])

    return _sc_gather


def kernel(x_embed, prompt, prompt_key):
    xv = jnp.transpose(x_embed, (1, 0, 2))
    similarity, idx = _sim_topk(xv, prompt_key)

    ptv = jnp.transpose(prompt, (0, 1, 3, 4, 5, 2)).reshape(
        L, DUAL, 20, 768, POOL)
    table = _pool_major_table(ptv).reshape(N_ROWS_TABLE, ROW)

    ld = (jnp.arange(L)[:, None, None, None] * DUAL
          + jnp.arange(DUAL)[None, None, :, None])
    src = ld * POOL + idx[None, :, None, :]
    src = src.reshape(_NW, _NCHUNK, _CHUNK).astype(jnp.int32)

    gathered = _sc_gather_fn()(table, src)
    batched_prompt = gathered.reshape(L, B, DUAL, TOPK * 20, 12, 64)
    return (batched_prompt, similarity, idx)

# --- scband reference (transcript-rebuilt; emitter-appended) ---
"""Pipeline reference for scband-eprompt-51350628991163 (READ-ONLY COPY).

The authoritative reference and input builder live on the scoring server;
editing this copy changes nothing except your own understanding.
"""

import jax, jax.numpy as jnp
import numpy as np


def l2_normalize(x, axis=None, epsilon=1e-12):
    square_sum = jnp.sum(x ** 2, axis=axis, keepdims=True)
    x_inv_norm = jax.lax.rsqrt(jnp.maximum(square_sum, epsilon))
    return x * x_inv_norm


def setup_inputs(seed: int = 0):
    key = jax.random.key(seed)
    k1, k2, k3 = jax.random.split(key, 3)
    x_embed = jax.random.normal(k1, (64, 196, 768), dtype=jnp.float32)
    # prompt pool: (num_layers=5, dual=2, pool_size=512, length=20, num_heads=12, head_dim=64)
    prompt = jax.random.uniform(k2, (5, 2, 512, 20, 12, 64), minval=-1.0, maxval=1.0, dtype=jnp.float32)
    prompt_key = jax.random.uniform(k3, (512, 768), minval=-1.0, maxval=1.0, dtype=jnp.float32)
    return {"x_embed": x_embed, "prompt": prompt, "prompt_key": prompt_key}


def reference(x_embed, prompt, prompt_key):
    top_k = 4
    # embedding_key == 'mean'
    x_embed_mean = jnp.mean(x_embed, axis=1)
    prompt_key_norm = l2_normalize(prompt_key, axis=-1)
    x_embed_norm = l2_normalize(x_embed_mean, axis=-1)
    similarity = jnp.matmul(prompt_key_norm, x_embed_norm.T)  # (pool_size, B)
    similarity = similarity.T  # (B, pool_size)
    similarity_top_k, idx = jax.lax.top_k(similarity, top_k)  # (B, top_k)
    # training=True path: idx used directly (no available_mini_model_list remap)
    # use_prefix_tune_for_e_prompt=True, prompt_momentum=0, prompt_mask=None
    batched_prompt_raw = prompt[:, :, idx]  # (L, 2, B, top_k, length, H, hd)
    batched_prompt_raw = jnp.transpose(batched_prompt_raw, (0, 2, 1, 3, 4, 5, 6))  # (L, B, 2, top_k, length, H, hd)
    num_layers, batch_size, dual, tk, length, num_heads, heads_embed_dim = batched_prompt_raw.shape
    batched_prompt = batched_prompt_raw.reshape(num_layers, batch_size, dual, tk * length, num_heads, heads_embed_dim)
    return (batched_prompt, similarity, idx)

if __name__ == "__main__":
    import jax
    _d = setup_inputs()
    print(jax.jit(kernel)(*tuple(_d.values())))

</pallas_src>

<mosaic_0001>
#map = affine_map<(d0, d1) -> (0, 0)>
#map1 = affine_map<(d0, d1) -> (0, 0, 0)>
module attributes {stable_mosaic.version = 14 : i64} {
  func.func @_sc_gather(%arg0: i32, %arg1: i32, %arg2: memref<5120x15360xf32, #tpu.memory_space<hbm>>, %arg3: memref<32x10x8xi32, #tpu.memory_space<hbm>>, %arg4: memref<2560x15360xf32, #tpu.memory_space<hbm>>, %arg5: memref<10x8xi32, #tpu.memory_space<vmem>>, %arg6: memref<8x15360xf32, #tpu.memory_space<vmem>>, %arg7: memref<!tpu.dma_semaphore, #tpu.memory_space<semaphore_mem>>) attributes {dimension_semantics = [#tpu.dimension_semantics<core_parallel>, #tpu.dimension_semantics<subcore_parallel>], iteration_bounds = array<i64: 2, 16>, scalar_prefetch = 0 : i64, scratch_operands = 3 : i64, tpu.core_type = #tpu.core_type<sc_vector_subcore>, window_params = [{transform_indices = #map}, {transform_indices = #map1}, {transform_indices = #map}]} {
    %mul3A = arith.constant 2 : i32
    %mul3A_0 = arith.muli %arg1, %mul3A : i32
    %add3A = arith.addi %mul3A_0, %arg0 : i32
    "tpu.region"() ({
      %run_scoped3A = tpu.sem_alloc : memref<!tpu.dma_semaphore, #tpu.memory_space<semaphore_mem>>
      %dma_start3A_161 = arith.constant 0 : i32
      %dma_start3A_162 = arith.constant 0 : i32
      %dma_start3A_163 = tpu.memref_slice %arg3[%add3A, %dma_start3A_161, %dma_start3A_162] : memref<32x10x8xi32, #tpu.memory_space<hbm>> -> memref<1x10x8xi32, #tpu.memory_space<hbm>>
      %dma_start3A_164 = tpu.memref_squeeze %dma_start3A_163 : memref<1x10x8xi32, #tpu.memory_space<hbm>> -> memref<10x8xi32, #tpu.memory_space<hbm>>
      %dma_start3A_165 = arith.constant 0 : i32
      %dma_start3A_166 = arith.constant 0 : i32
      %dma_start3A_167 = tpu.memref_slice %arg3[%add3A, %dma_start3A_165, %dma_start3A_166] : memref<32x10x8xi32, #tpu.memory_space<hbm>> -> memref<1x10x8xi32, #tpu.memory_space<hbm>>
      %dma_start3A_168 = tpu.memref_squeeze %dma_start3A_167 : memref<1x10x8xi32, #tpu.memory_space<hbm>> -> memref<10x8xi32, #tpu.memory_space<hbm>>
      tpu.enqueue_dma source(%dma_start3A_168 : memref<10x8xi32, #tpu.memory_space<hbm>>) target(%arg5 : memref<10x8xi32, #tpu.memory_space<vmem>>) target_semaphore(%run_scoped3A : memref<!tpu.dma_semaphore, #tpu.memory_space<semaphore_mem>>)
      %dma_wait3A_169 = arith.constant 0 : i32
      %dma_wait3A_170 = arith.constant 0 : i32
      %dma_wait3A_171 = tpu.memref_slice %arg3[%add3A, %dma_wait3A_169, %dma_wait3A_170] : memref<32x10x8xi32, #tpu.memory_space<hbm>> -> memref<1x10x8xi32, #tpu.memory_space<hbm>>
      %dma_wait3A_172 = tpu.memref_squeeze %dma_wait3A_171 : memref<1x10x8xi32, #tpu.memory_space<hbm>> -> memref<10x8xi32, #tpu.memory_space<hbm>>
      %dma_wait3A_173 = arith.constant 0 : i32
      %dma_wait3A_174 = arith.constant 0 : i32
      %dma_wait3A_175 = tpu.memref_slice %arg3[%add3A, %dma_wait3A_173, %dma_wait3A_174] : memref<32x10x8xi32, #tpu.memory_space<hbm>> -> memref<1x10x8xi32, #tpu.memory_space<hbm>>
      %dma_wait3A_176 = tpu.memref_squeeze %dma_wait3A_175 : memref<1x10x8xi32, #tpu.memory_space<hbm>> -> memref<10x8xi32, #tpu.memory_space<hbm>>
      tpu.wait_dma2 semaphore(%run_scoped3A : memref<!tpu.dma_semaphore, #tpu.memory_space<semaphore_mem>>) src(%dma_wait3A_176 : memref<10x8xi32, #tpu.memory_space<hbm>>) dst(%arg5 : memref<10x8xi32, #tpu.memory_space<vmem>>)
      tpu.yield
    }) : () -> ()
    %mul3A_1 = arith.constant 80 : i32
    %mul3A_2 = arith.muli %add3A, %mul3A_1 : i32
    %dma_start3A = arith.constant 0 : i32
    %dma_start3A_3 = arith.constant 0 : i32
    %dma_start3A_4 = tpu.memref_slice %arg5[%dma_start3A, %dma_start3A_3] : memref<10x8xi32, #tpu.memory_space<vmem>> -> memref<1x8xi32, #tpu.memory_space<vmem>>
    %dma_start3A_5 = tpu.memref_squeeze %dma_start3A_4 : memref<1x8xi32, #tpu.memory_space<vmem>> -> memref<8xi32, #tpu.memory_space<vmem>>
    %dma_start3A_6 = arith.constant 0 : i32
    %dma_start3A_7 = arith.constant 0 : i32
    %dma_start3A_8 = tpu.memref_slice %arg2[%dma_start3A_6, %dma_start3A_7] : memref<5120x15360xf32, #tpu.memory_space<hbm>> -> memref<5120x15360xf32, #tpu.memory_space<hbm>>
    tpu.enqueue_indirect_dma source(%dma_start3A_8 : memref<5120x15360xf32, #tpu.memory_space<hbm>>) target(%arg6 : memref<8x15360xf32, #tpu.memory_space<vmem>>) offsets(%dma_start3A_5 : memref<8xi32, #tpu.memory_space<vmem>>) semaphore(%arg7 : memref<!tpu.dma_semaphore, #tpu.memory_space<semaphore_mem>>)
    %dma_wait3A = arith.constant 0 : i32
    %dma_wait3A_9 = arith.constant 0 : i32
    %dma_wait3A_10 = tpu.memref_slice %arg5[%dma_wait3A, %dma_wait3A_9] : memref<10x8xi32, #tpu.memory_space<vmem>> -> memref<1x8xi32, #tpu.memory_space<vmem>>
    %dma_wait3A_11 = tpu.memref_squeeze %dma_wait3A_10 : memref<1x8xi32, #tpu.memory_space<vmem>> -> memref<8xi32, #tpu.memory_space<vmem>>
    %dma_wait3A_12 = arith.constant 0 : i32
    %dma_wait3A_13 = arith.constant 0 : i32
    %dma_wait3A_14 = tpu.memref_slice %arg2[%dma_wait3A_12, %dma_wait3A_13] : memref<5120x15360xf32, #tpu.memory_space<hbm>> -> memref<5120x15360xf32, #tpu.memory_space<hbm>>
    tpu.wait_indirect_dma semaphore(%arg7 : memref<!tpu.dma_semaphore, #tpu.memory_space<semaphore_mem>>) src(%dma_wait3A_14 : memref<5120x15360xf32, #tpu.memory_space<hbm>>) dst(%arg6 : memref<8x15360xf32, #tpu.memory_space<vmem>>)
    %add3A_15 = arith.constant 0 : i32
    %add3A_16 = arith.addi %mul3A_2, %add3A_15 : i32
    "tpu.region"() ({
      %run_scoped3A = tpu.sem_alloc : memref<!tpu.dma_semaphore, #tpu.memory_space<semaphore_mem>>
      %dma_start3A_161 = arith.constant 0 : i32
      %dma_start3A_162 = tpu.memref_slice %arg4[%add3A_16, %dma_start3A_161] : memref<2560x15360xf32, #tpu.memory_space<hbm>> -> memref<8x15360xf32, #tpu.memory_space<hbm>>
      %dma_start3A_163 = arith.constant 0 : i32
      %dma_start3A_164 = tpu.memref_slice %arg4[%add3A_16, %dma_start3A_163] : memref<2560x15360xf32, #tpu.memory_space<hbm>> -> memref<8x15360xf32, #tpu.memory_space<hbm>>
      tpu.enqueue_dma source(%arg6 : memref<8x15360xf32, #tpu.memory_space<vmem>>) target(%dma_start3A_164 : memref<8x15360xf32, #tpu.memory_space<hbm>>) target_semaphore(%run_scoped3A : memref<!tpu.dma_semaphore, #tpu.memory_space<semaphore_mem>>)
      %dma_wait3A_165 = arith.constant 0 : i32
      %dma_wait3A_166 = tpu.memref_slice %arg4[%add3A_16, %dma_wait3A_165] : memref<2560x15360xf32, #tpu.memory_space<hbm>> -> memref<8x15360xf32, #tpu.memory_space<hbm>>
      %dma_wait3A_167 = arith.constant 0 : i32
      %dma_wait3A_168 = tpu.memref_slice %arg4[%add3A_16, %dma_wait3A_167] : memref<2560x15360xf32, #tpu.memory_space<hbm>> -> memref<8x15360xf32, #tpu.memory_space<hbm>>
      tpu.wait_dma2 semaphore(%run_scoped3A : memref<!tpu.dma_semaphore, #tpu.memory_space<semaphore_mem>>) src(%arg6 : memref<8x15360xf32, #tpu.memory_space<vmem>>) dst(%dma_wait3A_168 : memref<8x15360xf32, #tpu.memory_space<hbm>>)
      tpu.yield
    }) : () -> ()
    %dma_start3A_17 = arith.constant 1 : i32
    %dma_start3A_18 = arith.constant 0 : i32
    %dma_start3A_19 = tpu.memref_slice %arg5[%dma_start3A_17, %dma_start3A_18] : memref<10x8xi32, #tpu.memory_space<vmem>> -> memref<1x8xi32, #tpu.memory_space<vmem>>
    %dma_start3A_20 = tpu.memref_squeeze %dma_start3A_19 : memref<1x8xi32, #tpu.memory_space<vmem>> -> memref<8xi32, #tpu.memory_space<vmem>>
    %dma_start3A_21 = arith.constant 0 : i32
    %dma_start3A_22 = arith.constant 0 : i32
    %dma_start3A_23 = tpu.memref_slice %arg2[%dma_start3A_21, %dma_start3A_22] : memref<5120x15360xf32, #tpu.memory_space<hbm>> -> memref<5120x15360xf32, #tpu.memory_space<hbm>>
    tpu.enqueue_indirect_dma source(%dma_start3A_23 : memref<5120x15360xf32, #tpu.memory_space<hbm>>) target(%arg6 : memref<8x15360xf32, #tpu.memory_space<vmem>>) offsets(%dma_start3A_20 : memref<8xi32, #tpu.memory_space<vmem>>) semaphore(%arg7 : memref<!tpu.dma_semaphore, #tpu.memory_space<semaphore_mem>>)
    %dma_wait3A_24 = arith.constant 1 : i32
    %dma_wait3A_25 = arith.constant 0 : i32
    %dma_wait3A_26 = tpu.memref_slice %arg5[%dma_wait3A_24, %dma_wait3A_25] : memref<10x8xi32, #tpu.memory_space<vmem>> -> memref<1x8xi32, #tpu.memory_space<vmem>>
    %dma_wait3A_27 = tpu.memref_squeeze %dma_wait3A_26 : memref<1x8xi32, #tpu.memory_space<vmem>> -> memref<8xi32, #tpu.memory_space<vmem>>
    %dma_wait3A_28 = arith.constant 0 : i32
    %dma_wait3A_29 = arith.constant 0 : i32
    %dma_wait3A_30 = tpu.memref_slice %arg2[%dma_wait3A_28, %dma_wait3A_29] : memref<5120x15360xf32, #tpu.memory_space<hbm>> -> memref<5120x15360xf32, #tpu.memory_space<hbm>>
    tpu.wait_indirect_dma semaphore(%arg7 : memref<!tpu.dma_semaphore, #tpu.memory_space<semaphore_mem>>) src(%dma_wait3A_30 : memref<5120x15360xf32, #tpu.memory_space<hbm>>) dst(%arg6 : memref<8x15360xf32, #tpu.memory_space<vmem>>)
    %add3A_31 = arith.constant 8 : i32
    %add3A_32 = arith.addi %mul3A_2, %add3A_31 : i32
    "tpu.region"() ({
      %run_scoped3A = tpu.sem_alloc : memref<!tpu.dma_semaphore, #tpu.memory_space<semaphore_mem>>
      %dma_start3A_161 = arith.constant 0 : i32
      %dma_start3A_162 = tpu.memref_slice %arg4[%add3A_32, %dma_start3A_161] : memref<2560x15360xf32, #tpu.memory_space<hbm>> -> memref<8x15360xf32, #tpu.memory_space<hbm>>
      %dma_start3A_163 = arith.constant 0 : i32
      %dma_start3A_164 = tpu.memref_slice %arg4[%add3A_32, %dma_start3A_163] : memref<2560x15360xf32, #tpu.memory_space<hbm>> -> memref<8x15360xf32, #tpu.memory_space<hbm>>
      tpu.enqueue_dma source(%arg6 : memref<8x15360xf32, #tpu.memory_space<vmem>>) target(%dma_start3A_164 : memref<8x15360xf32, #tpu.memory_space<hbm>>) target_semaphore(%run_scoped3A : memref<!tpu.dma_semaphore, #tpu.memory_space<semaphore_mem>>)
      %dma_wait3A_165 = arith.constant 0 : i32
      %dma_wait3A_166 = tpu.memref_slice %arg4[%add3A_32, %dma_wait3A_165] : memref<2560x15360xf32, #tpu.memory_space<hbm>> -> memref<8x15360xf32, #tpu.memory_space<hbm>>
      %dma_wait3A_167 = arith.constant 0 : i32
      %dma_wait3A_168 = tpu.memref_slice %arg4[%add3A_32, %dma_wait3A_167] : memref<2560x15360xf32, #tpu.memory_space<hbm>> -> memref<8x15360xf32, #tpu.memory_space<hbm>>
      tpu.wait_dma2 semaphore(%run_scoped3A : memref<!tpu.dma_semaphore, #tpu.memory_space<semaphore_mem>>) src(%arg6 : memref<8x15360xf32, #tpu.memory_space<vmem>>) dst(%dma_wait3A_168 : memref<8x15360xf32, #tpu.memory_space<hbm>>)
      tpu.yield
    }) : () -> ()
    %dma_start3A_33 = arith.constant 2 : i32
    %dma_start3A_34 = arith.constant 0 : i32
    %dma_start3A_35 = tpu.memref_slice %arg5[%dma_start3A_33, %dma_start3A_34] : memref<10x8xi32, #tpu.memory_space<vmem>> -> memref<1x8xi32, #tpu.memory_space<vmem>>
    %dma_start3A_36 = tpu.memref_squeeze %dma_start3A_35 : memref<1x8xi32, #tpu.memory_space<vmem>> -> memref<8xi32, #tpu.memory_space<vmem>>
    %dma_start3A_37 = arith.constant 0 : i32
    %dma_start3A_38 = arith.constant 0 : i32
    %dma_start3A_39 = tpu.memref_slice %arg2[%dma_start3A_37, %dma_start3A_38] : memref<5120x15360xf32, #tpu.memory_space<hbm>> -> memref<5120x15360xf32, #tpu.memory_space<hbm>>
    tpu.enqueue_indirect_dma source(%dma_start3A_39 : memref<5120x15360xf32, #tpu.memory_space<hbm>>) target(%arg6 : memref<8x15360xf32, #tpu.memory_space<vmem>>) offsets(%dma_start3A_36 : memref<8xi32, #tpu.memory_space<vmem>>) semaphore(%arg7 : memref<!tpu.dma_semaphore, #tpu.memory_space<semaphore_mem>>)
    %dma_wait3A_40 = arith.constant 2 : i32
    %dma_wait3A_41 = arith.constant 0 : i32
    %dma_wait3A_42 = tpu.memref_slice %arg5[%dma_wait3A_40, %dma_wait3A_41] : memref<10x8xi32, #tpu.memory_space<vmem>> -> memref<1x8xi32, #tpu.memory_space<vmem>>
    %dma_wait3A_43 = tpu.memref_squeeze %dma_wait3A_42 : memref<1x8xi32, #tpu.memory_space<vmem>> -> memref<8xi32, #tpu.memory_space<vmem>>
    %dma_wait3A_44 = arith.constant 0 : i32
    %dma_wait3A_45 = arith.constant 0 : i32
    %dma_wait3A_46 = tpu.memref_slice %arg2[%dma_wait3A_44, %dma_wait3A_45] : memref<5120x15360xf32, #tpu.memory_space<hbm>> -> memref<5120x15360xf32, #tpu.memory_space<hbm>>
    tpu.wait_indirect_dma semaphore(%arg7 : memref<!tpu.dma_semaphore, #tpu.memory_space<semaphore_mem>>) src(%dma_wait3A_46 : memref<5120x15360xf32, #tpu.memory_space<hbm>>) dst(%arg6 : memref<8x15360xf32, #tpu.memory_space<vmem>>)
    %add3A_47 = arith.constant 16 : i32
    %add3A_48 = arith.addi %mul3A_2, %add3A_47 : i32
    "tpu.region"() ({
      %run_scoped3A = tpu.sem_alloc : memref<!tpu.dma_semaphore, #tpu.memory_space<semaphore_mem>>
      %dma_start3A_161 = arith.constant 0 : i32
      %dma_start3A_162 = tpu.memref_slice %arg4[%add3A_48, %dma_start3A_161] : memref<2560x15360xf32, #tpu.memory_space<hbm>> -> memref<8x15360xf32, #tpu.memory_space<hbm>>
      %dma_start3A_163 = arith.constant 0 : i32
      %dma_start3A_164 = tpu.memref_slice %arg4[%add3A_48, %dma_start3A_163] : memref<2560x15360xf32, #tpu.memory_space<hbm>> -> memref<8x15360xf32, #tpu.memory_space<hbm>>
      tpu.enqueue_dma source(%arg6 : memref<8x15360xf32, #tpu.memory_space<vmem>>) target(%dma_start3A_164 : memref<8x15360xf32, #tpu.memory_space<hbm>>) target_semaphore(%run_scoped3A : memref<!tpu.dma_semaphore, #tpu.memory_space<semaphore_mem>>)
      %dma_wait3A_165 = arith.constant 0 : i32
      %dma_wait3A_166 = tpu.memref_slice %arg4[%add3A_48, %dma_wait3A_165] : memref<2560x15360xf32, #tpu.memory_space<hbm>> -> memref<8x15360xf32, #tpu.memory_space<hbm>>
      %dma_wait3A_167 = arith.constant 0 : i32
      %dma_wait3A_168 = tpu.memref_slice %arg4[%add3A_48, %dma_wait3A_167] : memref<2560x15360xf32, #tpu.memory_space<hbm>> -> memref<8x15360xf32, #tpu.memory_space<hbm>>
      tpu.wait_dma2 semaphore(%run_scoped3A : memref<!tpu.dma_semaphore, #tpu.memory_space<semaphore_mem>>) src(%arg6 : memref<8x15360xf32, #tpu.memory_space<vmem>>) dst(%dma_wait3A_168 : memref<8x15360xf32, #tpu.memory_space<hbm>>)
      tpu.yield
    }) : () -> ()
    %dma_start3A_49 = arith.constant 3 : i32
    %dma_start3A_50 = arith.constant 0 : i32
    %dma_start3A_51 = tpu.memref_slice %arg5[%dma_start3A_49, %dma_start3A_50] : memref<10x8xi32, #tpu.memory_space<vmem>> -> memref<1x8xi32, #tpu.memory_space<vmem>>
    %dma_start3A_52 = tpu.memref_squeeze %dma_start3A_51 : memref<1x8xi32, #tpu.memory_space<vmem>> -> memref<8xi32, #tpu.memory_space<vmem>>
    %dma_start3A_53 = arith.constant 0 : i32
    %dma_start3A_54 = arith.constant 0 : i32
    %dma_start3A_55 = tpu.memref_slice %arg2[%dma_start3A_53, %dma_start3A_54] : memref<5120x15360xf32, #tpu.memory_space<hbm>> -> memref<5120x15360xf32, #tpu.memory_space<hbm>>
    tpu.enqueue_indirect_dma source(%dma_start3A_55 : memref<5120x15360xf32, #tpu.memory_space<hbm>>) target(%arg6 : memref<8x15360xf32, #tpu.memory_space<vmem>>) offsets(%dma_start3A_52 : memref<8xi32, #tpu.memory_space<vmem>>) semaphore(%arg7 : memref<!tpu.dma_semaphore, #tpu.memory_space<semaphore_mem>>)
    %dma_wait3A_56 = arith.constant 3 : i32
    %dma_wait3A_57 = arith.constant 0 : i32
    %dma_wait3A_58 = tpu.memref_slice %arg5[%dma_wait3A_56, %dma_wait3A_57] : memref<10x8xi32, #tpu.memory_space<vmem>> -> memref<1x8xi32, #tpu.memory_space<vmem>>
    %dma_wait3A_59 = tpu.memref_squeeze %dma_wait3A_58 : memref<1x8xi32, #tpu.memory_space<vmem>> -> memref<8xi32, #tpu.memory_space<vmem>>
    %dma_wait3A_60 = arith.constant 0 : i32
    %dma_wait3A_61 = arith.constant 0 : i32
    %dma_wait3A_62 = tpu.memref_slice %arg2[%dma_wait3A_60, %dma_wait3A_61] : memref<5120x15360xf32, #tpu.memory_space<hbm>> -> memref<5120x15360xf32, #tpu.memory_space<hbm>>
    tpu.wait_indirect_dma semaphore(%arg7 : memref<!tpu.dma_semaphore, #tpu.memory_space<semaphore_mem>>) src(%dma_wait3A_62 : memref<5120x15360xf32, #tpu.memory_space<hbm>>) dst(%arg6 : memref<8x15360xf32, #tpu.memory_space<vmem>>)
    %add3A_63 = arith.constant 24 : i32
    %add3A_64 = arith.addi %mul3A_2, %add3A_63 : i32
    "tpu.region"() ({
      %run_scoped3A = tpu.sem_alloc : memref<!tpu.dma_semaphore, #tpu.memory_space<semaphore_mem>>
      %dma_start3A_161 = arith.constant 0 : i32
      %dma_start3A_162 = tpu.memref_slice %arg4[%add3A_64, %dma_start3A_161] : memref<2560x15360xf32, #tpu.memory_space<hbm>> -> memref<8x15360xf32, #tpu.memory_space<hbm>>
      %dma_start3A_163 = arith.constant 0 : i32
      %dma_start3A_164 = tpu.memref_slice %arg4[%add3A_64, %dma_start3A_163] : memref<2560x15360xf32, #tpu.memory_space<hbm>> -> memref<8x15360xf32, #tpu.memory_space<hbm>>
      tpu.enqueue_dma source(%arg6 : memref<8x15360xf32, #tpu.memory_space<vmem>>) target(%dma_start3A_164 : memref<8x15360xf32, #tpu.memory_space<hbm>>) target_semaphore(%run_scoped3A : memref<!tpu.dma_semaphore, #tpu.memory_space<semaphore_mem>>)
      %dma_wait3A_165 = arith.constant 0 : i32
      %dma_wait3A_166 = tpu.memref_slice %arg4[%add3A_64, %dma_wait3A_165] : memref<2560x15360xf32, #tpu.memory_space<hbm>> -> memref<8x15360xf32, #tpu.memory_space<hbm>>
      %dma_wait3A_167 = arith.constant 0 : i32
      %dma_wait3A_168 = tpu.memref_slice %arg4[%add3A_64, %dma_wait3A_167] : memref<2560x15360xf32, #tpu.memory_space<hbm>> -> memref<8x15360xf32, #tpu.memory_space<hbm>>
      tpu.wait_dma2 semaphore(%run_scoped3A : memref<!tpu.dma_semaphore, #tpu.memory_space<semaphore_mem>>) src(%arg6 : memref<8x15360xf32, #tpu.memory_space<vmem>>) dst(%dma_wait3A_168 : memref<8x15360xf32, #tpu.memory_space<hbm>>)
      tpu.yield
    }) : () -> ()
    %dma_start3A_65 = arith.constant 4 : i32
    %dma_start3A_66 = arith.constant 0 : i32
    %dma_start3A_67 = tpu.memref_slice %arg5[%dma_start3A_65, %dma_start3A_66] : memref<10x8xi32, #tpu.memory_space<vmem>> -> memref<1x8xi32, #tpu.memory_space<vmem>>
    %dma_start3A_68 = tpu.memref_squeeze %dma_start3A_67 : memref<1x8xi32, #tpu.memory_space<vmem>> -> memref<8xi32, #tpu.memory_space<vmem>>
    %dma_start3A_69 = arith.constant 0 : i32
    %dma_start3A_70 = arith.constant 0 : i32
    %dma_start3A_71 = tpu.memref_slice %arg2[%dma_start3A_69, %dma_start3A_70] : memref<5120x15360xf32, #tpu.memory_space<hbm>> -> memref<5120x15360xf32, #tpu.memory_space<hbm>>
    tpu.enqueue_indirect_dma source(%dma_start3A_71 : memref<5120x15360xf32, #tpu.memory_space<hbm>>) target(%arg6 : memref<8x15360xf32, #tpu.memory_space<vmem>>) offsets(%dma_start3A_68 : memref<8xi32, #tpu.memory_space<vmem>>) semaphore(%arg7 : memref<!tpu.dma_semaphore, #tpu.memory_space<semaphore_mem>>)
    %dma_wait3A_72 = arith.constant 4 : i32
    %dma_wait3A_73 = arith.constant 0 : i32
    %dma_wait3A_74 = tpu.memref_slice %arg5[%dma_wait3A_72, %dma_wait3A_73] : memref<10x8xi32, #tpu.memory_space<vmem>> -> memref<1x8xi32, #tpu.memory_space<vmem>>
    %dma_wait3A_75 = tpu.memref_squeeze %dma_wait3A_74 : memref<1x8xi32, #tpu.memory_space<vmem>> -> memref<8xi32, #tpu.memory_space<vmem>>
    %dma_wait3A_76 = arith.constant 0 : i32
    %dma_wait3A_77 = arith.constant 0 : i32
    %dma_wait3A_78 = tpu.memref_slice %arg2[%dma_wait3A_76, %dma_wait3A_77] : memref<5120x15360xf32, #tpu.memory_space<hbm>> -> memref<5120x15360xf32, #tpu.memory_space<hbm>>
    tpu.wait_indirect_dma semaphore(%arg7 : memref<!tpu.dma_semaphore, #tpu.memory_space<semaphore_mem>>) src(%dma_wait3A_78 : memref<5120x15360xf32, #tpu.memory_space<hbm>>) dst(%arg6 : memref<8x15360xf32, #tpu.memory_space<vmem>>)
    %add3A_79 = arith.constant 32 : i32
    %add3A_80 = arith.addi %mul3A_2, %add3A_79 : i32
    "tpu.region"() ({
      %run_scoped3A = tpu.sem_alloc : memref<!tpu.dma_semaphore, #tpu.memory_space<semaphore_mem>>
      %dma_start3A_161 = arith.constant 0 : i32
      %dma_start3A_162 = tpu.memref_slice %arg4[%add3A_80, %dma_start3A_161] : memref<2560x15360xf32, #tpu.memory_space<hbm>> -> memref<8x15360xf32, #tpu.memory_space<hbm>>
      %dma_start3A_163 = arith.constant 0 : i32
      %dma_start3A_164 = tpu.memref_slice %arg4[%add3A_80, %dma_start3A_163] : memref<2560x15360xf32, #tpu.memory_space<hbm>> -> memref<8x15360xf32, #tpu.memory_space<hbm>>
      tpu.enqueue_dma source(%arg6 : memref<8x15360xf32, #tpu.memory_space<vmem>>) target(%dma_start3A_164 : memref<8x15360xf32, #tpu.memory_space<hbm>>) target_semaphore(%run_scoped3A : memref<!tpu.dma_semaphore, #tpu.memory_space<semaphore_mem>>)
      %dma_wait3A_165 = arith.constant 0 : i32
      %dma_wait3A_166 = tpu.memref_slice %arg4[%add3A_80, %dma_wait3A_165] : memref<2560x15360xf32, #tpu.memory_space<hbm>> -> memref<8x15360xf32, #tpu.memory_space<hbm>>
      %dma_wait3A_167 = arith.constant 0 : i32
      %dma_wait3A_168 = tpu.memref_slice %arg4[%add3A_80, %dma_wait3A_167] : memref<2560x15360xf32, #tpu.memory_space<hbm>> -> memref<8x15360xf32, #tpu.memory_space<hbm>>
      tpu.wait_dma2 semaphore(%run_scoped3A : memref<!tpu.dma_semaphore, #tpu.memory_space<semaphore_mem>>) src(%arg6 : memref<8x15360xf32, #tpu.memory_space<vmem>>) dst(%dma_wait3A_168 : memref<8x15360xf32, #tpu.memory_space<hbm>>)
      tpu.yield
    }) : () -> ()
    %dma_start3A_81 = arith.constant 5 : i32
    %dma_start3A_82 = arith.constant 0 : i32
    %dma_start3A_83 = tpu.memref_slice %arg5[%dma_start3A_81, %dma_start3A_82] : memref<10x8xi32, #tpu.memory_space<vmem>> -> memref<1x8xi32, #tpu.memory_space<vmem>>
    %dma_start3A_84 = tpu.memref_squeeze %dma_start3A_83 : memref<1x8xi32, #tpu.memory_space<vmem>> -> memref<8xi32, #tpu.memory_space<vmem>>
    %dma_start3A_85 = arith.constant 0 : i32
    %dma_start3A_86 = arith.constant 0 : i32
    %dma_start3A_87 = tpu.memref_slice %arg2[%dma_start3A_85, %dma_start3A_86] : memref<5120x15360xf32, #tpu.memory_space<hbm>> -> memref<5120x15360xf32, #tpu.memory_space<hbm>>
    tpu.enqueue_indirect_dma source(%dma_start3A_87 : memref<5120x15360xf32, #tpu.memory_space<hbm>>) target(%arg6 : memref<8x15360xf32, #tpu.memory_space<vmem>>) offsets(%dma_start3A_84 : memref<8xi32, #tpu.memory_space<vmem>>) semaphore(%arg7 : memref<!tpu.dma_semaphore, #tpu.memory_space<semaphore_mem>>)
    %dma_wait3A_88 = arith.constant 5 : i32
    %dma_wait3A_89 = arith.constant 0 : i32
    %dma_wait3A_90 = tpu.memref_slice %arg5[%dma_wait3A_88, %dma_wait3A_89] : memref<10x8xi32, #tpu.memory_space<vmem>> -> memref<1x8xi32, #tpu.memory_space<vmem>>
    %dma_wait3A_91 = tpu.memref_squeeze %dma_wait3A_90 : memref<1x8xi32, #tpu.memory_space<vmem>> -> memref<8xi32, #tpu.memory_space<vmem>>
    %dma_wait3A_92 = arith.constant 0 : i32
    %dma_wait3A_93 = arith.constant 0 : i32
    %dma_wait3A_94 = tpu.memref_slice %arg2[%dma_wait3A_92, %dma_wait3A_93] : memref<5120x15360xf32, #tpu.memory_space<hbm>> -> memref<5120x15360xf32, #tpu.memory_space<hbm>>
    tpu.wait_indirect_dma semaphore(%arg7 : memref<!tpu.dma_semaphore, #tpu.memory_space<semaphore_mem>>) src(%dma_wait3A_94 : memref<5120x15360xf32, #tpu.memory_space<hbm>>) dst(%arg6 : memref<8x15360xf32, #tpu.memory_space<vmem>>)
    %add3A_95 = arith.constant 40 : i32
    %add3A_96 = arith.addi %mul3A_2, %add3A_95 : i32
    "tpu.region"() ({
      %run_scoped3A = tpu.sem_alloc : memref<!tpu.dma_semaphore, #tpu.memory_space<semaphore_mem>>
      %dma_start3A_161 = arith.constant 0 : i32
      %dma_start3A_162 = tpu.memref_slice %arg4[%add3A_96, %dma_start3A_161] : memref<2560x15360xf32, #tpu.memory_space<hbm>> -> memref<8x15360xf32, #tpu.memory_space<hbm>>
      %dma_start3A_163 = arith.constant 0 : i32
      %dma_start3A_164 = tpu.memref_slice %arg4[%add3A_96, %dma_start3A_163] : memref<2560x15360xf32, #tpu.memory_space<hbm>> -> memref<8x15360xf32, #tpu.memory_space<hbm>>
      tpu.enqueue_dma source(%arg6 : memref<8x15360xf32, #tpu.memory_space<vmem>>) target(%dma_start3A_164 : memref<8x15360xf32, #tpu.memory_space<hbm>>) target_semaphore(%run_scoped3A : memref<!tpu.dma_semaphore, #tpu.memory_space<semaphore_mem>>)
      %dma_wait3A_165 = arith.constant 0 : i32
      %dma_wait3A_166 = tpu.memref_slice %arg4[%add3A_96, %dma_wait3A_165] : memref<2560x15360xf32, #tpu.memory_space<hbm>> -> memref<8x15360xf32, #tpu.memory_space<hbm>>
      %dma_wait3A_167 = arith.constant 0 : i32
      %dma_wait3A_168 = tpu.memref_slice %arg4[%add3A_96, %dma_wait3A_167] : memref<2560x15360xf32, #tpu.memory_space<hbm>> -> memref<8x15360xf32, #tpu.memory_space<hbm>>
      tpu.wait_dma2 semaphore(%run_scoped3A : memref<!tpu.dma_semaphore, #tpu.memory_space<semaphore_mem>>) src(%arg6 : memref<8x15360xf32, #tpu.memory_space<vmem>>) dst(%dma_wait3A_168 : memref<8x15360xf32, #tpu.memory_space<hbm>>)
      tpu.yield
    }) : () -> ()
    %dma_start3A_97 = arith.constant 6 : i32
    %dma_start3A_98 = arith.constant 0 : i32
    %dma_start3A_99 = tpu.memref_slice %arg5[%dma_start3A_97, %dma_start3A_98] : memref<10x8xi32, #tpu.memory_space<vmem>> -> memref<1x8xi32, #tpu.memory_space<vmem>>
    %dma_start3A_100 = tpu.memref_squeeze %dma_start3A_99 : memref<1x8xi32, #tpu.memory_space<vmem>> -> memref<8xi32, #tpu.memory_space<vmem>>
    %dma_start3A_101 = arith.constant 0 : i32
    %dma_start3A_102 = arith.constant 0 : i32
    %dma_start3A_103 = tpu.memref_slice %arg2[%dma_start3A_101, %dma_start3A_102] : memref<5120x15360xf32, #tpu.memory_space<hbm>> -> memref<5120x15360xf32, #tpu.memory_space<hbm>>
    tpu.enqueue_indirect_dma source(%dma_start3A_103 : memref<5120x15360xf32, #tpu.memory_space<hbm>>) target(%arg6 : memref<8x15360xf32, #tpu.memory_space<vmem>>) offsets(%dma_start3A_100 : memref<8xi32, #tpu.memory_space<vmem>>) semaphore(%arg7 : memref<!tpu.dma_semaphore, #tpu.memory_space<semaphore_mem>>)
    %dma_wait3A_104 = arith.constant 6 : i32
    %dma_wait3A_105 = arith.constant 0 : i32
    %dma_wait3A_106 = tpu.memref_slice %arg5[%dma_wait3A_104, %dma_wait3A_105] : memref<10x8xi32, #tpu.memory_space<vmem>> -> memref<1x8xi32, #tpu.memory_space<vmem>>
    %dma_wait3A_107 = tpu.memref_squeeze %dma_wait3A_106 : memref<1x8xi32, #tpu.memory_space<vmem>> -> memref<8xi32, #tpu.memory_space<vmem>>
    %dma_wait3A_108 = arith.constant 0 : i32
    %dma_wait3A_109 = arith.constant 0 : i32
    %dma_wait3A_110 = tpu.memref_slice %arg2[%dma_wait3A_108, %dma_wait3A_109] : memref<5120x15360xf32, #tpu.memory_space<hbm>> -> memref<5120x15360xf32, #tpu.memory_space<hbm>>
    tpu.wait_indirect_dma semaphore(%arg7 : memref<!tpu.dma_semaphore, #tpu.memory_space<semaphore_mem>>) src(%dma_wait3A_110 : memref<5120x15360xf32, #tpu.memory_space<hbm>>) dst(%arg6 : memref<8x15360xf32, #tpu.memory_space<vmem>>)
    %add3A_111 = arith.constant 48 : i32
    %add3A_112 = arith.addi %mul3A_2, %add3A_111 : i32
    "tpu.region"() ({
      %run_scoped3A = tpu.sem_alloc : memref<!tpu.dma_semaphore, #tpu.memory_space<semaphore_mem>>
      %dma_start3A_161 = arith.constant 0 : i32
      %dma_start3A_162 = tpu.memref_slice %arg4[%add3A_112, %dma_start3A_161] : memref<2560x15360xf32, #tpu.memory_space<hbm>> -> memref<8x15360xf32, #tpu.memory_space<hbm>>
      %dma_start3A_163 = arith.constant 0 : i32
      %dma_start3A_164 = tpu.memref_slice %arg4[%add3A_112, %dma_start3A_163] : memref<2560x15360xf32, #tpu.memory_space<hbm>> -> memref<8x15360xf32, #tpu.memory_space<hbm>>
      tpu.enqueue_dma source(%arg6 : memref<8x15360xf32, #tpu.memory_space<vmem>>) target(%dma_start3A_164 : memref<8x15360xf32, #tpu.memory_space<hbm>>) target_semaphore(%run_scoped3A : memref<!tpu.dma_semaphore, #tpu.memory_space<semaphore_mem>>)
      %dma_wait3A_165 = arith.constant 0 : i32
      %dma_wait3A_166 = tpu.memref_slice %arg4[%add3A_112, %dma_wait3A_165] : memref<2560x15360xf32, #tpu.memory_space<hbm>> -> memref<8x15360xf32, #tpu.memory_space<hbm>>
      %dma_wait3A_167 = arith.constant 0 : i32
      %dma_wait3A_168 = tpu.memref_slice %arg4[%add3A_112, %dma_wait3A_167] : memref<2560x15360xf32, #tpu.memory_space<hbm>> -> memref<8x15360xf32, #tpu.memory_space<hbm>>
      tpu.wait_dma2 semaphore(%run_scoped3A : memref<!tpu.dma_semaphore, #tpu.memory_space<semaphore_mem>>) src(%arg6 : memref<8x15360xf32, #tpu.memory_space<vmem>>) dst(%dma_wait3A_168 : memref<8x15360xf32, #tpu.memory_space<hbm>>)
      tpu.yield
    }) : () -> ()
    %dma_start3A_113 = arith.constant 7 : i32
    %dma_start3A_114 = arith.constant 0 : i32
    %dma_start3A_115 = tpu.memref_slice %arg5[%dma_start3A_113, %dma_start3A_114] : memref<10x8xi32, #tpu.memory_space<vmem>> -> memref<1x8xi32, #tpu.memory_space<vmem>>
    %dma_start3A_116 = tpu.memref_squeeze %dma_start3A_115 : memref<1x8xi32, #tpu.memory_space<vmem>> -> memref<8xi32, #tpu.memory_space<vmem>>
    %dma_start3A_117 = arith.constant 0 : i32
    %dma_start3A_118 = arith.constant 0 : i32
    %dma_start3A_119 = tpu.memref_slice %arg2[%dma_start3A_117, %dma_start3A_118] : memref<5120x15360xf32, #tpu.memory_space<hbm>> -> memref<5120x15360xf32, #tpu.memory_space<hbm>>
    tpu.enqueue_indirect_dma source(%dma_start3A_119 : memref<5120x15360xf32, #tpu.memory_space<hbm>>) target(%arg6 : memref<8x15360xf32, #tpu.memory_space<vmem>>) offsets(%dma_start3A_116 : memref<8xi32, #tpu.memory_space<vmem>>) semaphore(%arg7 : memref<!tpu.dma_semaphore, #tpu.memory_space<semaphore_mem>>)
    %dma_wait3A_120 = arith.constant 7 : i32
    %dma_wait3A_121 = arith.constant 0 : i32
    %dma_wait3A_122 = tpu.memref_slice %arg5[%dma_wait3A_120, %dma_wait3A_121] : memref<10x8xi32, #tpu.memory_space<vmem>> -> memref<1x8xi32, #tpu.memory_space<vmem>>
    %dma_wait3A_123 = tpu.memref_squeeze %dma_wait3A_122 : memref<1x8xi32, #tpu.memory_space<vmem>> -> memref<8xi32, #tpu.memory_space<vmem>>
    %dma_wait3A_124 = arith.constant 0 : i32
    %dma_wait3A_125 = arith.constant 0 : i32
    %dma_wait3A_126 = tpu.memref_slice %arg2[%dma_wait3A_124, %dma_wait3A_125] : memref<5120x15360xf32, #tpu.memory_space<hbm>> -> memref<5120x15360xf32, #tpu.memory_space<hbm>>
    tpu.wait_indirect_dma semaphore(%arg7 : memref<!tpu.dma_semaphore, #tpu.memory_space<semaphore_mem>>) src(%dma_wait3A_126 : memref<5120x15360xf32, #tpu.memory_space<hbm>>) dst(%arg6 : memref<8x15360xf32, #tpu.memory_space<vmem>>)
    %add3A_127 = arith.constant 56 : i32
    %add3A_128 = arith.addi %mul3A_2, %add3A_127 : i32
    "tpu.region"() ({
      %run_scoped3A = tpu.sem_alloc : memref<!tpu.dma_semaphore, #tpu.memory_space<semaphore_mem>>
      %dma_start3A_161 = arith.constant 0 : i32
      %dma_start3A_162 = tpu.memref_slice %arg4[%add3A_128, %dma_start3A_161] : memref<2560x15360xf32, #tpu.memory_space<hbm>> -> memref<8x15360xf32, #tpu.memory_space<hbm>>
      %dma_start3A_163 = arith.constant 0 : i32
      %dma_start3A_164 = tpu.memref_slice %arg4[%add3A_128, %dma_start3A_163] : memref<2560x15360xf32, #tpu.memory_space<hbm>> -> memref<8x15360xf32, #tpu.memory_space<hbm>>
      tpu.enqueue_dma source(%arg6 : memref<8x15360xf32, #tpu.memory_space<vmem>>) target(%dma_start3A_164 : memref<8x15360xf32, #tpu.memory_space<hbm>>) target_semaphore(%run_scoped3A : memref<!tpu.dma_semaphore, #tpu.memory_space<semaphore_mem>>)
      %dma_wait3A_165 = arith.constant 0 : i32
      %dma_wait3A_166 = tpu.memref_slice %arg4[%add3A_128, %dma_wait3A_165] : memref<2560x15360xf32, #tpu.memory_space<hbm>> -> memref<8x15360xf32, #tpu.memory_space<hbm>>
      %dma_wait3A_167 = arith.constant 0 : i32
      %dma_wait3A_168 = tpu.memref_slice %arg4[%add3A_128, %dma_wait3A_167] : memref<2560x15360xf32, #tpu.memory_space<hbm>> -> memref<8x15360xf32, #tpu.memory_space<hbm>>
      tpu.wait_dma2 semaphore(%run_scoped3A : memref<!tpu.dma_semaphore, #tpu.memory_space<semaphore_mem>>) src(%arg6 : memref<8x15360xf32, #tpu.memory_space<vmem>>) dst(%dma_wait3A_168 : memref<8x15360xf32, #tpu.memory_space<hbm>>)
      tpu.yield
    }) : () -> ()
    %dma_start3A_129 = arith.constant 8 : i32
    %dma_start3A_130 = arith.constant 0 : i32
    %dma_start3A_131 = tpu.memref_slice %arg5[%dma_start3A_129, %dma_start3A_130] : memref<10x8xi32, #tpu.memory_space<vmem>> -> memref<1x8xi32, #tpu.memory_space<vmem>>
    %dma_start3A_132 = tpu.memref_squeeze %dma_start3A_131 : memref<1x8xi32, #tpu.memory_space<vmem>> -> memref<8xi32, #tpu.memory_space<vmem>>
    %dma_start3A_133 = arith.constant 0 : i32
    %dma_start3A_134 = arith.constant 0 : i32
    %dma_start3A_135 = tpu.memref_slice %arg2[%dma_start3A_133, %dma_start3A_134] : memref<5120x15360xf32, #tpu.memory_space<hbm>> -> memref<5120x15360xf32, #tpu.memory_space<hbm>>
    tpu.enqueue_indirect_dma source(%dma_start3A_135 : memref<5120x15360xf32, #tpu.memory_space<hbm>>) target(%arg6 : memref<8x15360xf32, #tpu.memory_space<vmem>>) offsets(%dma_start3A_132 : memref<8xi32, #tpu.memory_space<vmem>>) semaphore(%arg7 : memref<!tpu.dma_semaphore, #tpu.memory_space<semaphore_mem>>)
    %dma_wait3A_136 = arith.constant 8 : i32
    %dma_wait3A_137 = arith.constant 0 : i32
    %dma_wait3A_138 = tpu.memref_slice %arg5[%dma_wait3A_136, %dma_wait3A_137] : memref<10x8xi32, #tpu.memory_space<vmem>> -> memref<1x8xi32, #tpu.memory_space<vmem>>
    %dma_wait3A_139 = tpu.memref_squeeze %dma_wait3A_138 : memref<1x8xi32, #tpu.memory_space<vmem>> -> memref<8xi32, #tpu.memory_space<vmem>>
    %dma_wait3A_140 = arith.constant 0 : i32
    %dma_wait3A_141 = arith.constant 0 : i32
    %dma_wait3A_142 = tpu.memref_slice %arg2[%dma_wait3A_140, %dma_wait3A_141] : memref<5120x15360xf32, #tpu.memory_space<hbm>> -> memref<5120x15360xf32, #tpu.memory_space<hbm>>
    tpu.wait_indirect_dma semaphore(%arg7 : memref<!tpu.dma_semaphore, #tpu.memory_space<semaphore_mem>>) src(%dma_wait3A_142 : memref<5120x15360xf32, #tpu.memory_space<hbm>>) dst(%arg6 : memref<8x15360xf32, #tpu.memory_space<vmem>>)
    %add3A_143 = arith.constant 64 : i32
    %add3A_144 = arith.addi %mul3A_2, %add3A_143 : i32
    "tpu.region"() ({
      %run_scoped3A = tpu.sem_alloc : memref<!tpu.dma_semaphore, #tpu.memory_space<semaphore_mem>>
      %dma_start3A_161 = arith.constant 0 : i32
      %dma_start3A_162 = tpu.memref_slice %arg4[%add3A_144, %dma_start3A_161] : memref<2560x15360xf32, #tpu.memory_space<hbm>> -> memref<8x15360xf32, #tpu.memory_space<hbm>>
      %dma_start3A_163 = arith.constant 0 : i32
      %dma_start3A_164 = tpu.memref_slice %arg4[%add3A_144, %dma_start3A_163] : memref<2560x15360xf32, #tpu.memory_space<hbm>> -> memref<8x15360xf32, #tpu.memory_space<hbm>>
      tpu.enqueue_dma source(%arg6 : memref<8x15360xf32, #tpu.memory_space<vmem>>) target(%dma_start3A_164 : memref<8x15360xf32, #tpu.memory_space<hbm>>) target_semaphore(%run_scoped3A : memref<!tpu.dma_semaphore, #tpu.memory_space<semaphore_mem>>)
      %dma_wait3A_165 = arith.constant 0 : i32
      %dma_wait3A_166 = tpu.memref_slice %arg4[%add3A_144, %dma_wait3A_165] : memref<2560x15360xf32, #tpu.memory_space<hbm>> -> memref<8x15360xf32, #tpu.memory_space<hbm>>
      %dma_wait3A_167 = arith.constant 0 : i32
      %dma_wait3A_168 = tpu.memref_slice %arg4[%add3A_144, %dma_wait3A_167] : memref<2560x15360xf32, #tpu.memory_space<hbm>> -> memref<8x15360xf32, #tpu.memory_space<hbm>>
      tpu.wait_dma2 semaphore(%run_scoped3A : memref<!tpu.dma_semaphore, #tpu.memory_space<semaphore_mem>>) src(%arg6 : memref<8x15360xf32, #tpu.memory_space<vmem>>) dst(%dma_wait3A_168 : memref<8x15360xf32, #tpu.memory_space<hbm>>)
      tpu.yield
    }) : () -> ()
    %dma_start3A_145 = arith.constant 9 : i32
    %dma_start3A_146 = arith.constant 0 : i32
    %dma_start3A_147 = tpu.memref_slice %arg5[%dma_start3A_145, %dma_start3A_146] : memref<10x8xi32, #tpu.memory_space<vmem>> -> memref<1x8xi32, #tpu.memory_space<vmem>>
    %dma_start3A_148 = tpu.memref_squeeze %dma_start3A_147 : memref<1x8xi32, #tpu.memory_space<vmem>> -> memref<8xi32, #tpu.memory_space<vmem>>
    %dma_start3A_149 = arith.constant 0 : i32
    %dma_start3A_150 = arith.constant 0 : i32
    %dma_start3A_151 = tpu.memref_slice %arg2[%dma_start3A_149, %dma_start3A_150] : memref<5120x15360xf32, #tpu.memory_space<hbm>> -> memref<5120x15360xf32, #tpu.memory_space<hbm>>
    tpu.enqueue_indirect_dma source(%dma_start3A_151 : memref<5120x15360xf32, #tpu.memory_space<hbm>>) target(%arg6 : memref<8x15360xf32, #tpu.memory_space<vmem>>) offsets(%dma_start3A_148 : memref<8xi32, #tpu.memory_space<vmem>>) semaphore(%arg7 : memref<!tpu.dma_semaphore, #tpu.memory_space<semaphore_mem>>)
    %dma_wait3A_152 = arith.constant 9 : i32
    %dma_wait3A_153 = arith.constant 0 : i32
    %dma_wait3A_154 = tpu.memref_slice %arg5[%dma_wait3A_152, %dma_wait3A_153] : memref<10x8xi32, #tpu.memory_space<vmem>> -> memref<1x8xi32, #tpu.memory_space<vmem>>
    %dma_wait3A_155 = tpu.memref_squeeze %dma_wait3A_154 : memref<1x8xi32, #tpu.memory_space<vmem>> -> memref<8xi32, #tpu.memory_space<vmem>>
    %dma_wait3A_156 = arith.constant 0 : i32
    %dma_wait3A_157 = arith.constant 0 : i32
    %dma_wait3A_158 = tpu.memref_slice %arg2[%dma_wait3A_156, %dma_wait3A_157] : memref<5120x15360xf32, #tpu.memory_space<hbm>> -> memref<5120x15360xf32, #tpu.memory_space<hbm>>
    tpu.wait_indirect_dma semaphore(%arg7 : memref<!tpu.dma_semaphore, #tpu.memory_space<semaphore_mem>>) src(%dma_wait3A_158 : memref<5120x15360xf32, #tpu.memory_space<hbm>>) dst(%arg6 : memref<8x15360xf32, #tpu.memory_space<vmem>>)
    %add3A_159 = arith.constant 72 : i32
    %add3A_160 = arith.addi %mul3A_2, %add3A_159 : i32
    "tpu.region"() ({
      %run_scoped3A = tpu.sem_alloc : memref<!tpu.dma_semaphore, #tpu.memory_space<semaphore_mem>>
      %dma_start3A_161 = arith.constant 0 : i32
      %dma_start3A_162 = tpu.memref_slice %arg4[%add3A_160, %dma_start3A_161] : memref<2560x15360xf32, #tpu.memory_space<hbm>> -> memref<8x15360xf32, #tpu.memory_space<hbm>>
      %dma_start3A_163 = arith.constant 0 : i32
      %dma_start3A_164 = tpu.memref_slice %arg4[%add3A_160, %dma_start3A_163] : memref<2560x15360xf32, #tpu.memory_space<hbm>> -> memref<8x15360xf32, #tpu.memory_space<hbm>>
      tpu.enqueue_dma source(%arg6 : memref<8x15360xf32, #tpu.memory_space<vmem>>) target(%dma_start3A_164 : memref<8x15360xf32, #tpu.memory_space<hbm>>) target_semaphore(%run_scoped3A : memref<!tpu.dma_semaphore, #tpu.memory_space<semaphore_mem>>)
      %dma_wait3A_165 = arith.constant 0 : i32
      %dma_wait3A_166 = tpu.memref_slice %arg4[%add3A_160, %dma_wait3A_165] : memref<2560x15360xf32, #tpu.memory_space<hbm>> -> memref<8x15360xf32, #tpu.memory_space<hbm>>
      %dma_wait3A_167 = arith.constant 0 : i32
      %dma_wait3A_168 = tpu.memref_slice %arg4[%add3A_160, %dma_wait3A_167] : memref<2560x15360xf32, #tpu.memory_space<hbm>> -> memref<8x15360xf32, #tpu.memory_space<hbm>>
      tpu.wait_dma2 semaphore(%run_scoped3A : memref<!tpu.dma_semaphore, #tpu.memory_space<semaphore_mem>>) src(%arg6 : memref<8x15360xf32, #tpu.memory_space<vmem>>) dst(%dma_wait3A_168 : memref<8x15360xf32, #tpu.memory_space<hbm>>)
      tpu.yield
    }) : () -> ()
    return
  }
}

module attributes {stable_mosaic.version = 14 : i64} {
  func.func @_sim_topk_body(%arg0: i32, %arg1: memref<196x8x768xf32, #tpu.memory_space<vmem>>, %arg2: memref<512x768xf32, #tpu.memory_space<vmem>>, %arg3: memref<8x512xf32, #tpu.memory_space<vmem>>, %arg4: memref<8x4xi32, #tpu.memory_space<vmem>>) attributes {dimension_semantics = [#tpu.dimension_semantics<arbitrary>], iteration_bounds = array<i64: 8>, scalar_prefetch = 0 : i64, scratch_operands = 0 : i64, tpu.core_type = #tpu.core_type<tc>, window_params = [{transform_indices = @transform_0, window_bounds = array<i64: 196, 8, 768>}, {pipeline_mode = #tpu.pipeline_mode<synchronous>, transform_indices = @transform_1, window_bounds = array<i64: 512, 768>}, {transform_indices = @transform_2, window_bounds = array<i64: 8, 512>}, {transform_indices = @transform_3, window_bounds = array<i64: 8, 4>}]} {
    %get3A = arith.constant 0 : index
    %get3A_0 = arith.constant 0 : index
    %get3A_1 = arith.constant 0 : index
    %get3A_2 = vector.load %arg1[%get3A, %get3A_0, %get3A_1] : memref<196x8x768xf32, #tpu.memory_space<vmem>>, vector<196x8x768xf32>
    %reduce_sum3A = arith.constant dense<0.000000e+00> : vector<8x768xf32>
    %reduce_sum3A_3 = vector.multi_reduction <add>, %get3A_2, %reduce_sum3A [0] : vector<196x8x768xf32> to vector<8x768xf32>
    %div3A = arith.constant 1.960000e+02 : f32
    %div3A_4 = vector.broadcast %div3A : f32 to vector<8x768xf32>
    %div3A_5 = arith.divf %reduce_sum3A_3, %div3A_4 : vector<8x768xf32>
    %mul3A = arith.mulf %div3A_5, %div3A_5 : vector<8x768xf32>
    %reduce_sum3A_6 = arith.constant dense<0.000000e+00> : vector<8xf32>
    %reduce_sum3A_7 = vector.multi_reduction <add>, %mul3A, %reduce_sum3A_6 [1] : vector<8x768xf32> to vector<8xf32>
    %broadcast_in_dim3A = vector.shape_cast %reduce_sum3A_7 : vector<8xf32> to vector<8x1xf32>
    %max3A = arith.constant 9.99999996E-13 : f32
    %max3A_8 = vector.broadcast %max3A : f32 to vector<8x1xf32>
    %max3A_9 = arith.maximumf %broadcast_in_dim3A, %max3A_8 : vector<8x1xf32>
    %rsqrt3A = math.rsqrt %max3A_9 : vector<8x1xf32>
    %mul3A_10 = vector.broadcast %rsqrt3A : vector<8x1xf32> to vector<8x768xf32>
    %mul3A_11 = arith.mulf %div3A_5, %mul3A_10 : vector<8x768xf32>
    %get3A_12 = arith.constant 0 : index
    %get3A_13 = arith.constant 0 : index
    %get3A_14 = vector.load %arg2[%get3A_12, %get3A_13] : memref<512x768xf32, #tpu.memory_space<vmem>>, vector<512x768xf32>
    %mul3A_15 = arith.mulf %get3A_14, %get3A_14 : vector<512x768xf32>
    %reduce_sum3A_16 = arith.constant dense<0.000000e+00> : vector<512xf32>
    %reduce_sum3A_17 = vector.multi_reduction <add>, %mul3A_15, %reduce_sum3A_16 [1] : vector<512x768xf32> to vector<512xf32>
    %broadcast_in_dim3A_18 = vector.shape_cast %reduce_sum3A_17 : vector<512xf32> to vector<512x1xf32>
    %max3A_19 = arith.constant 9.99999996E-13 : f32
    %max3A_20 = vector.broadcast %max3A_19 : f32 to vector<512x1xf32>
    %max3A_21 = arith.maximumf %broadcast_in_dim3A_18, %max3A_20 : vector<512x1xf32>
    %rsqrt3A_22 = math.rsqrt %max3A_21 : vector<512x1xf32>
    %mul3A_23 = vector.broadcast %rsqrt3A_22 : vector<512x1xf32> to vector<512x768xf32>
    %mul3A_24 = arith.mulf %get3A_14, %mul3A_23 : vector<512x768xf32>
    %transpose3A = tpu.transpose %mul3A_24, [1, 0] : vector<512x768xf32> -> vector<768x512xf32>
    %dot_general3A = arith.constant dense<0.000000e+00> : vector<8x512xf32>
    %dot_general3A_25 = tpu.matmul %mul3A_11, %transpose3A, %dot_general3A {dimension_numbers = #tpu.dot_dimension_numbers<[1], [0], [0], [1], [0, 0, 1, 1], [], []>, transpose_lhs_hint = false} : vector<8x768xf32>, vector<768x512xf32>, vector<8x512xf32> -> vector<8x512xf32>
    %swap3A = arith.constant 0 : index
    %swap3A_26 = arith.constant 0 : index
    %swap3A_27 = vector.load %arg3[%swap3A, %swap3A_26] : memref<8x512xf32, #tpu.memory_space<vmem>>, vector<8x512xf32>
    tpu.vector_store %arg3[%swap3A, %swap3A_26], %dot_general3A_25 {strides = array<i32>} : memref<8x512xf32, #tpu.memory_space<vmem>>, vector<8x512xf32>,
    %iota3A = tpu.iota {dimensions = array<i32: 1>} : vector<8x512xi32>
    %reduce_max3A = arith.constant dense<0xFF800000> : vector<8xf32>
    %reduce_max3A_28 = vector.multi_reduction <maximumf>, %dot_general3A_25, %reduce_max3A [1] : vector<8x512xf32> to vector<8xf32>
    %broadcast_in_dim3A_29 = vector.shape_cast %reduce_max3A_28 : vector<8xf32> to vector<8x1xf32>
    %eq3A = vector.broadcast %broadcast_in_dim3A_29 : vector<8x1xf32> to vector<8x512xf32>
    %eq3A_30 = arith.cmpf oeq, %dot_general3A_25, %eq3A : vector<8x512xf32>
    %jit3A = arith.constant 512 : i32
    %broadcast_in_dim3A_31 = vector.broadcast %jit3A : i32 to vector<8x512xi32>
    %select_n3A = arith.select %eq3A_30, %iota3A, %broadcast_in_dim3A_31 : vector<8x512xi1>, vector<8x512xi32>
    %reduce_min3A = arith.constant dense<2147483647> : vector<8xi32>
    %reduce_min3A_32 = vector.multi_reduction <minsi>, %select_n3A, %reduce_min3A [1] : vector<8x512xi32> to vector<8xi32>
    %broadcast_in_dim3A_33 = vector.shape_cast %reduce_min3A_32 : vector<8xi32> to vector<8x1xi32>
    %broadcast_in_dim3A_34 = vector.shape_cast %reduce_min3A_32 : vector<8xi32> to vector<8x1xi32>
    %eq3A_35 = vector.broadcast %broadcast_in_dim3A_34 : vector<8x1xi32> to vector<8x512xi32>
    %eq3A_36 = arith.cmpi eq, %iota3A, %eq3A_35 : vector<8x512xi32>
    %jit3A_37 = arith.constant 0xFF800000 : f32
    %broadcast_in_dim3A_38 = vector.broadcast %jit3A_37 : f32 to vector<8x512xf32>
    %select_n3A_39 = arith.select %eq3A_36, %broadcast_in_dim3A_38, %dot_general3A_25 : vector<8x512xi1>, vector<8x512xf32>
    %reduce_max3A_40 = arith.constant dense<0xFF800000> : vector<8xf32>
    %reduce_max3A_41 = vector.multi_reduction <maximumf>, %select_n3A_39, %reduce_max3A_40 [1] : vector<8x512xf32> to vector<8xf32>
    %broadcast_in_dim3A_42 = vector.shape_cast %reduce_max3A_41 : vector<8xf32> to vector<8x1xf32>
    %eq3A_43 = vector.broadcast %broadcast_in_dim3A_42 : vector<8x1xf32> to vector<8x512xf32>
    %eq3A_44 = arith.cmpf oeq, %select_n3A_39, %eq3A_43 : vector<8x512xf32>
    %jit3A_45 = arith.constant 512 : i32
    %broadcast_in_dim3A_46 = vector.broadcast %jit3A_45 : i32 to vector<8x512xi32>
    %select_n3A_47 = arith.select %eq3A_44, %iota3A, %broadcast_in_dim3A_46 : vector<8x512xi1>, vector<8x512xi32>
    %reduce_min3A_48 = arith.constant dense<2147483647> : vector<8xi32>
    %reduce_min3A_49 = vector.multi_reduction <minsi>, %select_n3A_47, %reduce_min3A_48 [1] : vector<8x512xi32> to vector<8xi32>
    %broadcast_in_dim3A_50 = vector.shape_cast %reduce_min3A_49 : vector<8xi32> to vector<8x1xi32>
    %broadcast_in_dim3A_51 = vector.shape_cast %reduce_min3A_49 : vector<8xi32> to vector<8x1xi32>
    %eq3A_52 = vector.broadcast %broadcast_in_dim3A_51 : vector<8x1xi32> to vector<8x512xi32>
    %eq3A_53 = arith.cmpi eq, %iota3A, %eq3A_52 : vector<8x512xi32>
    %jit3A_54 = arith.constant 0xFF800000 : f32
    %broadcast_in_dim3A_55 = vector.broadcast %jit3A_54 : f32 to vector<8x512xf32>
    %select_n3A_56 = arith.select %eq3A_53, %broadcast_in_dim3A_55, %select_n3A_39 : vector<8x512xi1>, vector<8x512xf32>
    %reduce_max3A_57 = arith.constant dense<0xFF800000> : vector<8xf32>
    %reduce_max3A_58 = vector.multi_reduction <maximumf>, %select_n3A_56, %reduce_max3A_57 [1] : vector<8x512xf32> to vector<8xf32>
    %broadcast_in_dim3A_59 = vector.shape_cast %reduce_max3A_58 : vector<8xf32> to vector<8x1xf32>
    %eq3A_60 = vector.broadcast %broadcast_in_dim3A_59 : vector<8x1xf32> to vector<8x512xf32>
    %eq3A_61 = arith.cmpf oeq, %select_n3A_56, %eq3A_60 : vector<8x512xf32>
    %jit3A_62 = arith.constant 512 : i32
    %broadcast_in_dim3A_63 = vector.broadcast %jit3A_62 : i32 to vector<8x512xi32>
    %select_n3A_64 = arith.select %eq3A_61, %iota3A, %broadcast_in_dim3A_63 : vector<8x512xi1>, vector<8x512xi32>
    %reduce_min3A_65 = arith.constant dense<2147483647> : vector<8xi32>
    %reduce_min3A_66 = vector.multi_reduction <minsi>, %select_n3A_64, %reduce_min3A_65 [1] : vector<8x512xi32> to vector<8xi32>
    %broadcast_in_dim3A_67 = vector.shape_cast %reduce_min3A_66 : vector<8xi32> to vector<8x1xi32>
    %broadcast_in_dim3A_68 = vector.shape_cast %reduce_min3A_66 : vector<8xi32> to vector<8x1xi32>
    %eq3A_69 = vector.broadcast %broadcast_in_dim3A_68 : vector<8x1xi32> to vector<8x512xi32>
    %eq3A_70 = arith.cmpi eq, %iota3A, %eq3A_69 : vector<8x512xi32>
    %jit3A_71 = arith.constant 0xFF800000 : f32
    %broadcast_in_dim3A_72 = vector.broadcast %jit3A_71 : f32 to vector<8x512xf32>
    %select_n3A_73 = arith.select %eq3A_70, %broadcast_in_dim3A_72, %select_n3A_56 : vector<8x512xi1>, vector<8x512xf32>
    %reduce_max3A_74 = arith.constant dense<0xFF800000> : vector<8xf32>
    %reduce_max3A_75 = vector.multi_reduction <maximumf>, %select_n3A_73, %reduce_max3A_74 [1] : vector<8x512xf32> to vector<8xf32>
    %broadcast_in_dim3A_76 = vector.shape_cast %reduce_max3A_75 : vector<8xf32> to vector<8x1xf32>
    %eq3A_77 = vector.broadcast %broadcast_in_dim3A_76 : vector<8x1xf32> to vector<8x512xf32>
    %eq3A_78 = arith.cmpf oeq, %select_n3A_73, %eq3A_77 : vector<8x512xf32>
    %jit3A_79 = arith.constant 512 : i32
    %broadcast_in_dim3A_80 = vector.broadcast %jit3A_79 : i32 to vector<8x512xi32>
    %select_n3A_81 = arith.select %eq3A_78, %iota3A, %broadcast_in_dim3A_80 : vector<8x512xi1>, vector<8x512xi32>
    %reduce_min3A_82 = arith.constant dense<2147483647> : vector<8xi32>
    %reduce_min3A_83 = vector.multi_reduction <minsi>, %select_n3A_81, %reduce_min3A_82 [1] : vector<8x512xi32> to vector<8xi32>
    %broadcast_in_dim3A_84 = vector.shape_cast %reduce_min3A_83 : vector<8xi32> to vector<8x1xi32>
    %concatenate3A = tpu.concatenate %broadcast_in_dim3A_33, %broadcast_in_dim3A_50, %broadcast_in_dim3A_67, %broadcast_in_dim3A_84 in 1 : vector<8x1xi32>, vector<8x1xi32>, vector<8x1xi32>, vector<8x1xi32> -> vector<8x4xi32>
    %swap3A_85 = arith.constant 0 : index
    %swap3A_86 = arith.constant 0 : index
    %swap3A_87 = vector.load %arg4[%swap3A_85, %swap3A_86] : memref<8x4xi32, #tpu.memory_space<vmem>>, vector<8x4xi32>
    tpu.vector_store %arg4[%swap3A_85, %swap3A_86], %concatenate3A {strides = array<i32>} : memref<8x4xi32, #tpu.memory_space<vmem>>, vector<8x4xi32>,
    return
  }
  func.func @transform_0(%arg0: i32) -> (i32, i32, i32) {
    %c0_i32 = arith.constant 0 : i32
    %c0_i32_0 = arith.constant 0 : i32
    %c0_i32_1 = arith.constant 0 : i32
    return %c0_i32, %arg0, %c0_i32_0 : i32, i32, i32
  }
  func.func @transform_1(%arg0: i32) -> (i32, i32) {
    %c0_i32 = arith.constant 0 : i32
    %c0_i32_0 = arith.constant 0 : i32
    %c0_i32_1 = arith.constant 0 : i32
    return %c0_i32, %c0_i32_0 : i32, i32
  }
  func.func @transform_2(%arg0: i32) -> (i32, i32) {
    %c0_i32 = arith.constant 0 : i32
    %c0_i32_0 = arith.constant 0 : i32
    return %arg0, %c0_i32 : i32, i32
  }
  func.func @transform_3(%arg0: i32) -> (i32, i32) {
    %c0_i32 = arith.constant 0 : i32
    %c0_i32_0 = arith.constant 0 : i32
    return %arg0, %c0_i32 : i32, i32
  }
}

module attributes {stable_mosaic.version = 14 : i64} {
  func.func @_transpose_body(%arg0: i32, %arg1: i32, %arg2: i32, %arg3: memref<1x1x20x768x128xf32, #tpu.memory_space<vmem>>, %arg4: memref<1x1x128x15360xf32, #tpu.memory_space<vmem>>) attributes {dimension_semantics = [#tpu.dimension_semantics<arbitrary>, #tpu.dimension_semantics<arbitrary>, #tpu.dimension_semantics<arbitrary>], iteration_bounds = array<i64: 5, 2, 4>, scalar_prefetch = 0 : i64, scratch_operands = 0 : i64, tpu.core_type = #tpu.core_type<tc>, window_params = [{transform_indices = @transform_0, window_bounds = array<i64: 1, 1, 20, 768, 128>}, {transform_indices = @transform_1, window_bounds = array<i64: 1, 1, 128, 15360>}]} {
    %get3A = arith.constant 0 : index
    %get3A_0 = arith.constant 0 : index
    %get3A_1 = arith.constant 0 : index
    %get3A_2 = arith.constant 0 : index
    %get3A_3 = arith.constant 0 : index
    %get3A_4 = vector.load %arg3[%get3A, %get3A_0, %get3A_1, %get3A_2, %get3A_3] : memref<1x1x20x768x128xf32, #tpu.memory_space<vmem>>, vector<1x1x20x768x128xf32>
    %get3A_5 = vector.shape_cast %get3A_4 : vector<1x1x20x768x128xf32> to vector<20x768x128xf32>
    %reshape3A = vector.shape_cast %get3A_5 : vector<20x768x128xf32> to vector<15360x128xf32>
    %transpose3A = tpu.transpose %reshape3A, [1, 0] : vector<15360x128xf32> -> vector<128x15360xf32>
    %swap3A = arith.constant 0 : index
    %swap3A_6 = arith.constant 0 : index
    %swap3A_7 = arith.constant 0 : index
    %swap3A_8 = arith.constant 0 : index
    %swap3A_9 = vector.load %arg4[%swap3A, %swap3A_6, %swap3A_7, %swap3A_8] : memref<1x1x128x15360xf32, #tpu.memory_space<vmem>>, vector<1x1x128x15360xf32>
    %swap3A_10 = vector.shape_cast %swap3A_9 : vector<1x1x128x15360xf32> to vector<128x15360xf32>
    %swap3A_11 = vector.shape_cast %transpose3A : vector<128x15360xf32> to vector<1x1x128x15360xf32>
    tpu.vector_store %arg4[%swap3A, %swap3A_6, %swap3A_7, %swap3A_8], %swap3A_11 {strides = array<i32>} : memref<1x1x128x15360xf32, #tpu.memory_space<vmem>>, vector<1x1x128x15360xf32>,
    return
  }
  func.func @transform_0(%arg0: i32, %arg1: i32, %arg2: i32) -> (i32, i32, i32, i32, i32) {
    %c0_i32 = arith.constant 0 : i32
    %c0_i32_0 = arith.constant 0 : i32
    %c0_i32_1 = arith.constant 0 : i32
    return %arg0, %arg1, %c0_i32, %c0_i32_0, %arg2 : i32, i32, i32, i32, i32
  }
  func.func @transform_1(%arg0: i32, %arg1: i32, %arg2: i32) -> (i32, i32, i32, i32) {
    %c0_i32 = arith.constant 0 : i32
    %c0_i32_0 = arith.constant 0 : i32
    return %arg0, %arg1, %arg2, %c0_i32 : i32, i32, i32, i32
  }
}

</mosaic_0001>

<sc_bundles>
// kernel: kernel.5.cloned.1.call-start
scs
__scs_entry_jumppad:
0x0: {  	(pc) =	sbr.rel $0x88, $3  }
0x1: {  	(tag) =	ssettag $0x0;
	lr =	simm.s32 $0x1  }
0x2: {  	[smem:$0x3F9E] =	sst lr;
	_ =	strace $0xD0000000  }
0x3: {  	_ = 	snop  }
0x4: {  	_ = 	snop  }
0x5: {  	_ = 	snop  }
0x6: {  	_ = 	snop  }
0x7: {  	_ = 	snop  }
__scs_overlays_trampoline_lowered:
0x8: {  	[smem:$0x3FAD] =	sst s0  }
0x9: {  	[smem:$0x3FAE] =	sst s1  }
0xa: {  	[smem:$0x3FAF] =	sst s2  }
0xb: {  	[smem:$0x3FB0] =	sst s3  }
0xc: {  	[smem:$0x3FB1] =	sst s4  }
0xd: {  	[smem:$0x3FB2] =	sst s5  }
0xe: {  	[smem:$0x3FB3] =	sst s6  }
0xf: {  	[smem:$0x3FB4] =	sst s7  }
0x10: {  	[smem:$0x3FB5] =	sst s8  }
0x11: {  	[smem:$0x3FB6] =	sst s9;
	s0 =	simm.s32 @!p0 $0x0  }
0x12: {  	s1 =	sld [smem:$0x3F9C];
	s0 =	simm.s32 @p0 $0x1  }
0x13: {  	[smem:$0x3FB7] =	sst s0;
	s0 =	simm.s32 @!p1 $0x0  }
0x14: {  	s2 =	sld [smem:$0x3F9B];
	s0 =	simm.s32 @p1 $0x1  }
0x15: {  	[smem:$0x3FB8] =	sst s0;
	s0 =	simm.s32 @!p2 $0x0  }
0x16: {  	s3 =	sld [smem:$0x3FDB];
	s0 =	simm.s32 @p2 $0x1  }
0x17: {  	s4 =	simm.s32 $0x1BF5;
	[smem:$0x3FBA] =	sst s0  }
0x18: {  	s0 =	sld [smem:$0x3F9D];
	_ =	swait.ge [sflag:s4], $0x0  }
0x19: {  	s7 =	sld [smem:$0x3F9E]  }
0x1a: {  	s8 =	sadd.s32 $0xFFFFE003, lr  }
0x1b: {  	s9 =	sadd.s32 $0xFFFFFEF7, lr;
	s5 =	simm.s32 $0xFFFFFFFF;
	p2 =	slt.u32 s8, $0xFFFFF086  }
0x1c: {  	p1 =	slt.u32 s9, $0xF7A;
	s5 =	simm.s32 @!p2 $0x0  }
0x1d: {  	s5 =	simm.s32 @p1 $0x1;
	p0 =	seq.s32 s7, s2  }
0x1e: {  	s7 =	smul.u32 @!p0 $0xF7A, s2;
	p2 =	seq.s32 @!p0 s5, $0x0  }
0x1f: {  	s9 =	smul.u32 $0xF7A, s1;
	s8 =	simm.s32 @!p0 $0x1BF5;
	p2 =	por !p2, p0  }
0x20: {  	[sflag:s8] =	ssyncset.s32 @!p0 $0xFFFFF086;
	s6 =	sadd.s32 @!p0 s3, s7;
	s7 =	simm.s32 @!p0 $0x108  }
0x21: {  	s3 =	sadd.s32 s3, s9;
	s6 =	sadd.s32 @!p0 $0x88, s6;
	s7 =	simm.s32 @p2 $0x1082  }
0x22: {  	[simem:s7], [sflag:s8] =	dma.local @!p0 [hbm:s6], $0xF7A  }
0x23: {  	s9 =	sor.u32 $0xD0000000, s2;
	s6 =	simm.s32 $0x108;
	_ =	swait.ge @!p0 [sflag:s8], $0x0  }
0x24: {  	s3 =	sadd.s32 $0x88, s3;
	s6 =	simm.s32 @!p1 $0x1082;
	[sflag:s4] =	ssyncset.s32 $0xFFFFF086  }
0x25: {  	[simem:s6], [sflag:s4] =	dma.local [hbm:s3], $0xF7A  }
0x26: {  	[smem:$0x3F9E] =	sst s1;
	(tag) =	ssettag s2;
	_ =	strace s9  }
0x27: {  	s1 =	sld [smem:$0x3FAE]  }
0x28: {  	s2 =	sld [smem:$0x3FAF]  }
0x29: {  	s4 =	sld [smem:$0x3FB1]  }
0x2a: {  	p0 =	seq.s32 s5, $0x0;
	s5 =	sld [smem:$0x3FB2]  }
0x2b: {  	s6 =	sld [smem:$0x3FB3]  }
0x2c: {  	s7 =	sld [smem:$0x3FB4]  }
0x2d: {  	s3 =	simm.s32 $0x108;
	s8 =	sld [smem:$0x3FB5]  }
0x2e: {  	s3 =	simm.s32 @!p0 $0x1082;
	s9 =	sld [smem:$0x3FB6]  }
0x2f: {  	lr =	sadd.s32 s0, s3;
	s0 =	sld [smem:$0x3FAD]  }
0x30: {  	s3 =	sld [smem:$0x3FB0]  }
0x31: {  	[smem:$0x3FB9] =	sst s10  }
0x32: {  	s10 =	sld [smem:$0x3FB7];
	_ =	sdelay $0x3  }
0x33: {  	p0 =	seq.s32 s10, $0x1;
	s10 =	sld [smem:$0x3FB9];
	_ =	sdelay $0x3  }
0x34: {  	[smem:$0x3FB9] =	sst s10  }
0x35: {  	s10 =	sld [smem:$0x3FB8];
	_ =	sdelay $0x3  }
0x36: {  	p1 =	seq.s32 s10, $0x1;
	s10 =	sld [smem:$0x3FB9];
	_ =	sdelay $0x3  }
0x37: {  	[smem:$0x3FB9] =	sst s10  }
0x38: {  	s10 =	sld [smem:$0x3FBA]  }
0x39: {  	_ = 	snop;
	(pc) =	sbr.ind lr, $3  }
0x3a: {  	_ = 	snop  }
0x3b: {  	_ = 	snop  }
0x3c: {  	p2 =	seq.s32 s10, $0x1;
	s10 =	sld [smem:$0x3FB9]  }
0x3d: {  	_ =	shalt  }
0x3e: {  	_ =	shalt  }
0x3f: {  	_ =	shalt  }
0x40: {  	_ =	shalt  }
0x41: {  	_ =	shalt  }
0x42: {  	_ =	shalt  }
0x43: {  	_ =	shalt  }
0x44: {  	_ =	shalt  }
0x45: {  	_ =	shalt  }
0x46: {  	_ =	shalt  }
0x47: {  	_ =	shalt  }
0x48: {  	_ =	shalt  }
0x49: {  	_ =	shalt  }
0x4a: {  	_ =	shalt  }
0x4b: {  	_ =	shalt  }
0x4c: {  	_ =	shalt  }
0x4d: {  	_ =	shalt  }
0x4e: {  	_ =	shalt  }
0x4f: {  	_ =	shalt  }
0x50: {  	_ =	shalt  }
0x51: {  	_ =	shalt  }
0x52: {  	_ =	shalt  }
0x53: {  	_ =	shalt  }
0x54: {  	_ =	shalt  }
0x55: {  	_ =	shalt  }
0x56: {  	_ =	shalt  }
0x57: {  	_ =	shalt  }
0x58: {  	_ =	shalt  }
0x59: {  	_ =	shalt  }
0x5a: {  	_ =	shalt  }
0x5b: {  	_ =	shalt  }
0x5c: {  	_ =	shalt  }
0x5d: {  	_ =	shalt  }
0x5e: {  	_ =	shalt  }
0x5f: {  	_ =	shalt  }
0x60: {  	_ =	shalt  }
0x61: {  	_ =	shalt  }
0x62: {  	_ =	shalt  }
0x63: {  	_ =	shalt  }
0x64: {  	_ =	shalt  }
0x65: {  	_ =	shalt  }
0x66: {  	_ =	shalt  }
0x67: {  	_ =	shalt  }
0x68: {  	_ =	shalt  }
0x69: {  	_ =	shalt  }
0x6a: {  	_ =	shalt  }
0x6b: {  	_ =	shalt  }
0x6c: {  	_ =	shalt  }
0x6d: {  	_ =	shalt  }
0x6e: {  	_ =	shalt  }
0x6f: {  	_ =	shalt  }
0x70: {  	_ =	shalt  }
0x71: {  	_ =	shalt  }
0x72: {  	_ =	shalt  }
0x73: {  	_ =	shalt  }
0x74: {  	_ =	shalt  }
0x75: {  	_ =	shalt  }
0x76: {  	_ =	shalt  }
0x77: {  	_ =	shalt  }
0x78: {  	_ =	shalt  }
0x79: {  	_ =	shalt  }
0x7a: {  	_ =	shalt  }
0x7b: {  	_ =	shalt  }
0x7c: {  	_ =	shalt  }
0x7d: {  	_ =	shalt  }
0x7e: {  	_ =	shalt  }
0x7f: {  	_ =	shalt  }
0x80: {  	_ =	shalt  }
0x81: {  	_ =	shalt  }
0x82: {  	_ =	shalt  }
0x83: {  	_ =	shalt  }
0x84: {  	_ =	shalt  }
0x85: {  	_ =	shalt  }
0x86: {  	_ =	shalt  }
0x87: {  	_ =	shalt  }
.Lfunc_end0:
.L_simem_size_0:
called_computation.1_lowered:
.L_overlay_start_0:
0x88: {  	s2 =	sld [smem:$0x3FD9]  }
0x89: {  	s3 =	sld [smem:$0x3FFE];
	_ =	sdelay $0x1  }
0x8a: {  	s1 =	srdreg.scid  }
0x8b: {  	s0 =	sand.u32 $0x1, s1  }
0x8c: {  	s14 =	sshll.u32 s0, $0xA;
	s2 =	sadd.s32 s3, s2  }
0x8d: {  	s2 =	sadd.s32 s2, s14  }
0x8e: {  	[smem:$0x3FC5] =	sst s2  }
0x8f: {  	_ = 	snop  }
0x90: {  	s2 =	sld [smem:$0x3FD0];
	_ =	sdelay $0x2  }
0x91: {  	s15 =	simm.s32 $0xA;
	s4 =	simm.s32 $0x10  }
0x92: {  	[smem:s4], [sflag:s15] =	dma.local [hbm:s2], $0x1  }
0x93: {  	_ =	swait.eq [sflag:s15], $0x1  }
0x94: {  	[sflag:s15] =	ssyncset.done $0x0  }
0x95: {  	[sflag:s15] =	ssyncadd.s32 $0xFFFFFFFF  }
0x96: {  	s16 =	sld [smem:$0x10];
	(tm) =	ssettm $0x1  }
0x97: {  	s17 =	sld [smem:$0x3FFB];
	_ =	sdelay $0x3  }
0x98: {  	_ =	strace s17  }
0x99: {  	s3 =	sld [smem:$0x3FFC];
	_ =	sdelay $0x3  }
0x9a: {  	_ =	strace s3  }
0x9b: {  	s3 =	sld [smem:$0x3FFD];
	_ =	sdelay $0x3  }
0x9c: {  	_ =	strace s3  }
0x9d: {  	_ =	strace $0x8FFFFFFF  }
0x9e: {  	s18 =	sld [smem:$0x3FDB];
	_ =	sdelay $0x1  }
0x9f: {  	s19 =	simm.s32 $_scs_section_size  }
0xa0: {  	s5 =	simm.s32 $_size__tile_overlayer_lowered;
	s6 =	simm.s32 $_tile_overlayer_lowered  }
0xa1: {  	s22 =	simm.s32 $0x1BFF;
	s21 =	sshll.u32 s6, $0x1;
	s3 =	sadd.s32 s19, s18  }
0xa2: {  	s7 =	simm.s32 $0x0;
	s20 =	sshll.u32 s5, $0x1;
	s5 =	sadd.s32 s21, s3  }
0xa3: {  	[timem:s7], [sflag:s22] =	dma.local [hbm:s5], s20  }
0xa4: {  	_ =	swait.ge [sflag:s22], s20  }
0xa5: {  	s4 =	ssub.s32 $0x0, s20;
	[sflag:s22] =	ssyncset.done $0x0  }
0xa6: {  	[sflag:s22] =	ssyncadd.s32 s4;
	_ =	sdelay $0x1  }
0xa7: {  	s23 =	simm.s32 $0x1B8B  }
0xa8: {  	_ =	swait.ge [sflag:s23], $0x1  }
0xa9: {  	[sflag:s23] =	ssyncset.done $0x0  }
0xaa: {  	s25 =	simm.s32 $0x1B8E;
	s24 =	sld [smem:$0x3FFE];
	[sflag:s23] =	ssyncadd.s32 $0xFFFFFFFF  }
0xab: {  	s26 =	simm.s32 $execute0_lowered;
	[smem:$0x3FD2] =	sst s25  }
0xac: {  	s5 =	sshll.u32 s26, $0x1;
	_ =	strace $0x80000046;
	[dreg:$0x1] =	wrdreg $0xFFFFFFFF  }
0xad: {  	s28 =	simm.s32 $_size_execute0_lowered;
	s3 =	sadd.s32 s3, s5;
	[dreg:$0x0] =	wrdreg $0x0  }
0xae: {  	s5 =	sshll.u32 s28, $0x1;
	[dreg:$0x2] =	wrdreg s3  }
0xaf: {  	[dreg:$0x3] =	wrdreg s5  }
0xb0: {  	[dreg:$0x4] =	wrdreg $0xC0  }
0xb1: {  	_ =	task [dreg:s7], $0x5FFFF  }
0xb2: {  	[dreg:$0x1] =	wrdreg $0xFFFFFFFF  }
0xb3: {  	[dreg:$0x0] =	wrdreg $0x60  }
0xb4: {  	[dreg:$0x2] =	wrdreg s24  }
0xb5: {  	[dreg:$0x3] =	wrdreg s16  }
0xb6: {  	[dreg:$0x4] =	wrdreg $0x9  }
0xb7: {  	_ =	task.clear_ibuf [dreg:s7], $0x5FFFF;
	_ =	strace $0x90000046  }
0xb8: {  	s29 =	simm.s32 $0x9;
	_ =	strace $0x80000048  }
0xb9: {  	_ =	swait.ge [sflag:s29], $0x1  }
0xba: {  	[sflag:s29] =	ssyncadd.s32 $0xFFFFFFFF  }
0xbb: {  	_ =	strace $0x90000048  }
0xbc: {  	_ =	sfence  }
0xbd: {  	s30 =	sld [smem:$0x0];
	_ =	sdelay $0x2  }
0xbe: {  	s31 =	sshll.u32 s1, $0xD;
	s1 =	sshrl.u32 s1, $0x2  }
0xbf: {  	s3 =	sand.u32 $0x4000, s31;
	s1 =	sadd.s32 s1, s30  }
0xc0: {  	s0 =	sor.u32 s3, s0;
	s1 =	sshll.u32 s1, $0x11  }
0xc1: {  	s0 =	sor.u32 s1, s0  }
0xc2: {  	s0 =	sadd.s32 $0x8F2B, s0  }
0xc3: {  	[sflag:s0] =	ssyncadd.remote.s32 $0x1  }
0xc4: {  	_ =	sfence.sel $0xFFFF  }
0xc5: {  	[dreg:$0x0] =	wrdreg $0xFFFFFFFF;
	(pc) =	sbr.abs _section_cstart, $3  }
0xc6: {  	[dreg:$0x1] =	wrdreg $0xFFFFFFFF  }
0xc7: {  	_ =	task.clear_ibuf [dreg:s7], $0x2FFFF;
	_ =	strace $0x9FFFFFFF  }
0xc8: {  	(tm) =	ssettm $0x7FFFFFFF  }
0xc9: {  	_ =	shalt  }
tec
execute0_lowered:
.L_overlay_start_1:
0x0: {  	(tag) =	ssettag $0x1  }
0x1: {  	s3 =	rddreg [dreg:$0x0]  }
0x2: {  	s0 =	rddreg [dreg:$0x1];
	s2 =	simm.s32 $0x0  }
0x3: {  	[smem:$0x7FF] =	sst s2;
	s6 =	sadd.s32 $0x2E00, s3  }
0x4: {  	s10 =	sadd.s32 $0x2F00, s3;
	_ =	strace $0x80000047;
	[dreg:$0xd] =	wrdreg s6  }
0x5: {  	s11 =	sadd.s32 $0x3000, s3;
	[dreg:$0xe] =	wrdreg s10  }
0x6: {  	s12 =	sadd.s32 $0x3100, s3;
	[dreg:$0xf] =	wrdreg s11  }
0x7: {  	s13 =	sadd.s32 $0x3200, s3;
	[dreg:$0x10] =	wrdreg s12  }
0x8: {  	s15 =	sadd.s32 $0x3300, s3;
	[dreg:$0x11] =	wrdreg s13  }
0x9: {  	s16 =	sadd.s32 $0x3400, s3;
	[dreg:$0x12] =	wrdreg s15  }
0xa: {  	s18 =	sadd.s32 $0x3600, s3;
	[dreg:$0x13] =	wrdreg s16  }
0xb: {  	s19 =	sadd.s32 $0x3700, s3;
	[dreg:$0x15] =	wrdreg s18  }
0xc: {  	s20 =	sadd.s32 $0x3800, s3;
	[dreg:$0x16] =	wrdreg s19  }
0xd: {  	s21 =	sadd.s32 $0x3900, s3;
	[dreg:$0x17] =	wrdreg s20  }
0xe: {  	s22 =	sadd.s32 $0x3A00, s3;
	[dreg:$0x18] =	wrdreg s21  }
0xf: {  	s23 =	sadd.s32 $0x3B00, s3;
	[dreg:$0x19] =	wrdreg s22  }
0x10: {  	[dreg:$0x1a] =	wrdreg s23;
	s13 =	sadd.s32 $0x3D00, s3  }
0x11: {  	s15 =	sadd.s32 $0x3F00, s3;
	[dreg:$0x1d] =	wrdreg s13  }
0x12: {  	s16 =	sadd.s32 $0x4000, s3;
	[dreg:$0x1f] =	wrdreg s15  }
0x13: {  	s18 =	sadd.s32 $0x4200, s3;
	[smem:$0x7D4] =	sst s16  }
0x14: {  	s19 =	sadd.s32 $0x4300, s3;
	[smem:$0x7D6] =	sst s18  }
0x15: {  	s20 =	sadd.s32 $0x4400, s3;
	[smem:$0x7D7] =	sst s19  }
0x16: {  	s21 =	sadd.s32 $0x4500, s3;
	[smem:$0x7D8] =	sst s20  }
0x17: {  	s22 =	sadd.s32 $0x4600, s3;
	[smem:$0x7D9] =	sst s21  }
0x18: {  	s1 =	srdreg.scid;
	s23 =	sadd.s32 $0x4700, s3;
	[smem:$0x7DA] =	sst s22  }
0x19: {  	s4 =	stileid.u32;
	[smem:$0x7DB] =	sst s23;
	s13 =	sadd.s32 $0x5800, s3  }
0x1a: {  	s1 =	sand.u32 $0x1, s1;
	s15 =	sadd.s32 $0x5A00, s3;
	[smem:$0x7EC] =	sst s13  }
0x1b: {  	s4 =	sshll.u32 s4, $0x1;
	s16 =	sadd.s32 $0x5B00, s3;
	[smem:$0x7EE] =	sst s15  }
0x1c: {  	s5 =	sor.u32 s1, s4;
	s18 =	sadd.s32 $0x5D00, s3;
	[smem:$0x7EF] =	sst s16  }
0x1d: {  	s1 =	ssub.s32 $0x2, s1;
	s19 =	sadd.s32 $0x5E00, s3;
	[smem:$0x7F1] =	sst s18  }
0x1e: {  	s4 =	sshll.u32 s5, $0x8;
	s20 =	sadd.s32 $0x5F00, s3;
	[smem:$0x7F2] =	sst s19  }
0x1f: {  	s8 =	sshrl.u32 s1, $0x1;
	s21 =	sadd.s32 $0x6000, s3;
	[smem:$0x7F3] =	sst s20  }
0x20: {  	s5 =	smul.u32 $0x50, s5;
	s22 =	sadd.s32 $0x6100, s3;
	[smem:$0x7F4] =	sst s21  }
0x21: {  	s23 =	sadd.s32 $0x6200, s3;
	s7 =	sadd.s32 s4, s3;
	[smem:$0x7F5] =	sst s22  }
0x22: {  	s4 =	ssub.s32 s1, s8;
	[smem:$0x7F6] =	sst s23;
	s9 =	sadd.s32 $0xE00, s7  }
0x23: {  	s14 =	sshrl.u32 s5, $0x3;
	s7 =	sadd.s32 $0x3500, s3;
	s24 =	sadd.s32 $0x18, s5  }
0x24: {  	s28 =	sadd.s32 $0x28, s5;
	s30 =	sadd.s32 $0x38, s5;
	[dreg:$0x3] =	wrdreg s9  }
0x25: {  	s17 =	smul.u32 $0x1E000, s14;
	[dreg:$0x14] =	wrdreg s7;
	s9 =	sadd.s32 $0x3C00, s3  }
0x26: {  	s1 =	smul.u32 $0x3C00, s14;
	s14 =	sadd.s32 $0x3E00, s3;
	[dreg:$0x1c] =	wrdreg s9  }
0x27: {  	s25 =	sshrl.u32 s24, $0x3;
	s24 =	sadd.s32 $0x4800, s3;
	[dreg:$0x1e] =	wrdreg s14  }
0x28: {  	s29 =	sshrl.u32 s28, $0x3;
	s28 =	sadd.s32 $0x4B00, s3;
	[smem:$0x7DC] =	sst s24  }
0x29: {  	s7 =	sshrl.u32 s30, $0x3;
	s30 =	sadd.s32 $0x4D00, s3;
	[smem:$0x7DF] =	sst s28  }
0x2a: {  	s9 =	smul.u32 $0x3C00, s7;
	[smem:$0x7E1] =	sst s30;
	s7 =	sadd.s32 $0x5200, s3  }
0x2b: {  	s14 =	sadd.s32 $0x5900, s3;
	[smem:$0x7E6] =	sst s7  }
0x2c: {  	s24 =	sadd.s32 $0x6300, s3;
	[smem:$0x7ED] =	sst s14  }
0x2d: {  	s28 =	sadd.s32 $0x6600, s3;
	[smem:$0x7F7] =	sst s24  }
0x2e: {  	s30 =	sadd.s32 $0x6800, s3;
	[smem:$0x7FA] =	sst s28  }
0x2f: {  	s8 =	sadd.s32 s0, s1;
	[smem:$0x7FC] =	sst s30  }
0x30: {  	s6 =	sshrl.u32 s17, $0x3;
	s17 =	sadd.s32 $0x4100, s3;
	[dreg:$0x1b] =	wrdreg s8  }
0x31: {  	s1 =	smul.u32 $0x3C00, s25;
	s25 =	sadd.s32 $0x4900, s3;
	[smem:$0x7D5] =	sst s17  }
0x32: {  	s26 =	sadd.s32 $0x7800, s8;
	[smem:$0x7DD] =	sst s25  }
0x33: {  	s31 =	sadd.s32 $0xF000, s8;
	[dreg:$0x5] =	wrdreg s26  }
0x34: {  	s10 =	sadd.s32 $0x16800, s8;
	[dreg:$0x7] =	wrdreg s31  }
0x35: {  	s11 =	sadd.s32 s0, s9;
	[dreg:$0x9] =	wrdreg s10  }
0x36: {  	s12 =	sadd.s32 $0x1E000, s8;
	[dreg:$0xa] =	wrdreg s11  }
0x37: {  	s8 =	sadd.s32 $0x5300, s3;
	[dreg:$0xb] =	wrdreg s12  }
0x38: {  	s9 =	sadd.s32 $0x5400, s3;
	[smem:$0x7E7] =	sst s8  }
0x39: {  	s17 =	sadd.s32 $0x5C00, s3;
	[smem:$0x7E8] =	sst s9  }
0x3a: {  	s6 =	sadd.s32 s0, s6;
	s25 =	sadd.s32 $0x6400, s3;
	[smem:$0x7F0] =	sst s17  }
0x3b: {  	s6 =	sadd.s32 $0x3C00, s6;
	[smem:$0x7F8] =	sst s25  }
0x3c: {  	s1 =	sadd.s32 s0, s1;
	[dreg:$0x4] =	wrdreg s6  }
0x3d: {  	s26 =	sadd.s32 $0x4A00, s3;
	[dreg:$0x6] =	wrdreg s1  }
0x3e: {  	s31 =	sadd.s32 $0x4E00, s3;
	[smem:$0x7DE] =	sst s26  }
0x3f: {  	s10 =	sadd.s32 $0x5500, s3;
	[smem:$0x7E2] =	sst s31  }
0x40: {  	s11 =	sadd.s32 $0x5600, s3;
	[smem:$0x7E9] =	sst s10  }
0x41: {  	s12 =	sadd.s32 $0x5700, s3;
	[smem:$0x7EA] =	sst s11  }
0x42: {  	s6 =	smul.u32 $0x3C00, s29;
	s29 =	sadd.s32 $0x4C00, s3;
	[smem:$0x7EB] =	sst s12  }
0x43: {  	s1 =	sadd.s32 $0x4F00, s3;
	[smem:$0x7E0] =	sst s29  }
0x44: {  	s5 =	sadd.s32 $0x48, s5;
	s26 =	sadd.s32 $0x6500, s3;
	[smem:$0x7E3] =	sst s1  }
0x45: {  	s5 =	sshrl.u32 s5, $0x3;
	s31 =	sadd.s32 $0x6900, s3;
	[smem:$0x7F9] =	sst s26  }
0x46: {  	s5 =	smul.u32 $0x3C00, s5;
	s29 =	sadd.s32 $0x6700, s3;
	[smem:$0x7FD] =	sst s31  }
0x47: {  	s6 =	sadd.s32 s0, s6;
	[smem:$0x7FB] =	sst s29  }
0x48: {  	s0 =	sadd.s32 s0, s5;
	[dreg:$0x8] =	wrdreg s6  }
0x49: {  	v0 =	vlaneseq.u32;
	s5 =	sadd.s32 $0x5000, s3;
	[dreg:$0xc] =	wrdreg s0  }
0x4a: {  	v1 =	vshrl.u32 v0, $0x3;
	[smem:$0x7E4] =	sst s5;
	s6 =	sadd.s32 $0x5100, s3  }
0x4b: {  	vm0 =	vmmov $0xffff;
	v0 =	vand.u32 $0x7, v0;
	v1 =	vmul.u32 $0x8, v1;
	s0 =	smax.u32 s4, $0x1;
	[smem:$0x7E5] =	sst s6  }
.LBB2_1:
0x4c: {  	[smem:$0x7D3] =	sst s0  }
0x4d: {  	s6 =	rddreg [dreg:$0x3];
	s24 =	simm.s32 $0x2  }
0x4e: {  	[tilespmem:s2], [sflag:$0x2] =	stream.linear.gather [hbm4b:s6+s2], $0x500, $0x38;
	[tilespmem:$0x1E800] =	vst v63  }
0x4f: {  	_ =	swait.ge [sflag:s24], $0x500  }
0x50: {  	[sflag:s24] =	ssyncset.done $0x0  }
0x51: {  	[sflag:s24] =	ssyncadd.s32 $0xFFFFFB00  }
0x52: {  	v2 =	vld.msk [tilespmem:$0x0], $0xff;
	_ =	sdelay $0x4  }
0x53: {  	v3 =	vshrl.u32 v2, $0x3  }
0x54: {  	v3 =	vmul.u32 $0x3C0, v3  }
0x55: {  	v2 =	vand.u32 $0x7, v2  }
0x56: {  	v2 =	vor.u32 v2, v3  }
0x57: {  	v2 =	vperm.xlane v2, v0;
	_ =	sdelay $0x1  }
0x58: {  	v2 =	vadd.s32 v1, v2;
	_ =	sdelay $0x2  }
0x59: {  	s19 =	rddreg [dreg:$0xd]  }
0x5a: {  	s25 =	simm.s32 $0x800;
	s26 =	rddreg [dreg:$0xe]  }
0x5b: {  	[tilespmem:s25], [sflag:$0x1] =	stream.indirect_vreg.gather [hbm4b:s19+s2], $0x80, v2, vm0, $0xb8;
	[tilespmem:$0x1E800] =	vst v63  }
0x5c: {  	s1 =	simm.s32 $0x1000;
	s28 =	rddreg [dreg:$0xf]  }
0x5d: {  	[tilespmem:s1], [sflag:$0x1] =	stream.indirect_vreg.gather [hbm4b:s26+s2], $0x80, v2, vm0, $0xb8;
	[tilespmem:$0x1E800] =	vst v63  }
0x5e: {  	s29 =	simm.s32 $0x1800;
	s30 =	rddreg [dreg:$0x10]  }
0x5f: {  	[tilespmem:s29], [sflag:$0x1] =	stream.indirect_vreg.gather [hbm4b:s28+s2], $0x80, v2, vm0, $0xb8;
	[tilespmem:$0x1E800] =	vst v63  }
0x60: {  	s31 =	simm.s32 $0x2000;
	s4 =	rddreg [dreg:$0x12]  }
0x61: {  	[tilespmem:s31], [sflag:$0x1] =	stream.indirect_vreg.gather [hbm4b:s30+s2], $0x80, v2, vm0, $0xb8;
	[tilespmem:$0x1E800] =	vst v63  }
0x62: {  	s3 =	simm.s32 $0x2800;
	s28 =	rddreg [dreg:$0x11]  }
0x63: {  	[tilespmem:s3], [sflag:$0x1] =	stream.indirect_vreg.gather [hbm4b:s28+s2], $0x80, v2, vm0, $0xb8;
	[tilespmem:$0x1E800] =	vst v63  }
0x64: {  	s5 =	simm.s32 $0x3000;
	s6 =	rddreg [dreg:$0x13]  }
0x65: {  	[tilespmem:s5], [sflag:$0x1] =	stream.indirect_vreg.gather [hbm4b:s4+s2], $0x80, v2, vm0, $0xb8;
	[tilespmem:$0x1E800] =	vst v63  }
0x66: {  	s7 =	simm.s32 $0x3800;
	s8 =	rddreg [dreg:$0x14]  }
0x67: {  	[tilespmem:s7], [sflag:$0x1] =	stream.indirect_vreg.gather [hbm4b:s6+s2], $0x80, v2, vm0, $0xb8;
	[tilespmem:$0x1E800] =	vst v63  }
0x68: {  	s9 =	simm.s32 $0x4000;
	s11 =	rddreg [dreg:$0x15]  }
0x69: {  	[tilespmem:s9], [sflag:$0x1] =	stream.indirect_vreg.gather [hbm4b:s8+s2], $0x80, v2, vm0, $0xb8;
	[tilespmem:$0x1E800] =	vst v63  }
0x6a: {  	s12 =	simm.s32 $0x4800;
	s13 =	rddreg [dreg:$0x16]  }
0x6b: {  	[tilespmem:s12], [sflag:$0x1] =	stream.indirect_vreg.gather [hbm4b:s11+s2], $0x80, v2, vm0, $0xb8;
	[tilespmem:$0x1E800] =	vst v63  }
0x6c: {  	s15 =	simm.s32 $0x5000;
	s17 =	rddreg [dreg:$0x17]  }
0x6d: {  	[tilespmem:s15], [sflag:$0x1] =	stream.indirect_vreg.gather [hbm4b:s13+s2], $0x80, v2, vm0, $0xb8;
	[tilespmem:$0x1E800] =	vst v63  }
0x6e: {  	s18 =	simm.s32 $0x5800;
	s23 =	rddreg [dreg:$0x19]  }
0x6f: {  	[tilespmem:s18], [sflag:$0x1] =	stream.indirect_vreg.gather [hbm4b:s17+s2], $0x80, v2, vm0, $0xb8;
	[tilespmem:$0x1E800] =	vst v63  }
0x70: {  	s20 =	simm.s32 $0x6000;
	s24 =	rddreg [dreg:$0x18]  }
0x71: {  	[tilespmem:s20], [sflag:$0x1] =	stream.indirect_vreg.gather [hbm4b:s24+s2], $0x80, v2, vm0, $0xb8;
	[tilespmem:$0x1E800] =	vst v63  }
0x72: {  	s22 =	simm.s32 $0x6800;
	s0 =	rddreg [dreg:$0x1d]  }
0x73: {  	[tilespmem:s22], [sflag:$0x1] =	stream.indirect_vreg.gather [hbm4b:s23+s2], $0x80, v2, vm0, $0xb8;
	[tilespmem:$0x1E800] =	vst v63  }
0x74: {  	s25 =	smov.u32 s30;
	s29 =	rddreg [dreg:$0x1a];
	s30 =	simm.s32 $0x7000  }
0x75: {  	[tilespmem:s30], [sflag:$0x1] =	stream.indirect_vreg.gather [hbm4b:s29+s2], $0x80, v2, vm0, $0xb8;
	[tilespmem:$0x1E800] =	vst v63  }
0x76: {  	s16 =	smov.u32 s11;
	s31 =	simm.s32 $0x7800;
	s11 =	rddreg [dreg:$0x1c]  }
0x77: {  	[tilespmem:s31], [sflag:$0x1] =	stream.indirect_vreg.gather [hbm4b:s11+s2], $0x80, v2, vm0, $0xb8;
	[tilespmem:$0x1E800] =	vst v63  }
0x78: {  	s3 =	simm.s32 $0x8000;
	s22 =	rddreg [dreg:$0x1f]  }
0x79: {  	[tilespmem:s3], [sflag:$0x1] =	stream.indirect_vreg.gather [hbm4b:s0+s2], $0x80, v2, vm0, $0xb8;
	[tilespmem:$0x1E800] =	vst v63  }
0x7a: {  	s14 =	smov.u32 s4;
	s4 =	simm.s32 $0x8800;
	s29 =	rddreg [dreg:$0x1e]  }
0x7b: {  	[tilespmem:s4], [sflag:$0x1] =	stream.indirect_vreg.gather [hbm4b:s29+s2], $0x80, v2, vm0, $0xb8;
	[tilespmem:$0x1E800] =	vst v63  }
0x7c: {  	s5 =	simm.s32 $0x9000;
	s30 =	sld [smem:$0x7D4]  }
0x7d: {  	[tilespmem:s5], [sflag:$0x1] =	stream.indirect_vreg.gather [hbm4b:s22+s2], $0x80, v2, vm0, $0xb8;
	[tilespmem:$0x1E800] =	vst v63  }
0x7e: {  	s6 =	simm.s32 $0x9800;
	s9 =	sld [smem:$0x7D5]  }
0x7f: {  	[tilespmem:s6], [sflag:$0x1] =	stream.indirect_vreg.gather [hbm4b:s30+s2], $0x80, v2, vm0, $0xb8;
	[tilespmem:$0x1E800] =	vst v63  }
0x80: {  	s21 =	smov.u32 s8;
	s7 =	simm.s32 $0xA000;
	s8 =	sld [smem:$0x7D6]  }
0x81: {  	[tilespmem:s7], [sflag:$0x1] =	stream.indirect_vreg.gather [hbm4b:s9+s2], $0x80, v2, vm0, $0xb8;
	[tilespmem:$0x1E800] =	vst v63  }
0x82: {  	s12 =	simm.s32 $0xA800;
	s13 =	sld [smem:$0x7D7]  }
0x83: {  	[tilespmem:s12], [sflag:$0x1] =	stream.indirect_vreg.gather [hbm4b:s8+s2], $0x80, v2, vm0, $0xb8;
	[tilespmem:$0x1E800] =	vst v63  }
0x84: {  	s15 =	simm.s32 $0xB000;
	s17 =	sld [smem:$0x7D8]  }
0x85: {  	[tilespmem:s15], [sflag:$0x1] =	stream.indirect_vreg.gather [hbm4b:s13+s2], $0x80, v2, vm0, $0xb8;
	[tilespmem:$0x1E800] =	vst v63  }
0x86: {  	s18 =	simm.s32 $0xB800;
	s0 =	sld [smem:$0x7D9]  }
0x87: {  	[tilespmem:s18], [sflag:$0x1] =	stream.indirect_vreg.gather [hbm4b:s17+s2], $0x80, v2, vm0, $0xb8;
	[tilespmem:$0x1E800] =	vst v63  }
0x88: {  	s20 =	simm.s32 $0xC000;
	s7 =	sld [smem:$0x7DA]  }
0x89: {  	[tilespmem:s20], [sflag:$0x1] =	stream.indirect_vreg.gather [hbm4b:s0+s2], $0x80, v2, vm0, $0xb8;
	[tilespmem:$0x1E800] =	vst v63  }
0x8a: {  	s31 =	sld [smem:$0x7DB];
	s4 =	simm.s32 $0xC800  }
0x8b: {  	[tilespmem:s4], [sflag:$0x1] =	stream.indirect_vreg.gather [hbm4b:s7+s2], $0x80, v2, vm0, $0xb8;
	[tilespmem:$0x1E800] =	vst v63  }
0x8c: {  	s3 =	simm.s32 $0xD000  }
0x8d: {  	[tilespmem:s3], [sflag:$0x1] =	stream.indirect_vreg.gather [hbm4b:s31+s2], $0x80, v2, vm0, $0xb8;
	[tilespmem:$0x1E800] =	vst v63  }
0x8e: {  	s31 =	sld [smem:$0x7DC];
	_ =	sdelay $0x1  }
0x8f: {  	s17 =	sld [smem:$0x7DD];
	s4 =	simm.s32 $0xD800  }
0x90: {  	[tilespmem:s4], [sflag:$0x1] =	stream.indirect_vreg.gather [hbm4b:s31+s2], $0x80, v2, vm0, $0xb8;
	[tilespmem:$0x1E800] =	vst v63  }
0x91: {  	s5 =	simm.s32 $0xE000;
	s6 =	sld [smem:$0x7DE]  }
0x92: {  	[tilespmem:s5], [sflag:$0x1] =	stream.indirect_vreg.gather [hbm4b:s17+s2], $0x80, v2, vm0, $0xb8;
	[tilespmem:$0x1E800] =	vst v63  }
0x93: {  	s8 =	simm.s32 $0xE800  }
0x94: {  	[tilespmem:s8], [sflag:$0x1] =	stream.indirect_vreg.gather [hbm4b:s6+s2], $0x80, v2, vm0, $0xb8;
	[tilespmem:$0x1E800] =	vst v63  }
0x95: {  	s1 =	sld [smem:$0x7DF];
	_ =	sdelay $0x1  }
0x96: {  	s12 =	simm.s32 $0xF000;
	s13 =	sld [smem:$0x7E0]  }
0x97: {  	[tilespmem:s12], [sflag:$0x1] =	stream.indirect_vreg.gather [hbm4b:s1+s2], $0x80, v2, vm0, $0xb8;
	[tilespmem:$0x1E800] =	vst v63  }
0x98: {  	s15 =	simm.s32 $0xF800;
	s18 =	sld [smem:$0x7E1]  }
0x99: {  	[tilespmem:s15], [sflag:$0x1] =	stream.indirect_vreg.gather [hbm4b:s13+s2], $0x80, v2, vm0, $0xb8;
	[tilespmem:$0x1E800] =	vst v63  }
0x9a: {  	s20 =	simm.s32 $0x10000;
	s8 =	sld [smem:$0x7E2]  }
0x9b: {  	[tilespmem:s20], [sflag:$0x1] =	stream.indirect_vreg.gather [hbm4b:s18+s2], $0x80, v2, vm0, $0xb8;
	[tilespmem:$0x1E800] =	vst v63  }
0x9c: {  	s3 =	simm.s32 $0x10800;
	s4 =	sld [smem:$0x7E3]  }
0x9d: {  	[tilespmem:s3], [sflag:$0x1] =	stream.indirect_vreg.gather [hbm4b:s8+s2], $0x80, v2, vm0, $0xb8;
	[tilespmem:$0x1E800] =	vst v63  }
0x9e: {  	s5 =	simm.s32 $0x11000;
	s18 =	sld [smem:$0x7E4]  }
0x9f: {  	[tilespmem:s5], [sflag:$0x1] =	stream.indirect_vreg.gather [hbm4b:s4+s2], $0x80, v2, vm0, $0xb8;
	[tilespmem:$0x1E800] =	vst v63  }
0xa0: {  	s12 =	simm.s32 $0x11800;
	s13 =	sld [smem:$0x7E5]  }
0xa1: {  	[tilespmem:s12], [sflag:$0x1] =	stream.indirect_vreg.gather [hbm4b:s18+s2], $0x80, v2, vm0, $0xb8;
	[tilespmem:$0x1E800] =	vst v63  }
0xa2: {  	s15 =	simm.s32 $0x12000;
	s20 =	sld [smem:$0x7E6]  }
0xa3: {  	[tilespmem:s15], [sflag:$0x1] =	stream.indirect_vreg.gather [hbm4b:s13+s2], $0x80, v2, vm0, $0xb8;
	[tilespmem:$0x1E800] =	vst v63  }
0xa4: {  	s3 =	simm.s32 $0x12800;
	s4 =	sld [smem:$0x7E7]  }
0xa5: {  	[tilespmem:s3], [sflag:$0x1] =	stream.indirect_vreg.gather [hbm4b:s20+s2], $0x80, v2, vm0, $0xb8;
	[tilespmem:$0x1E800] =	vst v63  }
0xa6: {  	s8 =	sld [smem:$0x7E8];
	s5 =	simm.s32 $0x13000  }
0xa7: {  	[tilespmem:s5], [sflag:$0x1] =	stream.indirect_vreg.gather [hbm4b:s4+s2], $0x80, v2, vm0, $0xb8;
	[tilespmem:$0x1E800] =	vst v63  }
0xa8: {  	s12 =	simm.s32 $0x13800;
	s13 =	sld [smem:$0x7E9]  }
0xa9: {  	[tilespmem:s12], [sflag:$0x1] =	stream.indirect_vreg.gather [hbm4b:s8+s2], $0x80, v2, vm0, $0xb8;
	[tilespmem:$0x1E800] =	vst v63  }
0xaa: {  	s15 =	simm.s32 $0x14000;
	s20 =	sld [smem:$0x7EA]  }
0xab: {  	[tilespmem:s15], [sflag:$0x1] =	stream.indirect_vreg.gather [hbm4b:s13+s2], $0x80, v2, vm0, $0xb8;
	[tilespmem:$0x1E800] =	vst v63  }
0xac: {  	s3 =	simm.s32 $0x14800;
	s4 =	sld [smem:$0x7EB]  }
0xad: {  	[tilespmem:s3], [sflag:$0x1] =	stream.indirect_vreg.gather [hbm4b:s20+s2], $0x80, v2, vm0, $0xb8;
	[tilespmem:$0x1E800] =	vst v63  }
0xae: {  	s6 =	sld [smem:$0x7EC];
	s5 =	simm.s32 $0x15000  }
0xaf: {  	[tilespmem:s5], [sflag:$0x1] =	stream.indirect_vreg.gather [hbm4b:s4+s2], $0x80, v2, vm0, $0xb8;
	[tilespmem:$0x1E800] =	vst v63  }
0xb0: {  	s8 =	simm.s32 $0x15800;
	s12 =	sld [smem:$0x7ED]  }
0xb1: {  	[tilespmem:s8], [sflag:$0x1] =	stream.indirect_vreg.gather [hbm4b:s6+s2], $0x80, v2, vm0, $0xb8;
	[tilespmem:$0x1E800] =	vst v63  }
0xb2: {  	s13 =	simm.s32 $0x16000;
	s15 =	sld [smem:$0x7EE]  }
0xb3: {  	[tilespmem:s13], [sflag:$0x1] =	stream.indirect_vreg.gather [hbm4b:s12+s2], $0x80, v2, vm0, $0xb8;
	[tilespmem:$0x1E800] =	vst v63  }
0xb4: {  	s20 =	simm.s32 $0x16800;
	s3 =	sld [smem:$0x7EF]  }
0xb5: {  	[tilespmem:s20], [sflag:$0x1] =	stream.indirect_vreg.gather [hbm4b:s15+s2], $0x80, v2, vm0, $0xb8;
	[tilespmem:$0x1E800] =	vst v63  }
0xb6: {  	s4 =	simm.s32 $0x17000;
	s13 =	sld [smem:$0x7F0]  }
0xb7: {  	[tilespmem:s4], [sflag:$0x1] =	stream.indirect_vreg.gather [hbm4b:s3+s2], $0x80, v2, vm0, $0xb8;
	[tilespmem:$0x1E800] =	vst v63  }
0xb8: {  	s5 =	simm.s32 $0x17800;
	s6 =	sld [smem:$0x7F1]  }
0xb9: {  	[tilespmem:s5], [sflag:$0x1] =	stream.indirect_vreg.gather [hbm4b:s13+s2], $0x80, v2, vm0, $0xb8;
	[tilespmem:$0x1E800] =	vst v63  }
0xba: {  	s8 =	simm.s32 $0x18000;
	s12 =	sld [smem:$0x7F2]  }
0xbb: {  	[tilespmem:s8], [sflag:$0x1] =	stream.indirect_vreg.gather [hbm4b:s6+s2], $0x80, v2, vm0, $0xb8;
	[tilespmem:$0x1E800] =	vst v63  }
0xbc: {  	s15 =	simm.s32 $0x18800;
	s20 =	sld [smem:$0x7F3]  }
0xbd: {  	[tilespmem:s15], [sflag:$0x1] =	stream.indirect_vreg.gather [hbm4b:s12+s2], $0x80, v2, vm0, $0xb8;
	[tilespmem:$0x1E800] =	vst v63  }
0xbe: {  	s3 =	simm.s32 $0x19000;
	s4 =	sld [smem:$0x7F4]  }
0xbf: {  	[tilespmem:s3], [sflag:$0x1] =	stream.indirect_vreg.gather [hbm4b:s20+s2], $0x80, v2, vm0, $0xb8;
	[tilespmem:$0x1E800] =	vst v63  }
0xc0: {  	s5 =	simm.s32 $0x19800  }
0xc1: {  	[tilespmem:s5], [sflag:$0x1] =	stream.indirect_vreg.gather [hbm4b:s4+s2], $0x80, v2, vm0, $0xb8;
	[tilespmem:$0x1E800] =	vst v63  }
0xc2: {  	s4 =	sld [smem:$0x7F5];
	_ =	sdelay $0x1  }
0xc3: {  	s12 =	simm.s32 $0x1A000;
	s15 =	sld [smem:$0x7F6]  }
0xc4: {  	[tilespmem:s12], [sflag:$0x1] =	stream.indirect_vreg.gather [hbm4b:s4+s2], $0x80, v2, vm0, $0xb8;
	[tilespmem:$0x1E800] =	vst v63  }
0xc5: {  	s20 =	simm.s32 $0x1A800;
	s3 =	sld [smem:$0x7F7]  }
0xc6: {  	[tilespmem:s20], [sflag:$0x1] =	stream.indirect_vreg.gather [hbm4b:s15+s2], $0x80, v2, vm0, $0xb8;
	[tilespmem:$0x1E800] =	vst v63  }
0xc7: {  	s8 =	sld [smem:$0x7F8];
	s5 =	simm.s32 $0x1B000  }
0xc8: {  	[tilespmem:s5], [sflag:$0x1] =	stream.indirect_vreg.gather [hbm4b:s3+s2], $0x80, v2, vm0, $0xb8;
	[tilespmem:$0x1E800] =	vst v63  }
0xc9: {  	s12 =	simm.s32 $0x1B800;
	s15 =	sld [smem:$0x7F9]  }
0xca: {  	[tilespmem:s12], [sflag:$0x1] =	stream.indirect_vreg.gather [hbm4b:s8+s2], $0x80, v2, vm0, $0xb8;
	[tilespmem:$0x1E800] =	vst v63  }
0xcb: {  	s20 =	simm.s32 $0x1C000  }
0xcc: {  	[tilespmem:s20], [sflag:$0x1] =	stream.indirect_vreg.gather [hbm4b:s15+s2], $0x80, v2, vm0, $0xb8;
	[tilespmem:$0x1E800] =	vst v63  }
0xcd: {  	s20 =	sld [smem:$0x7FA];
	_ =	sdelay $0x1  }
0xce: {  	s3 =	simm.s32 $0x1C800;
	s15 =	sld [smem:$0x7FB]  }
0xcf: {  	[tilespmem:s3], [sflag:$0x1] =	stream.indirect_vreg.gather [hbm4b:s20+s2], $0x80, v2, vm0, $0xb8;
	[tilespmem:$0x1E800] =	vst v63  }
0xd0: {  	s5 =	simm.s32 $0x1D000;
	s8 =	sld [smem:$0x7FC]  }
0xd1: {  	[tilespmem:s5], [sflag:$0x1] =	stream.indirect_vreg.gather [hbm4b:s15+s2], $0x80, v2, vm0, $0xb8;
	[tilespmem:$0x1E800] =	vst v63  }
0xd2: {  	s12 =	simm.s32 $0x1D800  }
0xd3: {  	[tilespmem:s12], [sflag:$0x1] =	stream.indirect_vreg.gather [hbm4b:s8+s2], $0x80, v2, vm0, $0xb8;
	[tilespmem:$0x1E800] =	vst v63  }
0xd4: {  	s12 =	sld [smem:$0x7FD];
	_ =	sdelay $0x1  }
0xd5: {  	s1 =	simm.s32 $0x1E000;
	s3 =	simm.s32 $0x1  }
0xd6: {  	[tilespmem:s1], [sflag:$0x1] =	stream.indirect_vreg.gather [hbm4b:s12+s2], $0x80, v2, vm0, $0xb8;
	[tilespmem:$0x1E800] =	vst v63  }
0xd7: {  	_ =	swait.ge [sflag:s3], $0x1E000  }
0xd8: {  	s10 =	simm.s32 $0x800;
	[sflag:s3] =	ssyncset.done $0x0  }
0xd9: {  	s5 =	rddreg [dreg:$0x1b];
	[sflag:s3] =	ssyncadd.s32 $0xFFFE2000;
	s3 =	simm.s32 $0x2  }
0xda: {  	[hbm4b:s5+s2] =	stream.linear.scatter [tilespmem:s10], [sflag:$0x2], $0x1E000, $0x38;
	[tilespmem:$0x1E800] =	vst v63  }
0xdb: {  	_ =	swait.ge [sflag:s3], $0x1E000  }
0xdc: {  	[sflag:s3] =	ssyncset.done $0x0  }
0xdd: {  	[sflag:s3] =	ssyncadd.s32 $0xFFFE2000  }
0xde: {  	v2 =	vld.msk [tilespmem:$0x80], $0xff;
	_ =	sdelay $0x4  }
0xdf: {  	v3 =	vshrl.u32 v2, $0x3  }
0xe0: {  	v3 =	vmul.u32 $0x3C0, v3  }
0xe1: {  	v2 =	vand.u32 $0x7, v2  }
0xe2: {  	v2 =	vor.u32 v2, v3  }
0xe3: {  	v2 =	vperm.xlane v2, v0;
	_ =	sdelay $0x1  }
0xe4: {  	v2 =	vadd.s32 v1, v2;
	_ =	sdelay $0x4  }
0xe5: {  	[tilespmem:s10], [sflag:$0x1] =	stream.indirect_vreg.gather [hbm4b:s19+s2], $0x80, v2, vm0, $0xb8;
	[tilespmem:$0x1E800] =	vst v63  }
0xe6: {  	s26 =	smov.u32 s26;
	s6 =	simm.s32 $0x1000  }
0xe7: {  	[tilespmem:s6], [sflag:$0x1] =	stream.indirect_vreg.gather [hbm4b:s26+s2], $0x80, v2, vm0, $0xb8;
	[tilespmem:$0x1E800] =	vst v63  }
0xe8: {  	s8 =	simm.s32 $0x1800;
	s10 =	rddreg [dreg:$0xf]  }
0xe9: {  	[tilespmem:s8], [sflag:$0x1] =	stream.indirect_vreg.gather [hbm4b:s10+s2], $0x80, v2, vm0, $0xb8;
	[tilespmem:$0x1E800] =	vst v63  }
0xea: {  	s3 =	simm.s32 $0x2000  }
0xeb: {  	[tilespmem:s3], [sflag:$0x1] =	stream.indirect_vreg.gather [hbm4b:s25+s2], $0x80, v2, vm0, $0xb8;
	[tilespmem:$0x1E800] =	vst v63  }
0xec: {  	s5 =	simm.s32 $0x2800  }
0xed: {  	[tilespmem:s5], [sflag:$0x1] =	stream.indirect_vreg.gather [hbm4b:s28+s2], $0x80, v2, vm0, $0xb8;
	[tilespmem:$0x1E800] =	vst v63  }
0xee: {  	s6 =	simm.s32 $0x3000  }
0xef: {  	[tilespmem:s6], [sflag:$0x1] =	stream.indirect_vreg.gather [hbm4b:s14+s2], $0x80, v2, vm0, $0xb8;
	[tilespmem:$0x1E800] =	vst v63  }
0xf0: {  	s8 =	simm.s32 $0x3800;
	s3 =	rddreg [dreg:$0x13]  }
0xf1: {  	[tilespmem:s8], [sflag:$0x1] =	stream.indirect_vreg.gather [hbm4b:s3+s2], $0x80, v2, vm0, $0xb8;
	[tilespmem:$0x1E800] =	vst v63  }
0xf2: {  	s14 =	simm.s32 $0x4000  }
0xf3: {  	[tilespmem:s14], [sflag:$0x1] =	stream.indirect_vreg.gather [hbm4b:s21+s2], $0x80, v2, vm0, $0xb8;
	[tilespmem:$0x1E800] =	vst v63  }
0xf4: {  	s5 =	simm.s32 $0x4800  }
0xf5: {  	[tilespmem:s5], [sflag:$0x1] =	stream.indirect_vreg.gather [hbm4b:s16+s2], $0x80, v2, vm0, $0xb8;
	[tilespmem:$0x1E800] =	vst v63  }
0xf6: {  	s6 =	simm.s32 $0x5000;
	s5 =	rddreg [dreg:$0x16]  }
0xf7: {  	[tilespmem:s6], [sflag:$0x1] =	stream.indirect_vreg.gather [hbm4b:s5+s2], $0x80, v2, vm0, $0xb8;
	[tilespmem:$0x1E800] =	vst v63  }
0xf8: {  	s8 =	rddreg [dreg:$0x17];
	s14 =	simm.s32 $0x5800  }
0xf9: {  	[tilespmem:s14], [sflag:$0x1] =	stream.indirect_vreg.gather [hbm4b:s8+s2], $0x80, v2, vm0, $0xb8;
	[tilespmem:$0x1E800] =	vst v63  }
0xfa: {  	s21 =	simm.s32 $0x6000  }
0xfb: {  	[tilespmem:s21], [sflag:$0x1] =	stream.indirect_vreg.gather [hbm4b:s24+s2], $0x80, v2, vm0, $0xb8;
	[tilespmem:$0x1E800] =	vst v63  }
0xfc: {  	s5 =	simm.s32 $0x6800  }
0xfd: {  	[tilespmem:s5], [sflag:$0x1] =	stream.indirect_vreg.gather [hbm4b:s23+s2], $0x80, v2, vm0, $0xb8;
	[tilespmem:$0x1E800] =	vst v63  }
0xfe: {  	s6 =	simm.s32 $0x7000;
	s21 =	rddreg [dreg:$0x1a]  }
0xff: {  	[tilespmem:s6], [sflag:$0x1] =	stream.indirect_vreg.gather [hbm4b:s21+s2], $0x80, v2, vm0, $0xb8;
	[tilespmem:$0x1E800] =	vst v63  }
0x100: {  	s8 =	simm.s32 $0x7800  }
0x101: {  	[tilespmem:s8], [sflag:$0x1] =	stream.indirect_vreg.gather [hbm4b:s11+s2], $0x80, v2, vm0, $0xb8;
	[tilespmem:$0x1E800] =	vst v63  }
0x102: {  	s14 =	simm.s32 $0x8000;
	s11 =	rddreg [dreg:$0x1d]  }
0x103: {  	[tilespmem:s14], [sflag:$0x1] =	stream.indirect_vreg.gather [hbm4b:s11+s2], $0x80, v2, vm0, $0xb8;
	[tilespmem:$0x1E800] =	vst v63  }
0x104: {  	s23 =	simm.s32 $0x8800  }
0x105: {  	[tilespmem:s23], [sflag:$0x1] =	stream.indirect_vreg.gather [hbm4b:s29+s2], $0x80, v2, vm0, $0xb8;
	[tilespmem:$0x1E800] =	vst v63  }
0x106: {  	s24 =	simm.s32 $0x9000  }
0x107: {  	[tilespmem:s24], [sflag:$0x1] =	stream.indirect_vreg.gather [hbm4b:s22+s2], $0x80, v2, vm0, $0xb8;
	[tilespmem:$0x1E800] =	vst v63  }
0x108: {  	s5 =	simm.s32 $0x9800  }
0x109: {  	[tilespmem:s5], [sflag:$0x1] =	stream.indirect_vreg.gather [hbm4b:s30+s2], $0x80, v2, vm0, $0xb8;
	[tilespmem:$0x1E800] =	vst v63  }
0x10a: {  	s6 =	simm.s32 $0xA000  }
0x10b: {  	[tilespmem:s6], [sflag:$0x1] =	stream.indirect_vreg.gather [hbm4b:s9+s2], $0x80, v2, vm0, $0xb8;
	[tilespmem:$0x1E800] =	vst v63  }
0x10c: {  	s9 =	sld [smem:$0x7D6];
	_ =	sdelay $0x1  }
0x10d: {  	s8 =	simm.s32 $0xA800;
	s23 =	sld [smem:$0x7D7]  }
0x10e: {  	[tilespmem:s8], [sflag:$0x1] =	stream.indirect_vreg.gather [hbm4b:s9+s2], $0x80, v2, vm0, $0xb8;
	[tilespmem:$0x1E800] =	vst v63  }
0x10f: {  	s14 =	simm.s32 $0xB000;
	s5 =	sld [smem:$0x7D8]  }
0x110: {  	[tilespmem:s14], [sflag:$0x1] =	stream.indirect_vreg.gather [hbm4b:s23+s2], $0x80, v2, vm0, $0xb8;
	[tilespmem:$0x1E800] =	vst v63  }
0x111: {  	s22 =	simm.s32 $0xB800  }
0x112: {  	[tilespmem:s22], [sflag:$0x1] =	stream.indirect_vreg.gather [hbm4b:s5+s2], $0x80, v2, vm0, $0xb8;
	[tilespmem:$0x1E800] =	vst v63  }
0x113: {  	s24 =	simm.s32 $0xC000  }
0x114: {  	[tilespmem:s24], [sflag:$0x1] =	stream.indirect_vreg.gather [hbm4b:s0+s2], $0x80, v2, vm0, $0xb8;
	[tilespmem:$0x1E800] =	vst v63  }
0x115: {  	s1 =	simm.s32 $0xC800;
	s22 =	sld [smem:$0x7DB]  }
0x116: {  	[tilespmem:s1], [sflag:$0x1] =	stream.indirect_vreg.gather [hbm4b:s7+s2], $0x80, v2, vm0, $0xb8;
	[tilespmem:$0x1E800] =	vst v63  }
0x117: {  	s6 =	simm.s32 $0xD000  }
0x118: {  	[tilespmem:s6], [sflag:$0x1] =	stream.indirect_vreg.gather [hbm4b:s22+s2], $0x80, v2, vm0, $0xb8;
	[tilespmem:$0x1E800] =	vst v63  }
0x119: {  	s8 =	simm.s32 $0xD800  }
0x11a: {  	[tilespmem:s8], [sflag:$0x1] =	stream.indirect_vreg.gather [hbm4b:s31+s2], $0x80, v2, vm0, $0xb8;
	[tilespmem:$0x1E800] =	vst v63  }
0x11b: {  	s14 =	simm.s32 $0xE000;
	s31 =	sld [smem:$0x7DE]  }
0x11c: {  	[tilespmem:s14], [sflag:$0x1] =	stream.indirect_vreg.gather [hbm4b:s17+s2], $0x80, v2, vm0, $0xb8;
	[tilespmem:$0x1E800] =	vst v63  }
0x11d: {  	s24 =	simm.s32 $0xE800;
	s17 =	sld [smem:$0x7DF]  }
0x11e: {  	[tilespmem:s24], [sflag:$0x1] =	stream.indirect_vreg.gather [hbm4b:s31+s2], $0x80, v2, vm0, $0xb8;
	[tilespmem:$0x1E800] =	vst v63  }
0x11f: {  	s6 =	simm.s32 $0xF000;
	s31 =	sld [smem:$0x7E0]  }
0x120: {  	[tilespmem:s6], [sflag:$0x1] =	stream.indirect_vreg.gather [hbm4b:s17+s2], $0x80, v2, vm0, $0xb8;
	[tilespmem:$0x1E800] =	vst v63  }
0x121: {  	s8 =	simm.s32 $0xF800;
	s24 =	sld [smem:$0x7E1]  }
0x122: {  	[tilespmem:s8], [sflag:$0x1] =	stream.indirect_vreg.gather [hbm4b:s31+s2], $0x80, v2, vm0, $0xb8;
	[tilespmem:$0x1E800] =	vst v63  }
0x123: {  	s14 =	simm.s32 $0x10000;
	s8 =	sld [smem:$0x7E2]  }
0x124: {  	[tilespmem:s14], [sflag:$0x1] =	stream.indirect_vreg.gather [hbm4b:s24+s2], $0x80, v2, vm0, $0xb8;
	[tilespmem:$0x1E800] =	vst v63  }
0x125: {  	s6 =	simm.s32 $0x10800;
	s24 =	sld [smem:$0x7E3]  }
0x126: {  	[tilespmem:s6], [sflag:$0x1] =	stream.indirect_vreg.gather [hbm4b:s8+s2], $0x80, v2, vm0, $0xb8;
	[tilespmem:$0x1E800] =	vst v63  }
0x127: {  	s14 =	simm.s32 $0x11000  }
0x128: {  	[tilespmem:s14], [sflag:$0x1] =	stream.indirect_vreg.gather [hbm4b:s24+s2], $0x80, v2, vm0, $0xb8;
	[tilespmem:$0x1E800] =	vst v63  }
0x129: {  	s1 =	simm.s32 $0x11800  }
0x12a: {  	[tilespmem:s1], [sflag:$0x1] =	stream.indirect_vreg.gather [hbm4b:s18+s2], $0x80, v2, vm0, $0xb8;
	[tilespmem:$0x1E800] =	vst v63  }
0x12b: {  	s18 =	sld [smem:$0x7E5];
	_ =	sdelay $0x1  }
0x12c: {  	s6 =	simm.s32 $0x12000;
	s14 =	sld [smem:$0x7E6]  }
0x12d: {  	[tilespmem:s6], [sflag:$0x1] =	stream.indirect_vreg.gather [hbm4b:s18+s2], $0x80, v2, vm0, $0xb8;
	[tilespmem:$0x1E800] =	vst v63  }
0x12e: {  	s8 =	simm.s32 $0x12800  }
0x12f: {  	[tilespmem:s8], [sflag:$0x1] =	stream.indirect_vreg.gather [hbm4b:s14+s2], $0x80, v2, vm0, $0xb8;
	[tilespmem:$0x1E800] =	vst v63  }
0x130: {  	s8 =	sld [smem:$0x7E7];
	_ =	sdelay $0x1  }
0x131: {  	s24 =	simm.s32 $0x13000;
	s6 =	sld [smem:$0x7E8]  }
0x132: {  	[tilespmem:s24], [sflag:$0x1] =	stream.indirect_vreg.gather [hbm4b:s8+s2], $0x80, v2, vm0, $0xb8;
	[tilespmem:$0x1E800] =	vst v63  }
0x133: {  	s0 =	simm.s32 $0x13800;
	s24 =	sld [smem:$0x7E9]  }
0x134: {  	[tilespmem:s0], [sflag:$0x1] =	stream.indirect_vreg.gather [hbm4b:s6+s2], $0x80, v2, vm0, $0xb8;
	[tilespmem:$0x1E800] =	vst v63  }
0x135: {  	s14 =	simm.s32 $0x14000;
	s6 =	sld [smem:$0x7EA]  }
0x136: {  	[tilespmem:s14], [sflag:$0x1] =	stream.indirect_vreg.gather [hbm4b:s24+s2], $0x80, v2, vm0, $0xb8;
	[tilespmem:$0x1E800] =	vst v63  }
0x137: {  	s0 =	simm.s32 $0x14800;
	s24 =	sld [smem:$0x7EB]  }
0x138: {  	[tilespmem:s0], [sflag:$0x1] =	stream.indirect_vreg.gather [hbm4b:s6+s2], $0x80, v2, vm0, $0xb8;
	[tilespmem:$0x1E800] =	vst v63  }
0x139: {  	s14 =	simm.s32 $0x15000;
	s6 =	sld [smem:$0x7EC]  }
0x13a: {  	[tilespmem:s14], [sflag:$0x1] =	stream.indirect_vreg.gather [hbm4b:s24+s2], $0x80, v2, vm0, $0xb8;
	[tilespmem:$0x1E800] =	vst v63  }
0x13b: {  	s0 =	simm.s32 $0x15800;
	s24 =	sld [smem:$0x7ED]  }
0x13c: {  	[tilespmem:s0], [sflag:$0x1] =	stream.indirect_vreg.gather [hbm4b:s6+s2], $0x80, v2, vm0, $0xb8;
	[tilespmem:$0x1E800] =	vst v63  }
0x13d: {  	s14 =	simm.s32 $0x16000  }
0x13e: {  	[tilespmem:s14], [sflag:$0x1] =	stream.indirect_vreg.gather [hbm4b:s24+s2], $0x80, v2, vm0, $0xb8;
	[tilespmem:$0x1E800] =	vst v63  }
0x13f: {  	s14 =	sld [smem:$0x7EE];
	_ =	sdelay $0x1  }
0x140: {  	s6 =	simm.s32 $0x16800;
	s0 =	sld [smem:$0x7EF]  }
0x141: {  	[tilespmem:s6], [sflag:$0x1] =	stream.indirect_vreg.gather [hbm4b:s14+s2], $0x80, v2, vm0, $0xb8;
	[tilespmem:$0x1E800] =	vst v63  }
0x142: {  	s24 =	simm.s32 $0x17000  }
0x143: {  	[tilespmem:s24], [sflag:$0x1] =	stream.indirect_vreg.gather [hbm4b:s0+s2], $0x80, v2, vm0, $0xb8;
	[tilespmem:$0x1E800] =	vst v63  }
0x144: {  	s1 =	sld [smem:$0x7F1];
	s6 =	simm.s32 $0x17800  }
0x145: {  	[tilespmem:s6], [sflag:$0x1] =	stream.indirect_vreg.gather [hbm4b:s13+s2], $0x80, v2, vm0, $0xb8;
	[tilespmem:$0x1E800] =	vst v63  }
0x146: {  	s24 =	simm.s32 $0x18000;
	s13 =	sld [smem:$0x7F2]  }
0x147: {  	[tilespmem:s24], [sflag:$0x1] =	stream.indirect_vreg.gather [hbm4b:s1+s2], $0x80, v2, vm0, $0xb8;
	[tilespmem:$0x1E800] =	vst v63  }
0x148: {  	s0 =	simm.s32 $0x18800;
	s24 =	sld [smem:$0x7F3]  }
0x149: {  	[tilespmem:s0], [sflag:$0x1] =	stream.indirect_vreg.gather [hbm4b:s13+s2], $0x80, v2, vm0, $0xb8;
	[tilespmem:$0x1E800] =	vst v63  }
0x14a: {  	s6 =	simm.s32 $0x19000  }
0x14b: {  	[tilespmem:s6], [sflag:$0x1] =	stream.indirect_vreg.gather [hbm4b:s24+s2], $0x80, v2, vm0, $0xb8;
	[tilespmem:$0x1E800] =	vst v63  }
0x14c: {  	s24 =	sld [smem:$0x7F4];
	_ =	sdelay $0x1  }
0x14d: {  	s6 =	simm.s32 $0x19800  }
0x14e: {  	[tilespmem:s6], [sflag:$0x1] =	stream.indirect_vreg.gather [hbm4b:s24+s2], $0x80, v2, vm0, $0xb8;
	[tilespmem:$0x1E800] =	vst v63  }
0x14f: {  	s24 =	simm.s32 $0x1A000  }
0x150: {  	[tilespmem:s24], [sflag:$0x1] =	stream.indirect_vreg.gather [hbm4b:s4+s2], $0x80, v2, vm0, $0xb8;
	[tilespmem:$0x1E800] =	vst v63  }
0x151: {  	s24 =	sld [smem:$0x7F6];
	_ =	sdelay $0x1  }
0x152: {  	s6 =	simm.s32 $0x1A800  }
0x153: {  	[tilespmem:s6], [sflag:$0x1] =	stream.indirect_vreg.gather [hbm4b:s24+s2], $0x80, v2, vm0, $0xb8;
	[tilespmem:$0x1E800] =	vst v63  }
0x154: {  	s24 =	sld [smem:$0x7F7];
	_ =	sdelay $0x1  }
0x155: {  	s6 =	simm.s32 $0x1B000  }
0x156: {  	[tilespmem:s6], [sflag:$0x1] =	stream.indirect_vreg.gather [hbm4b:s24+s2], $0x80, v2, vm0, $0xb8;
	[tilespmem:$0x1E800] =	vst v63  }
0x157: {  	s6 =	sld [smem:$0x7F8];
	_ =	sdelay $0x1  }
0x158: {  	s4 =	simm.s32 $0x1B800  }
0x159: {  	[tilespmem:s4], [sflag:$0x1] =	stream.indirect_vreg.gather [hbm4b:s6+s2], $0x80, v2, vm0, $0xb8;
	[tilespmem:$0x1E800] =	vst v63  }
0x15a: {  	s4 =	sld [smem:$0x7F9];
	_ =	sdelay $0x1  }
0x15b: {  	s24 =	simm.s32 $0x1C000  }
0x15c: {  	[tilespmem:s24], [sflag:$0x1] =	stream.indirect_vreg.gather [hbm4b:s4+s2], $0x80, v2, vm0, $0xb8;
	[tilespmem:$0x1E800] =	vst v63  }
0x15d: {  	s6 =	simm.s32 $0x1C800  }
0x15e: {  	[tilespmem:s6], [sflag:$0x1] =	stream.indirect_vreg.gather [hbm4b:s20+s2], $0x80, v2, vm0, $0xb8;
	[tilespmem:$0x1E800] =	vst v63  }
0x15f: {  	s24 =	simm.s32 $0x1D000  }
0x160: {  	[tilespmem:s24], [sflag:$0x1] =	stream.indirect_vreg.gather [hbm4b:s15+s2], $0x80, v2, vm0, $0xb8;
	[tilespmem:$0x1E800] =	vst v63  }
0x161: {  	s15 =	sld [smem:$0x7FC];
	_ =	sdelay $0x1  }
0x162: {  	s6 =	simm.s32 $0x1D800  }
0x163: {  	[tilespmem:s6], [sflag:$0x1] =	stream.indirect_vreg.gather [hbm4b:s15+s2], $0x80, v2, vm0, $0xb8;
	[tilespmem:$0x1E800] =	vst v63  }
0x164: {  	s20 =	simm.s32 $0x1E000;
	s24 =	simm.s32 $0x1  }
0x165: {  	[tilespmem:s20], [sflag:$0x1] =	stream.indirect_vreg.gather [hbm4b:s12+s2], $0x80, v2, vm0, $0xb8;
	[tilespmem:$0x1E800] =	vst v63  }
0x166: {  	_ =	swait.ge [sflag:s24], $0x1E000  }
0x167: {  	s15 =	simm.s32 $0x2;
	[sflag:s24] =	ssyncset.done $0x0  }
0x168: {  	s12 =	simm.s32 $0x800;
	s0 =	rddreg [dreg:$0x4];
	[sflag:s24] =	ssyncadd.s32 $0xFFFE2000  }
0x169: {  	[hbm4b:s0+s2] =	stream.linear.scatter [tilespmem:s12], [sflag:$0x2], $0x1E000, $0x38;
	[tilespmem:$0x1E800] =	vst v63  }
0x16a: {  	_ =	swait.ge [sflag:s15], $0x1E000  }
0x16b: {  	[sflag:s15] =	ssyncset.done $0x0  }
0x16c: {  	[sflag:s15] =	ssyncadd.s32 $0xFFFE2000  }
0x16d: {  	v2 =	vld.msk [tilespmem:$0x100], $0xff;
	_ =	sdelay $0x4  }
0x16e: {  	v3 =	vshrl.u32 v2, $0x3  }
0x16f: {  	v3 =	vmul.u32 $0x3C0, v3  }
0x170: {  	v2 =	vand.u32 $0x7, v2  }
0x171: {  	v2 =	vor.u32 v2, v3  }
0x172: {  	v2 =	vperm.xlane v2, v0;
	_ =	sdelay $0x1  }
0x173: {  	v2 =	vadd.s32 v1, v2;
	_ =	sdelay $0x4  }
0x174: {  	[tilespmem:s12], [sflag:$0x1] =	stream.indirect_vreg.gather [hbm4b:s19+s2], $0x80, v2, vm0, $0xb8;
	[tilespmem:$0x1E800] =	vst v63  }
0x175: {  	s24 =	simm.s32 $0x1000  }
0x176: {  	[tilespmem:s24], [sflag:$0x1] =	stream.indirect_vreg.gather [hbm4b:s26+s2], $0x80, v2, vm0, $0xb8;
	[tilespmem:$0x1E800] =	vst v63  }
0x177: {  	s0 =	simm.s32 $0x1800  }
0x178: {  	[tilespmem:s0], [sflag:$0x1] =	stream.indirect_vreg.gather [hbm4b:s10+s2], $0x80, v2, vm0, $0xb8;
	[tilespmem:$0x1E800] =	vst v63  }
0x179: {  	s10 =	simm.s32 $0x2000  }
0x17a: {  	[tilespmem:s10], [sflag:$0x1] =	stream.indirect_vreg.gather [hbm4b:s25+s2], $0x80, v2, vm0, $0xb8;
	[tilespmem:$0x1E800] =	vst v63  }
0x17b: {  	s12 =	simm.s32 $0x2800  }
0x17c: {  	[tilespmem:s12], [sflag:$0x1] =	stream.indirect_vreg.gather [hbm4b:s28+s2], $0x80, v2, vm0, $0xb8;
	[tilespmem:$0x1E800] =	vst v63  }
0x17d: {  	s15 =	simm.s32 $0x3000;
	s24 =	rddreg [dreg:$0x12]  }
0x17e: {  	[tilespmem:s15], [sflag:$0x1] =	stream.indirect_vreg.gather [hbm4b:s24+s2], $0x80, v2, vm0, $0xb8;
	[tilespmem:$0x1E800] =	vst v63  }
0x17f: {  	s20 =	simm.s32 $0x3800  }
0x180: {  	[tilespmem:s20], [sflag:$0x1] =	stream.indirect_vreg.gather [hbm4b:s3+s2], $0x80, v2, vm0, $0xb8;
	[tilespmem:$0x1E800] =	vst v63  }
0x181: {  	s19 =	smov.u32 s25;
	s25 =	simm.s32 $0x4000;
	s12 =	rddreg [dreg:$0x14]  }
0x182: {  	[tilespmem:s25], [sflag:$0x1] =	stream.indirect_vreg.gather [hbm4b:s12+s2], $0x80, v2, vm0, $0xb8;
	[tilespmem:$0x1E800] =	vst v63  }
0x183: {  	s26 =	simm.s32 $0x4800  }
0x184: {  	[tilespmem:s26], [sflag:$0x1] =	stream.indirect_vreg.gather [hbm4b:s16+s2], $0x80, v2, vm0, $0xb8;
	[tilespmem:$0x1E800] =	vst v63  }
0x185: {  	s28 =	simm.s32 $0x5000;
	s15 =	rddreg [dreg:$0x16]  }
0x186: {  	[tilespmem:s28], [sflag:$0x1] =	stream.indirect_vreg.gather [hbm4b:s15+s2], $0x80, v2, vm0, $0xb8;
	[tilespmem:$0x1E800] =	vst v63  }
0x187: {  	s0 =	simm.s32 $0x5800;
	s20 =	rddreg [dreg:$0x17]  }
0x188: {  	[tilespmem:s0], [sflag:$0x1] =	stream.indirect_vreg.gather [hbm4b:s20+s2], $0x80, v2, vm0, $0xb8;
	[tilespmem:$0x1E800] =	vst v63  }
0x189: {  	s6 =	simm.s32 $0x6000;
	s26 =	smov.u32 s16;
	s16 =	rddreg [dreg:$0x18]  }
0x18a: {  	[tilespmem:s6], [sflag:$0x1] =	stream.indirect_vreg.gather [hbm4b:s16+s2], $0x80, v2, vm0, $0xb8;
	[tilespmem:$0x1E800] =	vst v63  }
0x18b: {  	s10 =	simm.s32 $0x6800;
	s3 =	rddreg [dreg:$0x19]  }
0x18c: {  	[tilespmem:s10], [sflag:$0x1] =	stream.indirect_vreg.gather [hbm4b:s3+s2], $0x80, v2, vm0, $0xb8;
	[tilespmem:$0x1E800] =	vst v63  }
0x18d: {  	s25 =	simm.s32 $0x7000  }
0x18e: {  	[tilespmem:s25], [sflag:$0x1] =	stream.indirect_vreg.gather [hbm4b:s21+s2], $0x80, v2, vm0, $0xb8;
	[tilespmem:$0x1E800] =	vst v63  }
0x18f: {  	s28 =	simm.s32 $0x7800;
	s25 =	rddreg [dreg:$0x1c]  }
0x190: {  	[tilespmem:s28], [sflag:$0x1] =	stream.indirect_vreg.gather [hbm4b:s25+s2], $0x80, v2, vm0, $0xb8;
	[tilespmem:$0x1E800] =	vst v63  }
0x191: {  	s0 =	simm.s32 $0x8000  }
0x192: {  	[tilespmem:s0], [sflag:$0x1] =	stream.indirect_vreg.gather [hbm4b:s11+s2], $0x80, v2, vm0, $0xb8;
	[tilespmem:$0x1E800] =	vst v63  }
0x193: {  	s10 =	simm.s32 $0x8800  }
0x194: {  	[tilespmem:s10], [sflag:$0x1] =	stream.indirect_vreg.gather [hbm4b:s29+s2], $0x80, v2, vm0, $0xb8;
	[tilespmem:$0x1E800] =	vst v63  }
0x195: {  	s21 =	simm.s32 $0x9000;
	s11 =	rddreg [dreg:$0x1f]  }
0x196: {  	[tilespmem:s21], [sflag:$0x1] =	stream.indirect_vreg.gather [hbm4b:s11+s2], $0x80, v2, vm0, $0xb8;
	[tilespmem:$0x1E800] =	vst v63  }
0x197: {  	s28 =	simm.s32 $0x9800;
	s29 =	sld [smem:$0x7D5]  }
0x198: {  	[tilespmem:s28], [sflag:$0x1] =	stream.indirect_vreg.gather [hbm4b:s30+s2], $0x80, v2, vm0, $0xb8;
	[tilespmem:$0x1E800] =	vst v63  }
0x199: {  	s30 =	simm.s32 $0xA000  }
0x19a: {  	[tilespmem:s30], [sflag:$0x1] =	stream.indirect_vreg.gather [hbm4b:s29+s2], $0x80, v2, vm0, $0xb8;
	[tilespmem:$0x1E800] =	vst v63  }
0x19b: {  	s0 =	simm.s32 $0xA800  }
0x19c: {  	[tilespmem:s0], [sflag:$0x1] =	stream.indirect_vreg.gather [hbm4b:s9+s2], $0x80, v2, vm0, $0xb8;
	[tilespmem:$0x1E800] =	vst v63  }
0x19d: {  	s9 =	simm.s32 $0xB000  }
0x19e: {  	[tilespmem:s9], [sflag:$0x1] =	stream.indirect_vreg.gather [hbm4b:s23+s2], $0x80, v2, vm0, $0xb8;
	[tilespmem:$0x1E800] =	vst v63  }
0x19f: {  	s10 =	simm.s32 $0xB800;
	s28 =	sld [smem:$0x7D9]  }
0x1a0: {  	[tilespmem:s10], [sflag:$0x1] =	stream.indirect_vreg.gather [hbm4b:s5+s2], $0x80, v2, vm0, $0xb8;
	[tilespmem:$0x1E800] =	vst v63  }
0x1a1: {  	s11 =	simm.s32 $0xC000  }
0x1a2: {  	[tilespmem:s11], [sflag:$0x1] =	stream.indirect_vreg.gather [hbm4b:s28+s2], $0x80, v2, vm0, $0xb8;
	[tilespmem:$0x1E800] =	vst v63  }
0x1a3: {  	s21 =	simm.s32 $0xC800  }
0x1a4: {  	[tilespmem:s21], [sflag:$0x1] =	stream.indirect_vreg.gather [hbm4b:s7+s2], $0x80, v2, vm0, $0xb8;
	[tilespmem:$0x1E800] =	vst v63  }
0x1a5: {  	s23 =	simm.s32 $0xD000;
	s10 =	sld [smem:$0x7DC]  }
0x1a6: {  	[tilespmem:s23], [sflag:$0x1] =	stream.indirect_vreg.gather [hbm4b:s22+s2], $0x80, v2, vm0, $0xb8;
	[tilespmem:$0x1E800] =	vst v63  }
0x1a7: {  	s29 =	simm.s32 $0xD800;
	s5 =	sld [smem:$0x7DD]  }
0x1a8: {  	[tilespmem:s29], [sflag:$0x1] =	stream.indirect_vreg.gather [hbm4b:s10+s2], $0x80, v2, vm0, $0xb8;
	[tilespmem:$0x1E800] =	vst v63  }
0x1a9: {  	s30 =	simm.s32 $0xE000;
	s9 =	sld [smem:$0x7DE]  }
0x1aa: {  	[tilespmem:s30], [sflag:$0x1] =	stream.indirect_vreg.gather [hbm4b:s5+s2], $0x80, v2, vm0, $0xb8;
	[tilespmem:$0x1E800] =	vst v63  }
0x1ab: {  	s0 =	simm.s32 $0xE800  }
0x1ac: {  	[tilespmem:s0], [sflag:$0x1] =	stream.indirect_vreg.gather [hbm4b:s9+s2], $0x80, v2, vm0, $0xb8;
	[tilespmem:$0x1E800] =	vst v63  }
0x1ad: {  	s7 =	simm.s32 $0xF000  }
0x1ae: {  	[tilespmem:s7], [sflag:$0x1] =	stream.indirect_vreg.gather [hbm4b:s17+s2], $0x80, v2, vm0, $0xb8;
	[tilespmem:$0x1E800] =	vst v63  }
0x1af: {  	s11 =	simm.s32 $0xF800;
	s17 =	sld [smem:$0x7E1]  }
0x1b0: {  	[tilespmem:s11], [sflag:$0x1] =	stream.indirect_vreg.gather [hbm4b:s31+s2], $0x80, v2, vm0, $0xb8;
	[tilespmem:$0x1E800] =	vst v63  }
0x1b1: {  	s21 =	simm.s32 $0x10000;
	s22 =	sld [smem:$0x7E2]  }
0x1b2: {  	[tilespmem:s21], [sflag:$0x1] =	stream.indirect_vreg.gather [hbm4b:s17+s2], $0x80, v2, vm0, $0xb8;
	[tilespmem:$0x1E800] =	vst v63  }
0x1b3: {  	s23 =	simm.s32 $0x10800;
	s29 =	sld [smem:$0x7E3]  }
0x1b4: {  	[tilespmem:s23], [sflag:$0x1] =	stream.indirect_vreg.gather [hbm4b:s22+s2], $0x80, v2, vm0, $0xb8;
	[tilespmem:$0x1E800] =	vst v63  }
0x1b5: {  	s30 =	simm.s32 $0x11000;
	s31 =	sld [smem:$0x7E4]  }
0x1b6: {  	[tilespmem:s30], [sflag:$0x1] =	stream.indirect_vreg.gather [hbm4b:s29+s2], $0x80, v2, vm0, $0xb8;
	[tilespmem:$0x1E800] =	vst v63  }
0x1b7: {  	s0 =	simm.s32 $0x11800  }
0x1b8: {  	[tilespmem:s0], [sflag:$0x1] =	stream.indirect_vreg.gather [hbm4b:s31+s2], $0x80, v2, vm0, $0xb8;
	[tilespmem:$0x1E800] =	vst v63  }
0x1b9: {  	s11 =	simm.s32 $0x12000;
	s17 =	sld [smem:$0x7E6]  }
0x1ba: {  	[tilespmem:s11], [sflag:$0x1] =	stream.indirect_vreg.gather [hbm4b:s18+s2], $0x80, v2, vm0, $0xb8;
	[tilespmem:$0x1E800] =	vst v63  }
0x1bb: {  	s18 =	simm.s32 $0x12800  }
0x1bc: {  	[tilespmem:s18], [sflag:$0x1] =	stream.indirect_vreg.gather [hbm4b:s17+s2], $0x80, v2, vm0, $0xb8;
	[tilespmem:$0x1E800] =	vst v63  }
0x1bd: {  	s22 =	simm.s32 $0x13000;
	s11 =	sld [smem:$0x7E8]  }
0x1be: {  	[tilespmem:s22], [sflag:$0x1] =	stream.indirect_vreg.gather [hbm4b:s8+s2], $0x80, v2, vm0, $0xb8;
	[tilespmem:$0x1E800] =	vst v63  }
0x1bf: {  	s23 =	simm.s32 $0x13800;
	s29 =	sld [smem:$0x7E9]  }
0x1c0: {  	[tilespmem:s23], [sflag:$0x1] =	stream.indirect_vreg.gather [hbm4b:s11+s2], $0x80, v2, vm0, $0xb8;
	[tilespmem:$0x1E800] =	vst v63  }
0x1c1: {  	s30 =	simm.s32 $0x14000;
	s31 =	sld [smem:$0x7EA]  }
0x1c2: {  	[tilespmem:s30], [sflag:$0x1] =	stream.indirect_vreg.gather [hbm4b:s29+s2], $0x80, v2, vm0, $0xb8;
	[tilespmem:$0x1E800] =	vst v63  }
0x1c3: {  	s0 =	simm.s32 $0x14800;
	s23 =	sld [smem:$0x7EB]  }
0x1c4: {  	[tilespmem:s0], [sflag:$0x1] =	stream.indirect_vreg.gather [hbm4b:s31+s2], $0x80, v2, vm0, $0xb8;
	[tilespmem:$0x1E800] =	vst v63  }
0x1c5: {  	s17 =	sld [smem:$0x7EC];
	s8 =	simm.s32 $0x15000  }
0x1c6: {  	[tilespmem:s8], [sflag:$0x1] =	stream.indirect_vreg.gather [hbm4b:s23+s2], $0x80, v2, vm0, $0xb8;
	[tilespmem:$0x1E800] =	vst v63  }
0x1c7: {  	s21 =	sld [smem:$0x7ED];
	s18 =	simm.s32 $0x15800  }
0x1c8: {  	[tilespmem:s18], [sflag:$0x1] =	stream.indirect_vreg.gather [hbm4b:s17+s2], $0x80, v2, vm0, $0xb8;
	[tilespmem:$0x1E800] =	vst v63  }
0x1c9: {  	s22 =	simm.s32 $0x16000  }
0x1ca: {  	[tilespmem:s22], [sflag:$0x1] =	stream.indirect_vreg.gather [hbm4b:s21+s2], $0x80, v2, vm0, $0xb8;
	[tilespmem:$0x1E800] =	vst v63  }
0x1cb: {  	s29 =	simm.s32 $0x16800;
	s30 =	sld [smem:$0x7EF]  }
0x1cc: {  	[tilespmem:s29], [sflag:$0x1] =	stream.indirect_vreg.gather [hbm4b:s14+s2], $0x80, v2, vm0, $0xb8;
	[tilespmem:$0x1E800] =	vst v63  }
0x1cd: {  	s6 =	sld [smem:$0x7F0];
	s31 =	simm.s32 $0x17000  }
0x1ce: {  	[tilespmem:s31], [sflag:$0x1] =	stream.indirect_vreg.gather [hbm4b:s30+s2], $0x80, v2, vm0, $0xb8;
	[tilespmem:$0x1E800] =	vst v63  }
0x1cf: {  	s7 =	simm.s32 $0x17800  }
0x1d0: {  	[tilespmem:s7], [sflag:$0x1] =	stream.indirect_vreg.gather [hbm4b:s6+s2], $0x80, v2, vm0, $0xb8;
	[tilespmem:$0x1E800] =	vst v63  }
0x1d1: {  	s8 =	simm.s32 $0x18000  }
0x1d2: {  	[tilespmem:s8], [sflag:$0x1] =	stream.indirect_vreg.gather [hbm4b:s1+s2], $0x80, v2, vm0, $0xb8;
	[tilespmem:$0x1E800] =	vst v63  }
0x1d3: {  	s14 =	simm.s32 $0x18800;
	s8 =	sld [smem:$0x7F3]  }
0x1d4: {  	[tilespmem:s14], [sflag:$0x1] =	stream.indirect_vreg.gather [hbm4b:s13+s2], $0x80, v2, vm0, $0xb8;
	[tilespmem:$0x1E800] =	vst v63  }
0x1d5: {  	s17 =	simm.s32 $0x19000;
	s18 =	sld [smem:$0x7F4]  }
0x1d6: {  	[tilespmem:s17], [sflag:$0x1] =	stream.indirect_vreg.gather [hbm4b:s8+s2], $0x80, v2, vm0, $0xb8;
	[tilespmem:$0x1E800] =	vst v63  }
0x1d7: {  	s21 =	simm.s32 $0x19800;
	s22 =	sld [smem:$0x7F5]  }
0x1d8: {  	[tilespmem:s21], [sflag:$0x1] =	stream.indirect_vreg.gather [hbm4b:s18+s2], $0x80, v2, vm0, $0xb8;
	[tilespmem:$0x1E800] =	vst v63  }
0x1d9: {  	s29 =	simm.s32 $0x1A000;
	s31 =	sld [smem:$0x7F6]  }
0x1da: {  	[tilespmem:s29], [sflag:$0x1] =	stream.indirect_vreg.gather [hbm4b:s22+s2], $0x80, v2, vm0, $0xb8;
	[tilespmem:$0x1E800] =	vst v63  }
0x1db: {  	s30 =	simm.s32 $0x1A800  }
0x1dc: {  	[tilespmem:s30], [sflag:$0x1] =	stream.indirect_vreg.gather [hbm4b:s31+s2], $0x80, v2, vm0, $0xb8;
	[tilespmem:$0x1E800] =	vst v63  }
0x1dd: {  	s30 =	sld [smem:$0x7F7];
	_ =	sdelay $0x1  }
0x1de: {  	s1 =	simm.s32 $0x1B000;
	s29 =	sld [smem:$0x7F8]  }
0x1df: {  	[tilespmem:s1], [sflag:$0x1] =	stream.indirect_vreg.gather [hbm4b:s30+s2], $0x80, v2, vm0, $0xb8;
	[tilespmem:$0x1E800] =	vst v63  }
0x1e0: {  	s6 =	simm.s32 $0x1B800  }
0x1e1: {  	[tilespmem:s6], [sflag:$0x1] =	stream.indirect_vreg.gather [hbm4b:s29+s2], $0x80, v2, vm0, $0xb8;
	[tilespmem:$0x1E800] =	vst v63  }
0x1e2: {  	s7 =	simm.s32 $0x1C000;
	s13 =	sld [smem:$0x7FA]  }
0x1e3: {  	[tilespmem:s7], [sflag:$0x1] =	stream.indirect_vreg.gather [hbm4b:s4+s2], $0x80, v2, vm0, $0xb8;
	[tilespmem:$0x1E800] =	vst v63  }
0x1e4: {  	s14 =	simm.s32 $0x1C800;
	s17 =	sld [smem:$0x7FB]  }
0x1e5: {  	[tilespmem:s14], [sflag:$0x1] =	stream.indirect_vreg.gather [hbm4b:s13+s2], $0x80, v2, vm0, $0xb8;
	[tilespmem:$0x1E800] =	vst v63  }
0x1e6: {  	s18 =	simm.s32 $0x1D000;
	s21 =	sld [smem:$0x7FC]  }
0x1e7: {  	[tilespmem:s18], [sflag:$0x1] =	stream.indirect_vreg.gather [hbm4b:s17+s2], $0x80, v2, vm0, $0xb8;
	[tilespmem:$0x1E800] =	vst v63  }
0x1e8: {  	s22 =	simm.s32 $0x1D800;
	s1 =	sld [smem:$0x7FD]  }
0x1e9: {  	[tilespmem:s22], [sflag:$0x1] =	stream.indirect_vreg.gather [hbm4b:s21+s2], $0x80, v2, vm0, $0xb8;
	[tilespmem:$0x1E800] =	vst v63  }
0x1ea: {  	s6 =	simm.s32 $0x1;
	s4 =	simm.s32 $0x1E000  }
0x1eb: {  	[tilespmem:s4], [sflag:$0x1] =	stream.indirect_vreg.gather [hbm4b:s1+s2], $0x80, v2, vm0, $0xb8;
	[tilespmem:$0x1E800] =	vst v63  }
0x1ec: {  	_ =	swait.ge [sflag:s6], $0x1E000  }
0x1ed: {  	s13 =	simm.s32 $0x800;
	[sflag:s6] =	ssyncset.done $0x0  }
0x1ee: {  	s14 =	simm.s32 $0x2;
	s7 =	rddreg [dreg:$0x5];
	[sflag:s6] =	ssyncadd.s32 $0xFFFE2000  }
0x1ef: {  	[hbm4b:s7+s2] =	stream.linear.scatter [tilespmem:s13], [sflag:$0x2], $0x1E000, $0x38;
	[tilespmem:$0x1E800] =	vst v63  }
0x1f0: {  	_ =	swait.ge [sflag:s14], $0x1E000  }
0x1f1: {  	[sflag:s14] =	ssyncset.done $0x0  }
0x1f2: {  	[sflag:s14] =	ssyncadd.s32 $0xFFFE2000  }
0x1f3: {  	v2 =	vld.msk [tilespmem:$0x180], $0xff;
	_ =	sdelay $0x4  }
0x1f4: {  	v3 =	vshrl.u32 v2, $0x3  }
0x1f5: {  	v3 =	vmul.u32 $0x3C0, v3  }
0x1f6: {  	v2 =	vand.u32 $0x7, v2  }
0x1f7: {  	v2 =	vor.u32 v2, v3  }
0x1f8: {  	v2 =	vperm.xlane v2, v0;
	_ =	sdelay $0x1  }
0x1f9: {  	v2 =	vadd.s32 v1, v2;
	_ =	sdelay $0x3  }
0x1fa: {  	s18 =	rddreg [dreg:$0xd]  }
0x1fb: {  	[tilespmem:s13], [sflag:$0x1] =	stream.indirect_vreg.gather [hbm4b:s18+s2], $0x80, v2, vm0, $0xb8;
	[tilespmem:$0x1E800] =	vst v63  }
0x1fc: {  	s21 =	simm.s32 $0x1000;
	s17 =	rddreg [dreg:$0xe]  }
0x1fd: {  	[tilespmem:s21], [sflag:$0x1] =	stream.indirect_vreg.gather [hbm4b:s17+s2], $0x80, v2, vm0, $0xb8;
	[tilespmem:$0x1E800] =	vst v63  }
0x1fe: {  	s22 =	simm.s32 $0x1800;
	s21 =	rddreg [dreg:$0xf]  }
0x1ff: {  	[tilespmem:s22], [sflag:$0x1] =	stream.indirect_vreg.gather [hbm4b:s21+s2], $0x80, v2, vm0, $0xb8;
	[tilespmem:$0x1E800] =	vst v63  }
0x200: {  	s4 =	simm.s32 $0x2000  }
0x201: {  	[tilespmem:s4], [sflag:$0x1] =	stream.indirect_vreg.gather [hbm4b:s19+s2], $0x80, v2, vm0, $0xb8;
	[tilespmem:$0x1E800] =	vst v63  }
0x202: {  	s6 =	simm.s32 $0x2800;
	s19 =	rddreg [dreg:$0x11]  }
0x203: {  	[tilespmem:s6], [sflag:$0x1] =	stream.indirect_vreg.gather [hbm4b:s19+s2], $0x80, v2, vm0, $0xb8;
	[tilespmem:$0x1E800] =	vst v63  }
0x204: {  	s7 =	simm.s32 $0x3000  }
0x205: {  	[tilespmem:s7], [sflag:$0x1] =	stream.indirect_vreg.gather [hbm4b:s24+s2], $0x80, v2, vm0, $0xb8;
	[tilespmem:$0x1E800] =	vst v63  }
0x206: {  	s14 =	rddreg [dreg:$0x13];
	s13 =	simm.s32 $0x3800  }
0x207: {  	[tilespmem:s13], [sflag:$0x1] =	stream.indirect_vreg.gather [hbm4b:s14+s2], $0x80, v2, vm0, $0xb8;
	[tilespmem:$0x1E800] =	vst v63  }
0x208: {  	s17 =	simm.s32 $0x4000  }
0x209: {  	[tilespmem:s17], [sflag:$0x1] =	stream.indirect_vreg.gather [hbm4b:s12+s2], $0x80, v2, vm0, $0xb8;
	[tilespmem:$0x1E800] =	vst v63  }
0x20a: {  	s22 =	simm.s32 $0x4800  }
0x20b: {  	[tilespmem:s22], [sflag:$0x1] =	stream.indirect_vreg.gather [hbm4b:s26+s2], $0x80, v2, vm0, $0xb8;
	[tilespmem:$0x1E800] =	vst v63  }
0x20c: {  	s24 =	simm.s32 $0x5000  }
0x20d: {  	[tilespmem:s24], [sflag:$0x1] =	stream.indirect_vreg.gather [hbm4b:s15+s2], $0x80, v2, vm0, $0xb8;
	[tilespmem:$0x1E800] =	vst v63  }
0x20e: {  	s26 =	simm.s32 $0x5800  }
0x20f: {  	[tilespmem:s26], [sflag:$0x1] =	stream.indirect_vreg.gather [hbm4b:s20+s2], $0x80, v2, vm0, $0xb8;
	[tilespmem:$0x1E800] =	vst v63  }
0x210: {  	s4 =	simm.s32 $0x6000  }
0x211: {  	[tilespmem:s4], [sflag:$0x1] =	stream.indirect_vreg.gather [hbm4b:s16+s2], $0x80, v2, vm0, $0xb8;
	[tilespmem:$0x1E800] =	vst v63  }
0x212: {  	s6 =	simm.s32 $0x6800  }
0x213: {  	[tilespmem:s6], [sflag:$0x1] =	stream.indirect_vreg.gather [hbm4b:s3+s2], $0x80, v2, vm0, $0xb8;
	[tilespmem:$0x1E800] =	vst v63  }
0x214: {  	s7 =	simm.s32 $0x7000;
	s22 =	rddreg [dreg:$0x1a]  }
0x215: {  	[tilespmem:s7], [sflag:$0x1] =	stream.indirect_vreg.gather [hbm4b:s22+s2], $0x80, v2, vm0, $0xb8;
	[tilespmem:$0x1E800] =	vst v63  }
0x216: {  	s12 =	simm.s32 $0x7800;
	s17 =	rddreg [dreg:$0x1f]  }
0x217: {  	[tilespmem:s12], [sflag:$0x1] =	stream.indirect_vreg.gather [hbm4b:s25+s2], $0x80, v2, vm0, $0xb8;
	[tilespmem:$0x1E800] =	vst v63  }
0x218: {  	s13 =	simm.s32 $0x8000;
	s12 =	rddreg [dreg:$0x1d]  }
0x219: {  	[tilespmem:s13], [sflag:$0x1] =	stream.indirect_vreg.gather [hbm4b:s12+s2], $0x80, v2, vm0, $0xb8;
	[tilespmem:$0x1E800] =	vst v63  }
0x21a: {  	s14 =	simm.s32 $0x8800;
	s15 =	rddreg [dreg:$0x1e]  }
0x21b: {  	[tilespmem:s14], [sflag:$0x1] =	stream.indirect_vreg.gather [hbm4b:s15+s2], $0x80, v2, vm0, $0xb8;
	[tilespmem:$0x1E800] =	vst v63  }
0x21c: {  	s16 =	simm.s32 $0x9000;
	s7 =	sld [smem:$0x7D4]  }
0x21d: {  	[tilespmem:s16], [sflag:$0x1] =	stream.indirect_vreg.gather [hbm4b:s17+s2], $0x80, v2, vm0, $0xb8;
	[tilespmem:$0x1E800] =	vst v63  }
0x21e: {  	s20 =	simm.s32 $0x9800;
	s3 =	sld [smem:$0x7D5]  }
0x21f: {  	[tilespmem:s20], [sflag:$0x1] =	stream.indirect_vreg.gather [hbm4b:s7+s2], $0x80, v2, vm0, $0xb8;
	[tilespmem:$0x1E800] =	vst v63  }
0x220: {  	s24 =	simm.s32 $0xA000;
	s20 =	sld [smem:$0x7D6]  }
0x221: {  	[tilespmem:s24], [sflag:$0x1] =	stream.indirect_vreg.gather [hbm4b:s3+s2], $0x80, v2, vm0, $0xb8;
	[tilespmem:$0x1E800] =	vst v63  }
0x222: {  	s4 =	sld [smem:$0x7D7];
	s25 =	simm.s32 $0xA800  }
0x223: {  	[tilespmem:s25], [sflag:$0x1] =	stream.indirect_vreg.gather [hbm4b:s20+s2], $0x80, v2, vm0, $0xb8;
	[tilespmem:$0x1E800] =	vst v63  }
0x224: {  	s26 =	simm.s32 $0xB000;
	s13 =	sld [smem:$0x7D8]  }
0x225: {  	[tilespmem:s26], [sflag:$0x1] =	stream.indirect_vreg.gather [hbm4b:s4+s2], $0x80, v2, vm0, $0xb8;
	[tilespmem:$0x1E800] =	vst v63  }
0x226: {  	s6 =	simm.s32 $0xB800  }
0x227: {  	[tilespmem:s6], [sflag:$0x1] =	stream.indirect_vreg.gather [hbm4b:s13+s2], $0x80, v2, vm0, $0xb8;
	[tilespmem:$0x1E800] =	vst v63  }
0x228: {  	s14 =	simm.s32 $0xC000;
	s25 =	sld [smem:$0x7DA]  }
0x229: {  	[tilespmem:s14], [sflag:$0x1] =	stream.indirect_vreg.gather [hbm4b:s28+s2], $0x80, v2, vm0, $0xb8;
	[tilespmem:$0x1E800] =	vst v63  }
0x22a: {  	s16 =	simm.s32 $0xC800;
	s24 =	sld [smem:$0x7DB]  }
0x22b: {  	[tilespmem:s16], [sflag:$0x1] =	stream.indirect_vreg.gather [hbm4b:s25+s2], $0x80, v2, vm0, $0xb8;
	[tilespmem:$0x1E800] =	vst v63  }
0x22c: {  	s26 =	simm.s32 $0xD000  }
0x22d: {  	[tilespmem:s26], [sflag:$0x1] =	stream.indirect_vreg.gather [hbm4b:s24+s2], $0x80, v2, vm0, $0xb8;
	[tilespmem:$0x1E800] =	vst v63  }
0x22e: {  	s14 =	simm.s32 $0xD800  }
0x22f: {  	[tilespmem:s14], [sflag:$0x1] =	stream.indirect_vreg.gather [hbm4b:s10+s2], $0x80, v2, vm0, $0xb8;
	[tilespmem:$0x1E800] =	vst v63  }
0x230: {  	s16 =	simm.s32 $0xE000  }
0x231: {  	[tilespmem:s16], [sflag:$0x1] =	stream.indirect_vreg.gather [hbm4b:s5+s2], $0x80, v2, vm0, $0xb8;
	[tilespmem:$0x1E800] =	vst v63  }
0x232: {  	s0 =	sld [smem:$0x7DF];
	s24 =	simm.s32 $0xE800  }
0x233: {  	[tilespmem:s24], [sflag:$0x1] =	stream.indirect_vreg.gather [hbm4b:s9+s2], $0x80, v2, vm0, $0xb8;
	[tilespmem:$0x1E800] =	vst v63  }
0x234: {  	s26 =	simm.s32 $0xF000  }
0x235: {  	[tilespmem:s26], [sflag:$0x1] =	stream.indirect_vreg.gather [hbm4b:s0+s2], $0x80, v2, vm0, $0xb8;
	[tilespmem:$0x1E800] =	vst v63  }
0x236: {  	s26 =	sld [smem:$0x7E0];
	_ =	sdelay $0x1  }
0x237: {  	s6 =	simm.s32 $0xF800;
	s16 =	sld [smem:$0x7E1]  }
0x238: {  	[tilespmem:s6], [sflag:$0x1] =	stream.indirect_vreg.gather [hbm4b:s26+s2], $0x80, v2, vm0, $0xb8;
	[tilespmem:$0x1E800] =	vst v63  }
0x239: {  	s9 =	simm.s32 $0x10000  }
0x23a: {  	[tilespmem:s9], [sflag:$0x1] =	stream.indirect_vreg.gather [hbm4b:s16+s2], $0x80, v2, vm0, $0xb8;
	[tilespmem:$0x1E800] =	vst v63  }
0x23b: {  	s9 =	sld [smem:$0x7E2];
	_ =	sdelay $0x1  }
0x23c: {  	s10 =	simm.s32 $0x10800  }
0x23d: {  	[tilespmem:s10], [sflag:$0x1] =	stream.indirect_vreg.gather [hbm4b:s9+s2], $0x80, v2, vm0, $0xb8;
	[tilespmem:$0x1E800] =	vst v63  }
0x23e: {  	s10 =	sld [smem:$0x7E3];
	_ =	sdelay $0x1  }
0x23f: {  	s14 =	simm.s32 $0x11000  }
0x240: {  	[tilespmem:s14], [sflag:$0x1] =	stream.indirect_vreg.gather [hbm4b:s10+s2], $0x80, v2, vm0, $0xb8;
	[tilespmem:$0x1E800] =	vst v63  }
0x241: {  	s14 =	sld [smem:$0x7E4];
	_ =	sdelay $0x1  }
0x242: {  	s24 =	simm.s32 $0x11800;
	s6 =	sld [smem:$0x7E5]  }
0x243: {  	[tilespmem:s24], [sflag:$0x1] =	stream.indirect_vreg.gather [hbm4b:s14+s2], $0x80, v2, vm0, $0xb8;
	[tilespmem:$0x1E800] =	vst v63  }
0x244: {  	s24 =	simm.s32 $0x12000  }
0x245: {  	[tilespmem:s24], [sflag:$0x1] =	stream.indirect_vreg.gather [hbm4b:s6+s2], $0x80, v2, vm0, $0xb8;
	[tilespmem:$0x1E800] =	vst v63  }
0x246: {  	s6 =	sld [smem:$0x7E6];
	_ =	sdelay $0x1  }
0x247: {  	s24 =	simm.s32 $0x12800  }
0x248: {  	[tilespmem:s24], [sflag:$0x1] =	stream.indirect_vreg.gather [hbm4b:s6+s2], $0x80, v2, vm0, $0xb8;
	[tilespmem:$0x1E800] =	vst v63  }
0x249: {  	s6 =	sld [smem:$0x7E7];
	_ =	sdelay $0x1  }
0x24a: {  	s24 =	simm.s32 $0x13000  }
0x24b: {  	[tilespmem:s24], [sflag:$0x1] =	stream.indirect_vreg.gather [hbm4b:s6+s2], $0x80, v2, vm0, $0xb8;
	[tilespmem:$0x1E800] =	vst v63  }
0x24c: {  	s6 =	simm.s32 $0x13800  }
0x24d: {  	[tilespmem:s6], [sflag:$0x1] =	stream.indirect_vreg.gather [hbm4b:s11+s2], $0x80, v2, vm0, $0xb8;
	[tilespmem:$0x1E800] =	vst v63  }
0x24e: {  	s11 =	sld [smem:$0x7E9];
	_ =	sdelay $0x1  }
0x24f: {  	s24 =	simm.s32 $0x14000;
	s6 =	sld [smem:$0x7EA]  }
0x250: {  	[tilespmem:s24], [sflag:$0x1] =	stream.indirect_vreg.gather [hbm4b:s11+s2], $0x80, v2, vm0, $0xb8;
	[tilespmem:$0x1E800] =	vst v63  }
0x251: {  	s24 =	simm.s32 $0x14800  }
0x252: {  	[tilespmem:s24], [sflag:$0x1] =	stream.indirect_vreg.gather [hbm4b:s6+s2], $0x80, v2, vm0, $0xb8;
	[tilespmem:$0x1E800] =	vst v63  }
0x253: {  	s24 =	simm.s32 $0x15000  }
0x254: {  	[tilespmem:s24], [sflag:$0x1] =	stream.indirect_vreg.gather [hbm4b:s23+s2], $0x80, v2, vm0, $0xb8;
	[tilespmem:$0x1E800] =	vst v63  }
0x255: {  	s23 =	sld [smem:$0x7EC];
	_ =	sdelay $0x1  }
0x256: {  	s5 =	sld [smem:$0x7ED];
	s6 =	simm.s32 $0x15800  }
0x257: {  	[tilespmem:s6], [sflag:$0x1] =	stream.indirect_vreg.gather [hbm4b:s23+s2], $0x80, v2, vm0, $0xb8;
	[tilespmem:$0x1E800] =	vst v63  }
0x258: {  	s24 =	simm.s32 $0x16000;
	s6 =	sld [smem:$0x7EE]  }
0x259: {  	[tilespmem:s24], [sflag:$0x1] =	stream.indirect_vreg.gather [hbm4b:s5+s2], $0x80, v2, vm0, $0xb8;
	[tilespmem:$0x1E800] =	vst v63  }
0x25a: {  	s24 =	simm.s32 $0x16800  }
0x25b: {  	[tilespmem:s24], [sflag:$0x1] =	stream.indirect_vreg.gather [hbm4b:s6+s2], $0x80, v2, vm0, $0xb8;
	[tilespmem:$0x1E800] =	vst v63  }
0x25c: {  	s6 =	sld [smem:$0x7EF];
	_ =	sdelay $0x1  }
0x25d: {  	s24 =	simm.s32 $0x17000  }
0x25e: {  	[tilespmem:s24], [sflag:$0x1] =	stream.indirect_vreg.gather [hbm4b:s6+s2], $0x80, v2, vm0, $0xb8;
	[tilespmem:$0x1E800] =	vst v63  }
0x25f: {  	s6 =	sld [smem:$0x7F0];
	_ =	sdelay $0x1  }
0x260: {  	s24 =	simm.s32 $0x17800  }
0x261: {  	[tilespmem:s24], [sflag:$0x1] =	stream.indirect_vreg.gather [hbm4b:s6+s2], $0x80, v2, vm0, $0xb8;
	[tilespmem:$0x1E800] =	vst v63  }
0x262: {  	s6 =	sld [smem:$0x7F1];
	_ =	sdelay $0x1  }
0x263: {  	s24 =	simm.s32 $0x18000  }
0x264: {  	[tilespmem:s24], [sflag:$0x1] =	stream.indirect_vreg.gather [hbm4b:s6+s2], $0x80, v2, vm0, $0xb8;
	[tilespmem:$0x1E800] =	vst v63  }
0x265: {  	s6 =	sld [smem:$0x7F2];
	_ =	sdelay $0x1  }
0x266: {  	s24 =	simm.s32 $0x18800  }
0x267: {  	[tilespmem:s24], [sflag:$0x1] =	stream.indirect_vreg.gather [hbm4b:s6+s2], $0x80, v2, vm0, $0xb8;
	[tilespmem:$0x1E800] =	vst v63  }
0x268: {  	s24 =	simm.s32 $0x19000  }
0x269: {  	[tilespmem:s24], [sflag:$0x1] =	stream.indirect_vreg.gather [hbm4b:s8+s2], $0x80, v2, vm0, $0xb8;
	[tilespmem:$0x1E800] =	vst v63  }
0x26a: {  	s8 =	sld [smem:$0x7F4];
	_ =	sdelay $0x1  }
0x26b: {  	s24 =	simm.s32 $0x19800  }
0x26c: {  	[tilespmem:s24], [sflag:$0x1] =	stream.indirect_vreg.gather [hbm4b:s8+s2], $0x80, v2, vm0, $0xb8;
	[tilespmem:$0x1E800] =	vst v63  }
0x26d: {  	s24 =	sld [smem:$0x7F5];
	_ =	sdelay $0x1  }
0x26e: {  	s6 =	simm.s32 $0x1A000  }
0x26f: {  	[tilespmem:s6], [sflag:$0x1] =	stream.indirect_vreg.gather [hbm4b:s24+s2], $0x80, v2, vm0, $0xb8;
	[tilespmem:$0x1E800] =	vst v63  }
0x270: {  	s6 =	simm.s32 $0x1A800  }
0x271: {  	[tilespmem:s6], [sflag:$0x1] =	stream.indirect_vreg.gather [hbm4b:s31+s2], $0x80, v2, vm0, $0xb8;
	[tilespmem:$0x1E800] =	vst v63  }
0x272: {  	s31 =	simm.s32 $0x1B000  }
0x273: {  	[tilespmem:s31], [sflag:$0x1] =	stream.indirect_vreg.gather [hbm4b:s30+s2], $0x80, v2, vm0, $0xb8;
	[tilespmem:$0x1E800] =	vst v63  }
0x274: {  	s31 =	simm.s32 $0x1B800;
	s30 =	sld [smem:$0x7F9]  }
0x275: {  	[tilespmem:s31], [sflag:$0x1] =	stream.indirect_vreg.gather [hbm4b:s29+s2], $0x80, v2, vm0, $0xb8;
	[tilespmem:$0x1E800] =	vst v63  }
0x276: {  	s31 =	simm.s32 $0x1C000;
	s29 =	sld [smem:$0x7FA]  }
0x277: {  	[tilespmem:s31], [sflag:$0x1] =	stream.indirect_vreg.gather [hbm4b:s30+s2], $0x80, v2, vm0, $0xb8;
	[tilespmem:$0x1E800] =	vst v63  }
0x278: {  	s30 =	simm.s32 $0x1C800  }
0x279: {  	[tilespmem:s30], [sflag:$0x1] =	stream.indirect_vreg.gather [hbm4b:s29+s2], $0x80, v2, vm0, $0xb8;
	[tilespmem:$0x1E800] =	vst v63  }
0x27a: {  	s30 =	sld [smem:$0x7FB];
	_ =	sdelay $0x1  }
0x27b: {  	s31 =	simm.s32 $0x1D000  }
0x27c: {  	[tilespmem:s31], [sflag:$0x1] =	stream.indirect_vreg.gather [hbm4b:s30+s2], $0x80, v2, vm0, $0xb8;
	[tilespmem:$0x1E800] =	vst v63  }
0x27d: {  	s31 =	sld [smem:$0x7FC];
	_ =	sdelay $0x1  }
0x27e: {  	s6 =	simm.s32 $0x1D800  }
0x27f: {  	[tilespmem:s6], [sflag:$0x1] =	stream.indirect_vreg.gather [hbm4b:s31+s2], $0x80, v2, vm0, $0xb8;
	[tilespmem:$0x1E800] =	vst v63  }
0x280: {  	s6 =	simm.s32 $0x1E000  }
0x281: {  	[tilespmem:s6], [sflag:$0x1] =	stream.indirect_vreg.gather [hbm4b:s1+s2], $0x80, v2, vm0, $0xb8;
	[tilespmem:$0x1E800] =	vst v63  }
0x282: {  	s1 =	simm.s32 $0x1  }
0x283: {  	_ =	swait.ge [sflag:s1], $0x1E000  }
0x284: {  	[sflag:s1] =	ssyncset.done $0x0  }
0x285: {  	s6 =	rddreg [dreg:$0x6];
	[sflag:s1] =	ssyncadd.s32 $0xFFFE2000;
	s1 =	simm.s32 $0x800  }
0x286: {  	[hbm4b:s6+s2] =	stream.linear.scatter [tilespmem:s1], [sflag:$0x2], $0x1E000, $0x38;
	[tilespmem:$0x1E800] =	vst v63  }
0x287: {  	s6 =	simm.s32 $0x2  }
0x288: {  	_ =	swait.ge [sflag:s6], $0x1E000  }
0x289: {  	[sflag:s6] =	ssyncset.done $0x0  }
0x28a: {  	[sflag:s6] =	ssyncadd.s32 $0xFFFE2000  }
0x28b: {  	v2 =	vld.msk [tilespmem:$0x200], $0xff;
	_ =	sdelay $0x4  }
0x28c: {  	v3 =	vshrl.u32 v2, $0x3  }
0x28d: {  	v3 =	vmul.u32 $0x3C0, v3  }
0x28e: {  	v2 =	vand.u32 $0x7, v2  }
0x28f: {  	v2 =	vor.u32 v2, v3  }
0x290: {  	v2 =	vperm.xlane v2, v0;
	_ =	sdelay $0x1  }
0x291: {  	v2 =	vadd.s32 v1, v2;
	_ =	sdelay $0x4  }
0x292: {  	[tilespmem:s1], [sflag:$0x1] =	stream.indirect_vreg.gather [hbm4b:s18+s2], $0x80, v2, vm0, $0xb8;
	[tilespmem:$0x1E800] =	vst v63  }
0x293: {  	s1 =	rddreg [dreg:$0xe];
	s18 =	simm.s32 $0x1000  }
0x294: {  	[tilespmem:s18], [sflag:$0x1] =	stream.indirect_vreg.gather [hbm4b:s1+s2], $0x80, v2, vm0, $0xb8;
	[tilespmem:$0x1E800] =	vst v63  }
0x295: {  	s18 =	simm.s32 $0x1800  }
0x296: {  	[tilespmem:s18], [sflag:$0x1] =	stream.indirect_vreg.gather [hbm4b:s21+s2], $0x80, v2, vm0, $0xb8;
	[tilespmem:$0x1E800] =	vst v63  }
0x297: {  	s6 =	simm.s32 $0x2000;
	s21 =	rddreg [dreg:$0x10]  }
0x298: {  	[tilespmem:s6], [sflag:$0x1] =	stream.indirect_vreg.gather [hbm4b:s21+s2], $0x80, v2, vm0, $0xb8;
	[tilespmem:$0x1E800] =	vst v63  }
0x299: {  	s18 =	simm.s32 $0x2800  }
0x29a: {  	[tilespmem:s18], [sflag:$0x1] =	stream.indirect_vreg.gather [hbm4b:s19+s2], $0x80, v2, vm0, $0xb8;
	[tilespmem:$0x1E800] =	vst v63  }
0x29b: {  	s21 =	rddreg [dreg:$0x12];
	s19 =	simm.s32 $0x3000  }
0x29c: {  	[tilespmem:s19], [sflag:$0x1] =	stream.indirect_vreg.gather [hbm4b:s21+s2], $0x80, v2, vm0, $0xb8;
	[tilespmem:$0x1E800] =	vst v63  }
0x29d: {  	s18 =	rddreg [dreg:$0x13];
	s19 =	simm.s32 $0x3800  }
0x29e: {  	[tilespmem:s19], [sflag:$0x1] =	stream.indirect_vreg.gather [hbm4b:s18+s2], $0x80, v2, vm0, $0xb8;
	[tilespmem:$0x1E800] =	vst v63  }
0x29f: {  	s21 =	simm.s32 $0x4000;
	s19 =	rddreg [dreg:$0x14]  }
0x2a0: {  	[tilespmem:s21], [sflag:$0x1] =	stream.indirect_vreg.gather [hbm4b:s19+s2], $0x80, v2, vm0, $0xb8;
	[tilespmem:$0x1E800] =	vst v63  }
0x2a1: {  	s6 =	simm.s32 $0x4800;
	s21 =	rddreg [dreg:$0x15]  }
0x2a2: {  	[tilespmem:s6], [sflag:$0x1] =	stream.indirect_vreg.gather [hbm4b:s21+s2], $0x80, v2, vm0, $0xb8;
	[tilespmem:$0x1E800] =	vst v63  }
0x2a3: {  	s6 =	rddreg [dreg:$0x16];
	s21 =	simm.s32 $0x5000  }
0x2a4: {  	[tilespmem:s21], [sflag:$0x1] =	stream.indirect_vreg.gather [hbm4b:s6+s2], $0x80, v2, vm0, $0xb8;
	[tilespmem:$0x1E800] =	vst v63  }
0x2a5: {  	s6 =	rddreg [dreg:$0x17];
	s21 =	simm.s32 $0x5800  }
0x2a6: {  	[tilespmem:s21], [sflag:$0x1] =	stream.indirect_vreg.gather [hbm4b:s6+s2], $0x80, v2, vm0, $0xb8;
	[tilespmem:$0x1E800] =	vst v63  }
0x2a7: {  	s6 =	rddreg [dreg:$0x18];
	s21 =	simm.s32 $0x6000  }
0x2a8: {  	[tilespmem:s21], [sflag:$0x1] =	stream.indirect_vreg.gather [hbm4b:s6+s2], $0x80, v2, vm0, $0xb8;
	[tilespmem:$0x1E800] =	vst v63  }
0x2a9: {  	s21 =	rddreg [dreg:$0x19];
	s6 =	simm.s32 $0x6800  }
0x2aa: {  	[tilespmem:s6], [sflag:$0x1] =	stream.indirect_vreg.gather [hbm4b:s21+s2], $0x80, v2, vm0, $0xb8;
	[tilespmem:$0x1E800] =	vst v63  }
0x2ab: {  	s6 =	simm.s32 $0x7000  }
0x2ac: {  	[tilespmem:s6], [sflag:$0x1] =	stream.indirect_vreg.gather [hbm4b:s22+s2], $0x80, v2, vm0, $0xb8;
	[tilespmem:$0x1E800] =	vst v63  }
0x2ad: {  	s6 =	simm.s32 $0x7800;
	s22 =	rddreg [dreg:$0x1c]  }
0x2ae: {  	[tilespmem:s6], [sflag:$0x1] =	stream.indirect_vreg.gather [hbm4b:s22+s2], $0x80, v2, vm0, $0xb8;
	[tilespmem:$0x1E800] =	vst v63  }
0x2af: {  	s6 =	simm.s32 $0x8000  }
0x2b0: {  	[tilespmem:s6], [sflag:$0x1] =	stream.indirect_vreg.gather [hbm4b:s12+s2], $0x80, v2, vm0, $0xb8;
	[tilespmem:$0x1E800] =	vst v63  }
0x2b1: {  	s12 =	simm.s32 $0x8800  }
0x2b2: {  	[tilespmem:s12], [sflag:$0x1] =	stream.indirect_vreg.gather [hbm4b:s15+s2], $0x80, v2, vm0, $0xb8;
	[tilespmem:$0x1E800] =	vst v63  }
0x2b3: {  	s15 =	simm.s32 $0x9000  }
0x2b4: {  	[tilespmem:s15], [sflag:$0x1] =	stream.indirect_vreg.gather [hbm4b:s17+s2], $0x80, v2, vm0, $0xb8;
	[tilespmem:$0x1E800] =	vst v63  }
0x2b5: {  	s17 =	simm.s32 $0x9800  }
0x2b6: {  	[tilespmem:s17], [sflag:$0x1] =	stream.indirect_vreg.gather [hbm4b:s7+s2], $0x80, v2, vm0, $0xb8;
	[tilespmem:$0x1E800] =	vst v63  }
0x2b7: {  	s7 =	simm.s32 $0xA000  }
0x2b8: {  	[tilespmem:s7], [sflag:$0x1] =	stream.indirect_vreg.gather [hbm4b:s3+s2], $0x80, v2, vm0, $0xb8;
	[tilespmem:$0x1E800] =	vst v63  }
0x2b9: {  	s12 =	simm.s32 $0xA800  }
0x2ba: {  	[tilespmem:s12], [sflag:$0x1] =	stream.indirect_vreg.gather [hbm4b:s20+s2], $0x80, v2, vm0, $0xb8;
	[tilespmem:$0x1E800] =	vst v63  }
0x2bb: {  	s15 =	simm.s32 $0xB000  }
0x2bc: {  	[tilespmem:s15], [sflag:$0x1] =	stream.indirect_vreg.gather [hbm4b:s4+s2], $0x80, v2, vm0, $0xb8;
	[tilespmem:$0x1E800] =	vst v63  }
0x2bd: {  	s17 =	simm.s32 $0xB800  }
0x2be: {  	[tilespmem:s17], [sflag:$0x1] =	stream.indirect_vreg.gather [hbm4b:s13+s2], $0x80, v2, vm0, $0xb8;
	[tilespmem:$0x1E800] =	vst v63  }
0x2bf: {  	s20 =	simm.s32 $0xC000  }
0x2c0: {  	[tilespmem:s20], [sflag:$0x1] =	stream.indirect_vreg.gather [hbm4b:s28+s2], $0x80, v2, vm0, $0xb8;
	[tilespmem:$0x1E800] =	vst v63  }
0x2c1: {  	s6 =	sld [smem:$0x7DB];
	s28 =	simm.s32 $0xC800  }
0x2c2: {  	[tilespmem:s28], [sflag:$0x1] =	stream.indirect_vreg.gather [hbm4b:s25+s2], $0x80, v2, vm0, $0xb8;
	[tilespmem:$0x1E800] =	vst v63  }
0x2c3: {  	s3 =	simm.s32 $0xD000;
	s12 =	sld [smem:$0x7DC]  }
0x2c4: {  	[tilespmem:s3], [sflag:$0x1] =	stream.indirect_vreg.gather [hbm4b:s6+s2], $0x80, v2, vm0, $0xb8;
	[tilespmem:$0x1E800] =	vst v63  }
0x2c5: {  	s7 =	simm.s32 $0xD800;
	s15 =	sld [smem:$0x7DD]  }
0x2c6: {  	[tilespmem:s7], [sflag:$0x1] =	stream.indirect_vreg.gather [hbm4b:s12+s2], $0x80, v2, vm0, $0xb8;
	[tilespmem:$0x1E800] =	vst v63  }
0x2c7: {  	s13 =	simm.s32 $0xE000  }
0x2c8: {  	[tilespmem:s13], [sflag:$0x1] =	stream.indirect_vreg.gather [hbm4b:s15+s2], $0x80, v2, vm0, $0xb8;
	[tilespmem:$0x1E800] =	vst v63  }
0x2c9: {  	s15 =	sld [smem:$0x7DE];
	_ =	sdelay $0x1  }
0x2ca: {  	s17 =	simm.s32 $0xE800  }
0x2cb: {  	[tilespmem:s17], [sflag:$0x1] =	stream.indirect_vreg.gather [hbm4b:s15+s2], $0x80, v2, vm0, $0xb8;
	[tilespmem:$0x1E800] =	vst v63  }
0x2cc: {  	s20 =	simm.s32 $0xF000  }
0x2cd: {  	[tilespmem:s20], [sflag:$0x1] =	stream.indirect_vreg.gather [hbm4b:s0+s2], $0x80, v2, vm0, $0xb8;
	[tilespmem:$0x1E800] =	vst v63  }
0x2ce: {  	s25 =	simm.s32 $0xF800  }
0x2cf: {  	[tilespmem:s25], [sflag:$0x1] =	stream.indirect_vreg.gather [hbm4b:s26+s2], $0x80, v2, vm0, $0xb8;
	[tilespmem:$0x1E800] =	vst v63  }
0x2d0: {  	s28 =	simm.s32 $0x10000  }
0x2d1: {  	[tilespmem:s28], [sflag:$0x1] =	stream.indirect_vreg.gather [hbm4b:s16+s2], $0x80, v2, vm0, $0xb8;
	[tilespmem:$0x1E800] =	vst v63  }
0x2d2: {  	s3 =	simm.s32 $0x10800  }
0x2d3: {  	[tilespmem:s3], [sflag:$0x1] =	stream.indirect_vreg.gather [hbm4b:s9+s2], $0x80, v2, vm0, $0xb8;
	[tilespmem:$0x1E800] =	vst v63  }
0x2d4: {  	s4 =	simm.s32 $0x11000  }
0x2d5: {  	[tilespmem:s4], [sflag:$0x1] =	stream.indirect_vreg.gather [hbm4b:s10+s2], $0x80, v2, vm0, $0xb8;
	[tilespmem:$0x1E800] =	vst v63  }
0x2d6: {  	s6 =	simm.s32 $0x11800;
	s4 =	sld [smem:$0x7E5]  }
0x2d7: {  	[tilespmem:s6], [sflag:$0x1] =	stream.indirect_vreg.gather [hbm4b:s14+s2], $0x80, v2, vm0, $0xb8;
	[tilespmem:$0x1E800] =	vst v63  }
0x2d8: {  	s7 =	simm.s32 $0x12000;
	s3 =	sld [smem:$0x7E6]  }
0x2d9: {  	[tilespmem:s7], [sflag:$0x1] =	stream.indirect_vreg.gather [hbm4b:s4+s2], $0x80, v2, vm0, $0xb8;
	[tilespmem:$0x1E800] =	vst v63  }
0x2da: {  	s9 =	simm.s32 $0x12800;
	s10 =	sld [smem:$0x7E7]  }
0x2db: {  	[tilespmem:s9], [sflag:$0x1] =	stream.indirect_vreg.gather [hbm4b:s3+s2], $0x80, v2, vm0, $0xb8;
	[tilespmem:$0x1E800] =	vst v63  }
0x2dc: {  	s12 =	simm.s32 $0x13000;
	s14 =	sld [smem:$0x7E8]  }
0x2dd: {  	[tilespmem:s12], [sflag:$0x1] =	stream.indirect_vreg.gather [hbm4b:s10+s2], $0x80, v2, vm0, $0xb8;
	[tilespmem:$0x1E800] =	vst v63  }
0x2de: {  	s13 =	simm.s32 $0x13800  }
0x2df: {  	[tilespmem:s13], [sflag:$0x1] =	stream.indirect_vreg.gather [hbm4b:s14+s2], $0x80, v2, vm0, $0xb8;
	[tilespmem:$0x1E800] =	vst v63  }
0x2e0: {  	s16 =	simm.s32 $0x14000  }
0x2e1: {  	[tilespmem:s16], [sflag:$0x1] =	stream.indirect_vreg.gather [hbm4b:s11+s2], $0x80, v2, vm0, $0xb8;
	[tilespmem:$0x1E800] =	vst v63  }
0x2e2: {  	s11 =	sld [smem:$0x7EA];
	_ =	sdelay $0x1  }
0x2e3: {  	s17 =	simm.s32 $0x14800;
	s20 =	sld [smem:$0x7EB]  }
0x2e4: {  	[tilespmem:s17], [sflag:$0x1] =	stream.indirect_vreg.gather [hbm4b:s11+s2], $0x80, v2, vm0, $0xb8;
	[tilespmem:$0x1E800] =	vst v63  }
0x2e5: {  	s25 =	simm.s32 $0x15000  }
0x2e6: {  	[tilespmem:s25], [sflag:$0x1] =	stream.indirect_vreg.gather [hbm4b:s20+s2], $0x80, v2, vm0, $0xb8;
	[tilespmem:$0x1E800] =	vst v63  }
0x2e7: {  	s26 =	simm.s32 $0x15800  }
0x2e8: {  	[tilespmem:s26], [sflag:$0x1] =	stream.indirect_vreg.gather [hbm4b:s23+s2], $0x80, v2, vm0, $0xb8;
	[tilespmem:$0x1E800] =	vst v63  }
0x2e9: {  	s28 =	simm.s32 $0x16000;
	s6 =	sld [smem:$0x7EE]  }
0x2ea: {  	[tilespmem:s28], [sflag:$0x1] =	stream.indirect_vreg.gather [hbm4b:s5+s2], $0x80, v2, vm0, $0xb8;
	[tilespmem:$0x1E800] =	vst v63  }
0x2eb: {  	s0 =	simm.s32 $0x16800;
	s17 =	sld [smem:$0x7EF]  }
0x2ec: {  	[tilespmem:s0], [sflag:$0x1] =	stream.indirect_vreg.gather [hbm4b:s6+s2], $0x80, v2, vm0, $0xb8;
	[tilespmem:$0x1E800] =	vst v63  }
0x2ed: {  	s7 =	simm.s32 $0x17000;
	s10 =	sld [smem:$0x7F0]  }
0x2ee: {  	[tilespmem:s7], [sflag:$0x1] =	stream.indirect_vreg.gather [hbm4b:s17+s2], $0x80, v2, vm0, $0xb8;
	[tilespmem:$0x1E800] =	vst v63  }
0x2ef: {  	s9 =	simm.s32 $0x17800;
	s16 =	sld [smem:$0x7F1]  }
0x2f0: {  	[tilespmem:s9], [sflag:$0x1] =	stream.indirect_vreg.gather [hbm4b:s10+s2], $0x80, v2, vm0, $0xb8;
	[tilespmem:$0x1E800] =	vst v63  }
0x2f1: {  	s12 =	simm.s32 $0x18000;
	s7 =	sld [smem:$0x7F2]  }
0x2f2: {  	[tilespmem:s12], [sflag:$0x1] =	stream.indirect_vreg.gather [hbm4b:s16+s2], $0x80, v2, vm0, $0xb8;
	[tilespmem:$0x1E800] =	vst v63  }
0x2f3: {  	s13 =	simm.s32 $0x18800;
	s23 =	sld [smem:$0x7F3]  }
0x2f4: {  	[tilespmem:s13], [sflag:$0x1] =	stream.indirect_vreg.gather [hbm4b:s7+s2], $0x80, v2, vm0, $0xb8;
	[tilespmem:$0x1E800] =	vst v63  }
0x2f5: {  	s20 =	simm.s32 $0x19000  }
0x2f6: {  	[tilespmem:s20], [sflag:$0x1] =	stream.indirect_vreg.gather [hbm4b:s23+s2], $0x80, v2, vm0, $0xb8;
	[tilespmem:$0x1E800] =	vst v63  }
0x2f7: {  	s25 =	simm.s32 $0x19800  }
0x2f8: {  	[tilespmem:s25], [sflag:$0x1] =	stream.indirect_vreg.gather [hbm4b:s8+s2], $0x80, v2, vm0, $0xb8;
	[tilespmem:$0x1E800] =	vst v63  }
0x2f9: {  	s26 =	simm.s32 $0x1A000;
	s13 =	sld [smem:$0x7F6]  }
0x2fa: {  	[tilespmem:s26], [sflag:$0x1] =	stream.indirect_vreg.gather [hbm4b:s24+s2], $0x80, v2, vm0, $0xb8;
	[tilespmem:$0x1E800] =	vst v63  }
0x2fb: {  	s28 =	simm.s32 $0x1A800;
	s12 =	sld [smem:$0x7F7]  }
0x2fc: {  	[tilespmem:s28], [sflag:$0x1] =	stream.indirect_vreg.gather [hbm4b:s13+s2], $0x80, v2, vm0, $0xb8;
	[tilespmem:$0x1E800] =	vst v63  }
0x2fd: {  	s5 =	simm.s32 $0x1B000;
	s8 =	sld [smem:$0x7F8]  }
0x2fe: {  	[tilespmem:s5], [sflag:$0x1] =	stream.indirect_vreg.gather [hbm4b:s12+s2], $0x80, v2, vm0, $0xb8;
	[tilespmem:$0x1E800] =	vst v63  }
0x2ff: {  	s6 =	simm.s32 $0x1B800;
	s10 =	sld [smem:$0x7F9]  }
0x300: {  	[tilespmem:s6], [sflag:$0x1] =	stream.indirect_vreg.gather [hbm4b:s8+s2], $0x80, v2, vm0, $0xb8;
	[tilespmem:$0x1E800] =	vst v63  }
0x301: {  	s9 =	simm.s32 $0x1C000  }
0x302: {  	[tilespmem:s9], [sflag:$0x1] =	stream.indirect_vreg.gather [hbm4b:s10+s2], $0x80, v2, vm0, $0xb8;
	[tilespmem:$0x1E800] =	vst v63  }
0x303: {  	s20 =	simm.s32 $0x1C800  }
0x304: {  	[tilespmem:s20], [sflag:$0x1] =	stream.indirect_vreg.gather [hbm4b:s29+s2], $0x80, v2, vm0, $0xb8;
	[tilespmem:$0x1E800] =	vst v63  }
0x305: {  	s23 =	simm.s32 $0x1D000  }
0x306: {  	[tilespmem:s23], [sflag:$0x1] =	stream.indirect_vreg.gather [hbm4b:s30+s2], $0x80, v2, vm0, $0xb8;
	[tilespmem:$0x1E800] =	vst v63  }
0x307: {  	s24 =	simm.s32 $0x1D800;
	s20 =	sld [smem:$0x7FD]  }
0x308: {  	[tilespmem:s24], [sflag:$0x1] =	stream.indirect_vreg.gather [hbm4b:s31+s2], $0x80, v2, vm0, $0xb8;
	[tilespmem:$0x1E800] =	vst v63  }
0x309: {  	s25 =	simm.s32 $0x1E000;
	s26 =	simm.s32 $0x1  }
0x30a: {  	[tilespmem:s25], [sflag:$0x1] =	stream.indirect_vreg.gather [hbm4b:s20+s2], $0x80, v2, vm0, $0xb8;
	[tilespmem:$0x1E800] =	vst v63  }
0x30b: {  	_ =	swait.ge [sflag:s26], $0x1E000  }
0x30c: {  	s29 =	simm.s32 $0x800;
	[sflag:s26] =	ssyncset.done $0x0  }
0x30d: {  	s30 =	simm.s32 $0x2;
	s28 =	rddreg [dreg:$0x7];
	[sflag:s26] =	ssyncadd.s32 $0xFFFE2000  }
0x30e: {  	[hbm4b:s28+s2] =	stream.linear.scatter [tilespmem:s29], [sflag:$0x2], $0x1E000, $0x38;
	[tilespmem:$0x1E800] =	vst v63  }
0x30f: {  	_ =	swait.ge [sflag:s30], $0x1E000  }
0x310: {  	[sflag:s30] =	ssyncset.done $0x0  }
0x311: {  	[sflag:s30] =	ssyncadd.s32 $0xFFFE2000  }
0x312: {  	v2 =	vld.msk [tilespmem:$0x280], $0xff;
	_ =	sdelay $0x4  }
0x313: {  	v3 =	vshrl.u32 v2, $0x3  }
0x314: {  	v3 =	vmul.u32 $0x3C0, v3  }
0x315: {  	v2 =	vand.u32 $0x7, v2  }
0x316: {  	v2 =	vor.u32 v2, v3  }
0x317: {  	v2 =	vperm.xlane v2, v0;
	_ =	sdelay $0x1  }
0x318: {  	v2 =	vadd.s32 v1, v2;
	_ =	sdelay $0x3  }
0x319: {  	s31 =	rddreg [dreg:$0xd]  }
0x31a: {  	[tilespmem:s29], [sflag:$0x1] =	stream.indirect_vreg.gather [hbm4b:s31+s2], $0x80, v2, vm0, $0xb8;
	[tilespmem:$0x1E800] =	vst v63  }
0x31b: {  	s6 =	simm.s32 $0x1000  }
0x31c: {  	[tilespmem:s6], [sflag:$0x1] =	stream.indirect_vreg.gather [hbm4b:s1+s2], $0x80, v2, vm0, $0xb8;
	[tilespmem:$0x1E800] =	vst v63  }
0x31d: {  	s10 =	simm.s32 $0x1800;
	s9 =	rddreg [dreg:$0xf]  }
0x31e: {  	[tilespmem:s10], [sflag:$0x1] =	stream.indirect_vreg.gather [hbm4b:s9+s2], $0x80, v2, vm0, $0xb8;
	[tilespmem:$0x1E800] =	vst v63  }
0x31f: {  	s23 =	simm.s32 $0x2000;
	s9 =	rddreg [dreg:$0x10]  }
0x320: {  	[tilespmem:s23], [sflag:$0x1] =	stream.indirect_vreg.gather [hbm4b:s9+s2], $0x80, v2, vm0, $0xb8;
	[tilespmem:$0x1E800] =	vst v63  }
0x321: {  	s24 =	simm.s32 $0x2800;
	s10 =	rddreg [dreg:$0x11]  }
0x322: {  	[tilespmem:s24], [sflag:$0x1] =	stream.indirect_vreg.gather [hbm4b:s10+s2], $0x80, v2, vm0, $0xb8;
	[tilespmem:$0x1E800] =	vst v63  }
0x323: {  	s25 =	simm.s32 $0x3000;
	s5 =	rddreg [dreg:$0x12]  }
0x324: {  	[tilespmem:s25], [sflag:$0x1] =	stream.indirect_vreg.gather [hbm4b:s5+s2], $0x80, v2, vm0, $0xb8;
	[tilespmem:$0x1E800] =	vst v63  }
0x325: {  	s26 =	simm.s32 $0x3800  }
0x326: {  	[tilespmem:s26], [sflag:$0x1] =	stream.indirect_vreg.gather [hbm4b:s18+s2], $0x80, v2, vm0, $0xb8;
	[tilespmem:$0x1E800] =	vst v63  }
0x327: {  	s28 =	simm.s32 $0x4000  }
0x328: {  	[tilespmem:s28], [sflag:$0x1] =	stream.indirect_vreg.gather [hbm4b:s19+s2], $0x80, v2, vm0, $0xb8;
	[tilespmem:$0x1E800] =	vst v63  }
0x329: {  	s29 =	simm.s32 $0x4800;
	s18 =	rddreg [dreg:$0x15]  }
0x32a: {  	[tilespmem:s29], [sflag:$0x1] =	stream.indirect_vreg.gather [hbm4b:s18+s2], $0x80, v2, vm0, $0xb8;
	[tilespmem:$0x1E800] =	vst v63  }
0x32b: {  	s30 =	rddreg [dreg:$0x16];
	s31 =	simm.s32 $0x5000  }
0x32c: {  	[tilespmem:s31], [sflag:$0x1] =	stream.indirect_vreg.gather [hbm4b:s30+s2], $0x80, v2, vm0, $0xb8;
	[tilespmem:$0x1E800] =	vst v63  }
0x32d: {  	s1 =	rddreg [dreg:$0x17];
	s6 =	simm.s32 $0x5800  }
0x32e: {  	[tilespmem:s6], [sflag:$0x1] =	stream.indirect_vreg.gather [hbm4b:s1+s2], $0x80, v2, vm0, $0xb8;
	[tilespmem:$0x1E800] =	vst v63  }
0x32f: {  	s19 =	simm.s32 $0x6000;
	s0 =	rddreg [dreg:$0x18]  }
0x330: {  	[tilespmem:s19], [sflag:$0x1] =	stream.indirect_vreg.gather [hbm4b:s0+s2], $0x80, v2, vm0, $0xb8;
	[tilespmem:$0x1E800] =	vst v63  }
0x331: {  	s23 =	simm.s32 $0x6800  }
0x332: {  	[tilespmem:s23], [sflag:$0x1] =	stream.indirect_vreg.gather [hbm4b:s21+s2], $0x80, v2, vm0, $0xb8;
	[tilespmem:$0x1E800] =	vst v63  }
0x333: {  	s24 =	simm.s32 $0x7000;
	s21 =	rddreg [dreg:$0x1a]  }
0x334: {  	[tilespmem:s24], [sflag:$0x1] =	stream.indirect_vreg.gather [hbm4b:s21+s2], $0x80, v2, vm0, $0xb8;
	[tilespmem:$0x1E800] =	vst v63  }
0x335: {  	s25 =	simm.s32 $0x7800;
	s23 =	rddreg [dreg:$0x1d]  }
0x336: {  	[tilespmem:s25], [sflag:$0x1] =	stream.indirect_vreg.gather [hbm4b:s22+s2], $0x80, v2, vm0, $0xb8;
	[tilespmem:$0x1E800] =	vst v63  }
0x337: {  	s26 =	simm.s32 $0x8000;
	s24 =	rddreg [dreg:$0x1e]  }
0x338: {  	[tilespmem:s26], [sflag:$0x1] =	stream.indirect_vreg.gather [hbm4b:s23+s2], $0x80, v2, vm0, $0xb8;
	[tilespmem:$0x1E800] =	vst v63  }
0x339: {  	s28 =	simm.s32 $0x8800;
	s25 =	rddreg [dreg:$0x1f]  }
0x33a: {  	[tilespmem:s28], [sflag:$0x1] =	stream.indirect_vreg.gather [hbm4b:s24+s2], $0x80, v2, vm0, $0xb8;
	[tilespmem:$0x1E800] =	vst v63  }
0x33b: {  	s29 =	simm.s32 $0x9000;
	s26 =	sld [smem:$0x7D4]  }
0x33c: {  	[tilespmem:s29], [sflag:$0x1] =	stream.indirect_vreg.gather [hbm4b:s25+s2], $0x80, v2, vm0, $0xb8;
	[tilespmem:$0x1E800] =	vst v63  }
0x33d: {  	s30 =	simm.s32 $0x9800;
	s28 =	sld [smem:$0x7D5]  }
0x33e: {  	[tilespmem:s30], [sflag:$0x1] =	stream.indirect_vreg.gather [hbm4b:s26+s2], $0x80, v2, vm0, $0xb8;
	[tilespmem:$0x1E800] =	vst v63  }
0x33f: {  	s31 =	simm.s32 $0xA000;
	s29 =	sld [smem:$0x7D6]  }
0x340: {  	[tilespmem:s31], [sflag:$0x1] =	stream.indirect_vreg.gather [hbm4b:s28+s2], $0x80, v2, vm0, $0xb8;
	[tilespmem:$0x1E800] =	vst v63  }
0x341: {  	s1 =	simm.s32 $0xA800;
	s30 =	sld [smem:$0x7D7]  }
0x342: {  	[tilespmem:s1], [sflag:$0x1] =	stream.indirect_vreg.gather [hbm4b:s29+s2], $0x80, v2, vm0, $0xb8;
	[tilespmem:$0x1E800] =	vst v63  }
0x343: {  	s6 =	simm.s32 $0xB000;
	s31 =	sld [smem:$0x7D8]  }
0x344: {  	[tilespmem:s6], [sflag:$0x1] =	stream.indirect_vreg.gather [hbm4b:s30+s2], $0x80, v2, vm0, $0xb8;
	[tilespmem:$0x1E800] =	vst v63  }
0x345: {  	s19 =	simm.s32 $0xB800;
	s6 =	sld [smem:$0x7D9]  }
0x346: {  	[tilespmem:s19], [sflag:$0x1] =	stream.indirect_vreg.gather [hbm4b:s31+s2], $0x80, v2, vm0, $0xb8;
	[tilespmem:$0x1E800] =	vst v63  }
0x347: {  	s1 =	simm.s32 $0xC000  }
0x348: {  	[tilespmem:s1], [sflag:$0x1] =	stream.indirect_vreg.gather [hbm4b:s6+s2], $0x80, v2, vm0, $0xb8;
	[tilespmem:$0x1E800] =	vst v63  }
0x349: {  	s1 =	sld [smem:$0x7DA];
	_ =	sdelay $0x1  }
0x34a: {  	s19 =	simm.s32 $0xC800;
	s6 =	sld [smem:$0x7DB]  }
0x34b: {  	[tilespmem:s19], [sflag:$0x1] =	stream.indirect_vreg.gather [hbm4b:s1+s2], $0x80, v2, vm0, $0xb8;
	[tilespmem:$0x1E800] =	vst v63  }
0x34c: {  	s19 =	simm.s32 $0xD000  }
0x34d: {  	[tilespmem:s19], [sflag:$0x1] =	stream.indirect_vreg.gather [hbm4b:s6+s2], $0x80, v2, vm0, $0xb8;
	[tilespmem:$0x1E800] =	vst v63  }
0x34e: {  	s6 =	sld [smem:$0x7DC];
	_ =	sdelay $0x1  }
0x34f: {  	s19 =	simm.s32 $0xD800  }
0x350: {  	[tilespmem:s19], [sflag:$0x1] =	stream.indirect_vreg.gather [hbm4b:s6+s2], $0x80, v2, vm0, $0xb8;
	[tilespmem:$0x1E800] =	vst v63  }
0x351: {  	s6 =	sld [smem:$0x7DD];
	_ =	sdelay $0x1  }
0x352: {  	s19 =	simm.s32 $0xE000  }
0x353: {  	[tilespmem:s19], [sflag:$0x1] =	stream.indirect_vreg.gather [hbm4b:s6+s2], $0x80, v2, vm0, $0xb8;
	[tilespmem:$0x1E800] =	vst v63  }
0x354: {  	s0 =	sld [smem:$0x7DF];
	s6 =	simm.s32 $0xE800  }
0x355: {  	[tilespmem:s6], [sflag:$0x1] =	stream.indirect_vreg.gather [hbm4b:s15+s2], $0x80, v2, vm0, $0xb8;
	[tilespmem:$0x1E800] =	vst v63  }
0x356: {  	s19 =	simm.s32 $0xF000;
	s15 =	sld [smem:$0x7E0]  }
0x357: {  	[tilespmem:s19], [sflag:$0x1] =	stream.indirect_vreg.gather [hbm4b:s0+s2], $0x80, v2, vm0, $0xb8;
	[tilespmem:$0x1E800] =	vst v63  }
0x358: {  	s19 =	simm.s32 $0xF800  }
0x359: {  	[tilespmem:s19], [sflag:$0x1] =	stream.indirect_vreg.gather [hbm4b:s15+s2], $0x80, v2, vm0, $0xb8;
	[tilespmem:$0x1E800] =	vst v63  }
0x35a: {  	s15 =	sld [smem:$0x7E1];
	_ =	sdelay $0x1  }
0x35b: {  	s19 =	simm.s32 $0x10000  }
0x35c: {  	[tilespmem:s19], [sflag:$0x1] =	stream.indirect_vreg.gather [hbm4b:s15+s2], $0x80, v2, vm0, $0xb8;
	[tilespmem:$0x1E800] =	vst v63  }
0x35d: {  	s15 =	sld [smem:$0x7E2];
	_ =	sdelay $0x1  }
0x35e: {  	s19 =	simm.s32 $0x10800  }
0x35f: {  	[tilespmem:s19], [sflag:$0x1] =	stream.indirect_vreg.gather [hbm4b:s15+s2], $0x80, v2, vm0, $0xb8;
	[tilespmem:$0x1E800] =	vst v63  }
0x360: {  	s15 =	sld [smem:$0x7E3];
	_ =	sdelay $0x1  }
0x361: {  	s19 =	simm.s32 $0x11000  }
0x362: {  	[tilespmem:s19], [sflag:$0x1] =	stream.indirect_vreg.gather [hbm4b:s15+s2], $0x80, v2, vm0, $0xb8;
	[tilespmem:$0x1E800] =	vst v63  }
0x363: {  	s15 =	sld [smem:$0x7E4];
	_ =	sdelay $0x1  }
0x364: {  	s19 =	simm.s32 $0x11800  }
0x365: {  	[tilespmem:s19], [sflag:$0x1] =	stream.indirect_vreg.gather [hbm4b:s15+s2], $0x80, v2, vm0, $0xb8;
	[tilespmem:$0x1E800] =	vst v63  }
0x366: {  	s19 =	simm.s32 $0x12000  }
0x367: {  	[tilespmem:s19], [sflag:$0x1] =	stream.indirect_vreg.gather [hbm4b:s4+s2], $0x80, v2, vm0, $0xb8;
	[tilespmem:$0x1E800] =	vst v63  }
0x368: {  	s6 =	simm.s32 $0x12800  }
0x369: {  	[tilespmem:s6], [sflag:$0x1] =	stream.indirect_vreg.gather [hbm4b:s3+s2], $0x80, v2, vm0, $0xb8;
	[tilespmem:$0x1E800] =	vst v63  }
0x36a: {  	s3 =	sld [smem:$0x7E7];
	_ =	sdelay $0x1  }
0x36b: {  	s15 =	simm.s32 $0x13000  }
0x36c: {  	[tilespmem:s15], [sflag:$0x1] =	stream.indirect_vreg.gather [hbm4b:s3+s2], $0x80, v2, vm0, $0xb8;
	[tilespmem:$0x1E800] =	vst v63  }
0x36d: {  	s19 =	simm.s32 $0x13800;
	s6 =	sld [smem:$0x7E9]  }
0x36e: {  	[tilespmem:s19], [sflag:$0x1] =	stream.indirect_vreg.gather [hbm4b:s14+s2], $0x80, v2, vm0, $0xb8;
	[tilespmem:$0x1E800] =	vst v63  }
0x36f: {  	s14 =	simm.s32 $0x14000  }
0x370: {  	[tilespmem:s14], [sflag:$0x1] =	stream.indirect_vreg.gather [hbm4b:s6+s2], $0x80, v2, vm0, $0xb8;
	[tilespmem:$0x1E800] =	vst v63  }
0x371: {  	s15 =	simm.s32 $0x14800  }
0x372: {  	[tilespmem:s15], [sflag:$0x1] =	stream.indirect_vreg.gather [hbm4b:s11+s2], $0x80, v2, vm0, $0xb8;
	[tilespmem:$0x1E800] =	vst v63  }
0x373: {  	s11 =	sld [smem:$0x7EB];
	_ =	sdelay $0x1  }
0x374: {  	s19 =	simm.s32 $0x15000;
	s6 =	sld [smem:$0x7EC]  }
0x375: {  	[tilespmem:s19], [sflag:$0x1] =	stream.indirect_vreg.gather [hbm4b:s11+s2], $0x80, v2, vm0, $0xb8;
	[tilespmem:$0x1E800] =	vst v63  }
0x376: {  	s14 =	simm.s32 $0x15800;
	s15 =	sld [smem:$0x7ED]  }
0x377: {  	[tilespmem:s14], [sflag:$0x1] =	stream.indirect_vreg.gather [hbm4b:s6+s2], $0x80, v2, vm0, $0xb8;
	[tilespmem:$0x1E800] =	vst v63  }
0x378: {  	s19 =	simm.s32 $0x16000  }
0x379: {  	[tilespmem:s19], [sflag:$0x1] =	stream.indirect_vreg.gather [hbm4b:s15+s2], $0x80, v2, vm0, $0xb8;
	[tilespmem:$0x1E800] =	vst v63  }
0x37a: {  	s19 =	sld [smem:$0x7EE];
	_ =	sdelay $0x1  }
0x37b: {  	s14 =	simm.s32 $0x16800  }
0x37c: {  	[tilespmem:s14], [sflag:$0x1] =	stream.indirect_vreg.gather [hbm4b:s19+s2], $0x80, v2, vm0, $0xb8;
	[tilespmem:$0x1E800] =	vst v63  }
0x37d: {  	s6 =	sld [smem:$0x7F0];
	s15 =	simm.s32 $0x17000  }
0x37e: {  	[tilespmem:s15], [sflag:$0x1] =	stream.indirect_vreg.gather [hbm4b:s17+s2], $0x80, v2, vm0, $0xb8;
	[tilespmem:$0x1E800] =	vst v63  }
0x37f: {  	s14 =	simm.s32 $0x17800  }
0x380: {  	[tilespmem:s14], [sflag:$0x1] =	stream.indirect_vreg.gather [hbm4b:s6+s2], $0x80, v2, vm0, $0xb8;
	[tilespmem:$0x1E800] =	vst v63  }
0x381: {  	s15 =	simm.s32 $0x18000  }
0x382: {  	[tilespmem:s15], [sflag:$0x1] =	stream.indirect_vreg.gather [hbm4b:s16+s2], $0x80, v2, vm0, $0xb8;
	[tilespmem:$0x1E800] =	vst v63  }
0x383: {  	s17 =	simm.s32 $0x18800  }
0x384: {  	[tilespmem:s17], [sflag:$0x1] =	stream.indirect_vreg.gather [hbm4b:s7+s2], $0x80, v2, vm0, $0xb8;
	[tilespmem:$0x1E800] =	vst v63  }
0x385: {  	s7 =	sld [smem:$0x7F3];
	_ =	sdelay $0x1  }
0x386: {  	s6 =	simm.s32 $0x19000;
	s14 =	sld [smem:$0x7F4]  }
0x387: {  	[tilespmem:s6], [sflag:$0x1] =	stream.indirect_vreg.gather [hbm4b:s7+s2], $0x80, v2, vm0, $0xb8;
	[tilespmem:$0x1E800] =	vst v63  }
0x388: {  	s15 =	simm.s32 $0x19800;
	s16 =	sld [smem:$0x7F5]  }
0x389: {  	[tilespmem:s15], [sflag:$0x1] =	stream.indirect_vreg.gather [hbm4b:s14+s2], $0x80, v2, vm0, $0xb8;
	[tilespmem:$0x1E800] =	vst v63  }
0x38a: {  	s17 =	simm.s32 $0x1A000  }
0x38b: {  	[tilespmem:s17], [sflag:$0x1] =	stream.indirect_vreg.gather [hbm4b:s16+s2], $0x80, v2, vm0, $0xb8;
	[tilespmem:$0x1E800] =	vst v63  }
0x38c: {  	s14 =	simm.s32 $0x1A800  }
0x38d: {  	[tilespmem:s14], [sflag:$0x1] =	stream.indirect_vreg.gather [hbm4b:s13+s2], $0x80, v2, vm0, $0xb8;
	[tilespmem:$0x1E800] =	vst v63  }
0x38e: {  	s15 =	simm.s32 $0x1B000  }
0x38f: {  	[tilespmem:s15], [sflag:$0x1] =	stream.indirect_vreg.gather [hbm4b:s12+s2], $0x80, v2, vm0, $0xb8;
	[tilespmem:$0x1E800] =	vst v63  }
0x390: {  	s16 =	simm.s32 $0x1B800  }
0x391: {  	[tilespmem:s16], [sflag:$0x1] =	stream.indirect_vreg.gather [hbm4b:s8+s2], $0x80, v2, vm0, $0xb8;
	[tilespmem:$0x1E800] =	vst v63  }
0x392: {  	s8 =	sld [smem:$0x7F9];
	_ =	sdelay $0x1  }
0x393: {  	s6 =	sld [smem:$0x7FA];
	s17 =	simm.s32 $0x1C000  }
0x394: {  	[tilespmem:s17], [sflag:$0x1] =	stream.indirect_vreg.gather [hbm4b:s8+s2], $0x80, v2, vm0, $0xb8;
	[tilespmem:$0x1E800] =	vst v63  }
0x395: {  	s13 =	sld [smem:$0x7FB];
	s12 =	simm.s32 $0x1C800  }
0x396: {  	[tilespmem:s12], [sflag:$0x1] =	stream.indirect_vreg.gather [hbm4b:s6+s2], $0x80, v2, vm0, $0xb8;
	[tilespmem:$0x1E800] =	vst v63  }
0x397: {  	s14 =	simm.s32 $0x1D000;
	s15 =	sld [smem:$0x7FC]  }
0x398: {  	[tilespmem:s14], [sflag:$0x1] =	stream.indirect_vreg.gather [hbm4b:s13+s2], $0x80, v2, vm0, $0xb8;
	[tilespmem:$0x1E800] =	vst v63  }
0x399: {  	s16 =	simm.s32 $0x1D800  }
0x39a: {  	[tilespmem:s16], [sflag:$0x1] =	stream.indirect_vreg.gather [hbm4b:s15+s2], $0x80, v2, vm0, $0xb8;
	[tilespmem:$0x1E800] =	vst v63  }
0x39b: {  	s17 =	simm.s32 $0x1E000;
	s6 =	simm.s32 $0x1  }
0x39c: {  	[tilespmem:s17], [sflag:$0x1] =	stream.indirect_vreg.gather [hbm4b:s20+s2], $0x80, v2, vm0, $0xb8;
	[tilespmem:$0x1E800] =	vst v63  }
0x39d: {  	_ =	swait.ge [sflag:s6], $0x1E000  }
0x39e: {  	s13 =	simm.s32 $0x800;
	[sflag:s6] =	ssyncset.done $0x0  }
0x39f: {  	s14 =	simm.s32 $0x2;
	s12 =	rddreg [dreg:$0x8];
	[sflag:s6] =	ssyncadd.s32 $0xFFFE2000  }
0x3a0: {  	[hbm4b:s12+s2] =	stream.linear.scatter [tilespmem:s13], [sflag:$0x2], $0x1E000, $0x38;
	[tilespmem:$0x1E800] =	vst v63  }
0x3a1: {  	_ =	swait.ge [sflag:s14], $0x1E000  }
0x3a2: {  	[sflag:s14] =	ssyncset.done $0x0  }
0x3a3: {  	[sflag:s14] =	ssyncadd.s32 $0xFFFE2000  }
0x3a4: {  	v2 =	vld.msk [tilespmem:$0x300], $0xff;
	_ =	sdelay $0x4  }
0x3a5: {  	v3 =	vshrl.u32 v2, $0x3  }
0x3a6: {  	v3 =	vmul.u32 $0x3C0, v3  }
0x3a7: {  	v2 =	vand.u32 $0x7, v2  }
0x3a8: {  	v2 =	vor.u32 v2, v3  }
0x3a9: {  	v2 =	vperm.xlane v2, v0;
	_ =	sdelay $0x1  }
0x3aa: {  	v2 =	vadd.s32 v1, v2;
	_ =	sdelay $0x3  }
0x3ab: {  	s4 =	rddreg [dreg:$0xd]  }
0x3ac: {  	[tilespmem:s13], [sflag:$0x1] =	stream.indirect_vreg.gather [hbm4b:s4+s2], $0x80, v2, vm0, $0xb8;
	[tilespmem:$0x1E800] =	vst v63  }
0x3ad: {  	s16 =	simm.s32 $0x1000;
	s15 =	rddreg [dreg:$0xe]  }
0x3ae: {  	[tilespmem:s16], [sflag:$0x1] =	stream.indirect_vreg.gather [hbm4b:s15+s2], $0x80, v2, vm0, $0xb8;
	[tilespmem:$0x1E800] =	vst v63  }
0x3af: {  	s17 =	simm.s32 $0x1800;
	s20 =	rddreg [dreg:$0xf]  }
0x3b0: {  	[tilespmem:s17], [sflag:$0x1] =	stream.indirect_vreg.gather [hbm4b:s20+s2], $0x80, v2, vm0, $0xb8;
	[tilespmem:$0x1E800] =	vst v63  }
0x3b1: {  	s12 =	simm.s32 $0x2000  }
0x3b2: {  	[tilespmem:s12], [sflag:$0x1] =	stream.indirect_vreg.gather [hbm4b:s9+s2], $0x80, v2, vm0, $0xb8;
	[tilespmem:$0x1E800] =	vst v63  }
0x3b3: {  	s13 =	simm.s32 $0x2800  }
0x3b4: {  	[tilespmem:s13], [sflag:$0x1] =	stream.indirect_vreg.gather [hbm4b:s10+s2], $0x80, v2, vm0, $0xb8;
	[tilespmem:$0x1E800] =	vst v63  }
0x3b5: {  	s14 =	simm.s32 $0x3000  }
0x3b6: {  	[tilespmem:s14], [sflag:$0x1] =	stream.indirect_vreg.gather [hbm4b:s5+s2], $0x80, v2, vm0, $0xb8;
	[tilespmem:$0x1E800] =	vst v63  }
0x3b7: {  	s15 =	simm.s32 $0x3800;
	s12 =	rddreg [dreg:$0x13]  }
0x3b8: {  	[tilespmem:s15], [sflag:$0x1] =	stream.indirect_vreg.gather [hbm4b:s12+s2], $0x80, v2, vm0, $0xb8;
	[tilespmem:$0x1E800] =	vst v63  }
0x3b9: {  	s16 =	simm.s32 $0x4000;
	s13 =	rddreg [dreg:$0x14]  }
0x3ba: {  	[tilespmem:s16], [sflag:$0x1] =	stream.indirect_vreg.gather [hbm4b:s13+s2], $0x80, v2, vm0, $0xb8;
	[tilespmem:$0x1E800] =	vst v63  }
0x3bb: {  	s17 =	simm.s32 $0x4800  }
0x3bc: {  	[tilespmem:s17], [sflag:$0x1] =	stream.indirect_vreg.gather [hbm4b:s18+s2], $0x80, v2, vm0, $0xb8;
	[tilespmem:$0x1E800] =	vst v63  }
0x3bd: {  	s14 =	smov.u32 s18;
	s15 =	rddreg [dreg:$0x16];
	s18 =	simm.s32 $0x5000  }
0x3be: {  	[tilespmem:s18], [sflag:$0x1] =	stream.indirect_vreg.gather [hbm4b:s15+s2], $0x80, v2, vm0, $0xb8;
	[tilespmem:$0x1E800] =	vst v63  }
0x3bf: {  	s6 =	simm.s32 $0x5800;
	s17 =	rddreg [dreg:$0x17]  }
0x3c0: {  	[tilespmem:s6], [sflag:$0x1] =	stream.indirect_vreg.gather [hbm4b:s17+s2], $0x80, v2, vm0, $0xb8;
	[tilespmem:$0x1E800] =	vst v63  }
0x3c1: {  	s9 =	simm.s32 $0x6000;
	s18 =	rddreg [dreg:$0x18]  }
0x3c2: {  	[tilespmem:s9], [sflag:$0x1] =	stream.indirect_vreg.gather [hbm4b:s18+s2], $0x80, v2, vm0, $0xb8;
	[tilespmem:$0x1E800] =	vst v63  }
0x3c3: {  	s10 =	simm.s32 $0x6800;
	s16 =	rddreg [dreg:$0x19]  }
0x3c4: {  	[tilespmem:s10], [sflag:$0x1] =	stream.indirect_vreg.gather [hbm4b:s16+s2], $0x80, v2, vm0, $0xb8;
	[tilespmem:$0x1E800] =	vst v63  }
0x3c5: {  	s6 =	simm.s32 $0x7000  }
0x3c6: {  	[tilespmem:s6], [sflag:$0x1] =	stream.indirect_vreg.gather [hbm4b:s21+s2], $0x80, v2, vm0, $0xb8;
	[tilespmem:$0x1E800] =	vst v63  }
0x3c7: {  	s9 =	simm.s32 $0x7800  }
0x3c8: {  	[tilespmem:s9], [sflag:$0x1] =	stream.indirect_vreg.gather [hbm4b:s22+s2], $0x80, v2, vm0, $0xb8;
	[tilespmem:$0x1E800] =	vst v63  }
0x3c9: {  	s10 =	simm.s32 $0x8000  }
0x3ca: {  	[tilespmem:s10], [sflag:$0x1] =	stream.indirect_vreg.gather [hbm4b:s23+s2], $0x80, v2, vm0, $0xb8;
	[tilespmem:$0x1E800] =	vst v63  }
0x3cb: {  	s16 =	simm.s32 $0x8800  }
0x3cc: {  	[tilespmem:s16], [sflag:$0x1] =	stream.indirect_vreg.gather [hbm4b:s24+s2], $0x80, v2, vm0, $0xb8;
	[tilespmem:$0x1E800] =	vst v63  }
0x3cd: {  	s6 =	simm.s32 $0x9000  }
0x3ce: {  	[tilespmem:s6], [sflag:$0x1] =	stream.indirect_vreg.gather [hbm4b:s25+s2], $0x80, v2, vm0, $0xb8;
	[tilespmem:$0x1E800] =	vst v63  }
0x3cf: {  	s9 =	simm.s32 $0x9800  }
0x3d0: {  	[tilespmem:s9], [sflag:$0x1] =	stream.indirect_vreg.gather [hbm4b:s26+s2], $0x80, v2, vm0, $0xb8;
	[tilespmem:$0x1E800] =	vst v63  }
0x3d1: {  	s10 =	simm.s32 $0xA000  }
0x3d2: {  	[tilespmem:s10], [sflag:$0x1] =	stream.indirect_vreg.gather [hbm4b:s28+s2], $0x80, v2, vm0, $0xb8;
	[tilespmem:$0x1E800] =	vst v63  }
0x3d3: {  	s16 =	simm.s32 $0xA800  }
0x3d4: {  	[tilespmem:s16], [sflag:$0x1] =	stream.indirect_vreg.gather [hbm4b:s29+s2], $0x80, v2, vm0, $0xb8;
	[tilespmem:$0x1E800] =	vst v63  }
0x3d5: {  	s6 =	simm.s32 $0xB000  }
0x3d6: {  	[tilespmem:s6], [sflag:$0x1] =	stream.indirect_vreg.gather [hbm4b:s30+s2], $0x80, v2, vm0, $0xb8;
	[tilespmem:$0x1E800] =	vst v63  }
0x3d7: {  	s9 =	simm.s32 $0xB800;
	s16 =	sld [smem:$0x7D9]  }
0x3d8: {  	[tilespmem:s9], [sflag:$0x1] =	stream.indirect_vreg.gather [hbm4b:s31+s2], $0x80, v2, vm0, $0xb8;
	[tilespmem:$0x1E800] =	vst v63  }
0x3d9: {  	s10 =	simm.s32 $0xC000  }
0x3da: {  	[tilespmem:s10], [sflag:$0x1] =	stream.indirect_vreg.gather [hbm4b:s16+s2], $0x80, v2, vm0, $0xb8;
	[tilespmem:$0x1E800] =	vst v63  }
0x3db: {  	s9 =	simm.s32 $0xC800;
	s16 =	sld [smem:$0x7DB]  }
0x3dc: {  	[tilespmem:s9], [sflag:$0x1] =	stream.indirect_vreg.gather [hbm4b:s1+s2], $0x80, v2, vm0, $0xb8;
	[tilespmem:$0x1E800] =	vst v63  }
0x3dd: {  	s10 =	simm.s32 $0xD000;
	s9 =	sld [smem:$0x7DC]  }
0x3de: {  	[tilespmem:s10], [sflag:$0x1] =	stream.indirect_vreg.gather [hbm4b:s16+s2], $0x80, v2, vm0, $0xb8;
	[tilespmem:$0x1E800] =	vst v63  }
0x3df: {  	s5 =	simm.s32 $0xD800;
	s6 =	sld [smem:$0x7DD]  }
0x3e0: {  	[tilespmem:s5], [sflag:$0x1] =	stream.indirect_vreg.gather [hbm4b:s9+s2], $0x80, v2, vm0, $0xb8;
	[tilespmem:$0x1E800] =	vst v63  }
0x3e1: {  	s10 =	simm.s32 $0xE000  }
0x3e2: {  	[tilespmem:s10], [sflag:$0x1] =	stream.indirect_vreg.gather [hbm4b:s6+s2], $0x80, v2, vm0, $0xb8;
	[tilespmem:$0x1E800] =	vst v63  }
0x3e3: {  	s6 =	sld [smem:$0x7DE];
	_ =	sdelay $0x1  }
0x3e4: {  	s10 =	simm.s32 $0xE800  }
0x3e5: {  	[tilespmem:s10], [sflag:$0x1] =	stream.indirect_vreg.gather [hbm4b:s6+s2], $0x80, v2, vm0, $0xb8;
	[tilespmem:$0x1E800] =	vst v63  }
0x3e6: {  	s6 =	simm.s32 $0xF000  }
0x3e7: {  	[tilespmem:s6], [sflag:$0x1] =	stream.indirect_vreg.gather [hbm4b:s0+s2], $0x80, v2, vm0, $0xb8;
	[tilespmem:$0x1E800] =	vst v63  }
0x3e8: {  	s0 =	sld [smem:$0x7E0];
	_ =	sdelay $0x1  }
0x3e9: {  	s5 =	sld [smem:$0x7E1];
	s10 =	simm.s32 $0xF800  }
0x3ea: {  	[tilespmem:s10], [sflag:$0x1] =	stream.indirect_vreg.gather [hbm4b:s0+s2], $0x80, v2, vm0, $0xb8;
	[tilespmem:$0x1E800] =	vst v63  }
0x3eb: {  	s6 =	simm.s32 $0x10000  }
0x3ec: {  	[tilespmem:s6], [sflag:$0x1] =	stream.indirect_vreg.gather [hbm4b:s5+s2], $0x80, v2, vm0, $0xb8;
	[tilespmem:$0x1E800] =	vst v63  }
0x3ed: {  	s5 =	sld [smem:$0x7E2];
	_ =	sdelay $0x1  }
0x3ee: {  	s10 =	simm.s32 $0x10800;
	s6 =	sld [smem:$0x7E3]  }
0x3ef: {  	[tilespmem:s10], [sflag:$0x1] =	stream.indirect_vreg.gather [hbm4b:s5+s2], $0x80, v2, vm0, $0xb8;
	[tilespmem:$0x1E800] =	vst v63  }
0x3f0: {  	s10 =	simm.s32 $0x11000  }
0x3f1: {  	[tilespmem:s10], [sflag:$0x1] =	stream.indirect_vreg.gather [hbm4b:s6+s2], $0x80, v2, vm0, $0xb8;
	[tilespmem:$0x1E800] =	vst v63  }
0x3f2: {  	s10 =	sld [smem:$0x7E4];
	_ =	sdelay $0x1  }
0x3f3: {  	s1 =	sld [smem:$0x7E5];
	s6 =	simm.s32 $0x11800  }
0x3f4: {  	[tilespmem:s6], [sflag:$0x1] =	stream.indirect_vreg.gather [hbm4b:s10+s2], $0x80, v2, vm0, $0xb8;
	[tilespmem:$0x1E800] =	vst v63  }
0x3f5: {  	s6 =	simm.s32 $0x12000  }
0x3f6: {  	[tilespmem:s6], [sflag:$0x1] =	stream.indirect_vreg.gather [hbm4b:s1+s2], $0x80, v2, vm0, $0xb8;
	[tilespmem:$0x1E800] =	vst v63  }
0x3f7: {  	s1 =	sld [smem:$0x7E6];
	_ =	sdelay $0x1  }
0x3f8: {  	s6 =	simm.s32 $0x12800  }
0x3f9: {  	[tilespmem:s6], [sflag:$0x1] =	stream.indirect_vreg.gather [hbm4b:s1+s2], $0x80, v2, vm0, $0xb8;
	[tilespmem:$0x1E800] =	vst v63  }
0x3fa: {  	s6 =	simm.s32 $0x13000  }
0x3fb: {  	[tilespmem:s6], [sflag:$0x1] =	stream.indirect_vreg.gather [hbm4b:s3+s2], $0x80, v2, vm0, $0xb8;
	[tilespmem:$0x1E800] =	vst v63  }
0x3fc: {  	s3 =	sld [smem:$0x7E8];
	_ =	sdelay $0x1  }
0x3fd: {  	s6 =	simm.s32 $0x13800  }
0x3fe: {  	[tilespmem:s6], [sflag:$0x1] =	stream.indirect_vreg.gather [hbm4b:s3+s2], $0x80, v2, vm0, $0xb8;
	[tilespmem:$0x1E800] =	vst v63  }
0x3ff: {  	s3 =	sld [smem:$0x7E9];
	_ =	sdelay $0x1  }
0x400: {  	s6 =	simm.s32 $0x14000  }
0x401: {  	[tilespmem:s6], [sflag:$0x1] =	stream.indirect_vreg.gather [hbm4b:s3+s2], $0x80, v2, vm0, $0xb8;
	[tilespmem:$0x1E800] =	vst v63  }
0x402: {  	s3 =	sld [smem:$0x7EA];
	_ =	sdelay $0x1  }
0x403: {  	s6 =	simm.s32 $0x14800  }
0x404: {  	[tilespmem:s6], [sflag:$0x1] =	stream.indirect_vreg.gather [hbm4b:s3+s2], $0x80, v2, vm0, $0xb8;
	[tilespmem:$0x1E800] =	vst v63  }
0x405: {  	s3 =	simm.s32 $0x15000;
	s6 =	sld [smem:$0x7EC]  }
0x406: {  	[tilespmem:s3], [sflag:$0x1] =	stream.indirect_vreg.gather [hbm4b:s11+s2], $0x80, v2, vm0, $0xb8;
	[tilespmem:$0x1E800] =	vst v63  }
0x407: {  	s11 =	simm.s32 $0x15800;
	s3 =	sld [smem:$0x7ED]  }
0x408: {  	[tilespmem:s11], [sflag:$0x1] =	stream.indirect_vreg.gather [hbm4b:s6+s2], $0x80, v2, vm0, $0xb8;
	[tilespmem:$0x1E800] =	vst v63  }
0x409: {  	s6 =	simm.s32 $0x16000  }
0x40a: {  	[tilespmem:s6], [sflag:$0x1] =	stream.indirect_vreg.gather [hbm4b:s3+s2], $0x80, v2, vm0, $0xb8;
	[tilespmem:$0x1E800] =	vst v63  }
0x40b: {  	s11 =	simm.s32 $0x16800;
	s3 =	sld [smem:$0x7EF]  }
0x40c: {  	[tilespmem:s11], [sflag:$0x1] =	stream.indirect_vreg.gather [hbm4b:s19+s2], $0x80, v2, vm0, $0xb8;
	[tilespmem:$0x1E800] =	vst v63  }
0x40d: {  	s6 =	simm.s32 $0x17000;
	s11 =	sld [smem:$0x7F0]  }
0x40e: {  	[tilespmem:s6], [sflag:$0x1] =	stream.indirect_vreg.gather [hbm4b:s3+s2], $0x80, v2, vm0, $0xb8;
	[tilespmem:$0x1E800] =	vst v63  }
0x40f: {  	s19 =	simm.s32 $0x17800;
	s3 =	sld [smem:$0x7F1]  }
0x410: {  	[tilespmem:s19], [sflag:$0x1] =	stream.indirect_vreg.gather [hbm4b:s11+s2], $0x80, v2, vm0, $0xb8;
	[tilespmem:$0x1E800] =	vst v63  }
0x411: {  	s6 =	simm.s32 $0x18000;
	s11 =	sld [smem:$0x7F2]  }
0x412: {  	[tilespmem:s6], [sflag:$0x1] =	stream.indirect_vreg.gather [hbm4b:s3+s2], $0x80, v2, vm0, $0xb8;
	[tilespmem:$0x1E800] =	vst v63  }
0x413: {  	s19 =	simm.s32 $0x18800  }
0x414: {  	[tilespmem:s19], [sflag:$0x1] =	stream.indirect_vreg.gather [hbm4b:s11+s2], $0x80, v2, vm0, $0xb8;
	[tilespmem:$0x1E800] =	vst v63  }
0x415: {  	s6 =	simm.s32 $0x19000;
	s11 =	sld [smem:$0x7F4]  }
0x416: {  	[tilespmem:s6], [sflag:$0x1] =	stream.indirect_vreg.gather [hbm4b:s7+s2], $0x80, v2, vm0, $0xb8;
	[tilespmem:$0x1E800] =	vst v63  }
0x417: {  	s19 =	simm.s32 $0x19800;
	s6 =	sld [smem:$0x7F5]  }
0x418: {  	[tilespmem:s19], [sflag:$0x1] =	stream.indirect_vreg.gather [hbm4b:s11+s2], $0x80, v2, vm0, $0xb8;
	[tilespmem:$0x1E800] =	vst v63  }
0x419: {  	s7 =	simm.s32 $0x1A000;
	s11 =	sld [smem:$0x7F6]  }
0x41a: {  	[tilespmem:s7], [sflag:$0x1] =	stream.indirect_vreg.gather [hbm4b:s6+s2], $0x80, v2, vm0, $0xb8;
	[tilespmem:$0x1E800] =	vst v63  }
0x41b: {  	s3 =	sld [smem:$0x7F7];
	s19 =	simm.s32 $0x1A800  }
0x41c: {  	[tilespmem:s19], [sflag:$0x1] =	stream.indirect_vreg.gather [hbm4b:s11+s2], $0x80, v2, vm0, $0xb8;
	[tilespmem:$0x1E800] =	vst v63  }
0x41d: {  	s6 =	simm.s32 $0x1B000;
	s7 =	sld [smem:$0x7F8]  }
0x41e: {  	[tilespmem:s6], [sflag:$0x1] =	stream.indirect_vreg.gather [hbm4b:s3+s2], $0x80, v2, vm0, $0xb8;
	[tilespmem:$0x1E800] =	vst v63  }
0x41f: {  	s11 =	simm.s32 $0x1B800  }
0x420: {  	[tilespmem:s11], [sflag:$0x1] =	stream.indirect_vreg.gather [hbm4b:s7+s2], $0x80, v2, vm0, $0xb8;
	[tilespmem:$0x1E800] =	vst v63  }
0x421: {  	s19 =	simm.s32 $0x1C000;
	s3 =	sld [smem:$0x7FA]  }
0x422: {  	[tilespmem:s19], [sflag:$0x1] =	stream.indirect_vreg.gather [hbm4b:s8+s2], $0x80, v2, vm0, $0xb8;
	[tilespmem:$0x1E800] =	vst v63  }
0x423: {  	s6 =	simm.s32 $0x1C800;
	s7 =	sld [smem:$0x7FB]  }
0x424: {  	[tilespmem:s6], [sflag:$0x1] =	stream.indirect_vreg.gather [hbm4b:s3+s2], $0x80, v2, vm0, $0xb8;
	[tilespmem:$0x1E800] =	vst v63  }
0x425: {  	s11 =	sld [smem:$0x7FC];
	s8 =	simm.s32 $0x1D000  }
0x426: {  	[tilespmem:s8], [sflag:$0x1] =	stream.indirect_vreg.gather [hbm4b:s7+s2], $0x80, v2, vm0, $0xb8;
	[tilespmem:$0x1E800] =	vst v63  }
0x427: {  	s19 =	simm.s32 $0x1D800;
	s7 =	sld [smem:$0x7FD]  }
0x428: {  	[tilespmem:s19], [sflag:$0x1] =	stream.indirect_vreg.gather [hbm4b:s11+s2], $0x80, v2, vm0, $0xb8;
	[tilespmem:$0x1E800] =	vst v63  }
0x429: {  	s6 =	simm.s32 $0x1E000;
	s8 =	simm.s32 $0x1  }
0x42a: {  	[tilespmem:s6], [sflag:$0x1] =	stream.indirect_vreg.gather [hbm4b:s7+s2], $0x80, v2, vm0, $0xb8;
	[tilespmem:$0x1E800] =	vst v63  }
0x42b: {  	_ =	swait.ge [sflag:s8], $0x1E000  }
0x42c: {  	s19 =	simm.s32 $0x800;
	[sflag:s8] =	ssyncset.done $0x0  }
0x42d: {  	s6 =	simm.s32 $0x2;
	s11 =	rddreg [dreg:$0x9];
	[sflag:s8] =	ssyncadd.s32 $0xFFFE2000  }
0x42e: {  	[hbm4b:s11+s2] =	stream.linear.scatter [tilespmem:s19], [sflag:$0x2], $0x1E000, $0x38;
	[tilespmem:$0x1E800] =	vst v63  }
0x42f: {  	_ =	swait.ge [sflag:s6], $0x1E000  }
0x430: {  	[sflag:s6] =	ssyncset.done $0x0  }
0x431: {  	[sflag:s6] =	ssyncadd.s32 $0xFFFE2000  }
0x432: {  	v2 =	vld.msk [tilespmem:$0x380], $0xff;
	_ =	sdelay $0x4  }
0x433: {  	v3 =	vshrl.u32 v2, $0x3  }
0x434: {  	v3 =	vmul.u32 $0x3C0, v3  }
0x435: {  	v2 =	vand.u32 $0x7, v2  }
0x436: {  	v2 =	vor.u32 v2, v3  }
0x437: {  	v2 =	vperm.xlane v2, v0;
	_ =	sdelay $0x1  }
0x438: {  	v2 =	vadd.s32 v1, v2;
	_ =	sdelay $0x4  }
0x439: {  	[tilespmem:s19], [sflag:$0x1] =	stream.indirect_vreg.gather [hbm4b:s4+s2], $0x80, v2, vm0, $0xb8;
	[tilespmem:$0x1E800] =	vst v63  }
0x43a: {  	s7 =	simm.s32 $0x1000;
	s8 =	rddreg [dreg:$0xe]  }
0x43b: {  	[tilespmem:s7], [sflag:$0x1] =	stream.indirect_vreg.gather [hbm4b:s8+s2], $0x80, v2, vm0, $0xb8;
	[tilespmem:$0x1E800] =	vst v63  }
0x43c: {  	s11 =	simm.s32 $0x1800  }
0x43d: {  	[tilespmem:s11], [sflag:$0x1] =	stream.indirect_vreg.gather [hbm4b:s20+s2], $0x80, v2, vm0, $0xb8;
	[tilespmem:$0x1E800] =	vst v63  }
0x43e: {  	s19 =	simm.s32 $0x2000;
	s20 =	rddreg [dreg:$0x10]  }
0x43f: {  	[tilespmem:s19], [sflag:$0x1] =	stream.indirect_vreg.gather [hbm4b:s20+s2], $0x80, v2, vm0, $0xb8;
	[tilespmem:$0x1E800] =	vst v63  }
0x440: {  	s6 =	simm.s32 $0x2800;
	s4 =	rddreg [dreg:$0x11]  }
0x441: {  	[tilespmem:s6], [sflag:$0x1] =	stream.indirect_vreg.gather [hbm4b:s4+s2], $0x80, v2, vm0, $0xb8;
	[tilespmem:$0x1E800] =	vst v63  }
0x442: {  	s7 =	simm.s32 $0x3000;
	s4 =	rddreg [dreg:$0x12]  }
0x443: {  	[tilespmem:s7], [sflag:$0x1] =	stream.indirect_vreg.gather [hbm4b:s4+s2], $0x80, v2, vm0, $0xb8;
	[tilespmem:$0x1E800] =	vst v63  }
0x444: {  	s8 =	simm.s32 $0x3800  }
0x445: {  	[tilespmem:s8], [sflag:$0x1] =	stream.indirect_vreg.gather [hbm4b:s12+s2], $0x80, v2, vm0, $0xb8;
	[tilespmem:$0x1E800] =	vst v63  }
0x446: {  	s11 =	simm.s32 $0x4000  }
0x447: {  	[tilespmem:s11], [sflag:$0x1] =	stream.indirect_vreg.gather [hbm4b:s13+s2], $0x80, v2, vm0, $0xb8;
	[tilespmem:$0x1E800] =	vst v63  }
0x448: {  	s12 =	simm.s32 $0x4800  }
0x449: {  	[tilespmem:s12], [sflag:$0x1] =	stream.indirect_vreg.gather [hbm4b:s14+s2], $0x80, v2, vm0, $0xb8;
	[tilespmem:$0x1E800] =	vst v63  }
0x44a: {  	s13 =	simm.s32 $0x5000  }
0x44b: {  	[tilespmem:s13], [sflag:$0x1] =	stream.indirect_vreg.gather [hbm4b:s15+s2], $0x80, v2, vm0, $0xb8;
	[tilespmem:$0x1E800] =	vst v63  }
0x44c: {  	s14 =	simm.s32 $0x5800  }
0x44d: {  	[tilespmem:s14], [sflag:$0x1] =	stream.indirect_vreg.gather [hbm4b:s17+s2], $0x80, v2, vm0, $0xb8;
	[tilespmem:$0x1E800] =	vst v63  }
0x44e: {  	s15 =	simm.s32 $0x6000  }
0x44f: {  	[tilespmem:s15], [sflag:$0x1] =	stream.indirect_vreg.gather [hbm4b:s18+s2], $0x80, v2, vm0, $0xb8;
	[tilespmem:$0x1E800] =	vst v63  }
0x450: {  	s19 =	rddreg [dreg:$0x19];
	s17 =	simm.s32 $0x6800  }
0x451: {  	[tilespmem:s17], [sflag:$0x1] =	stream.indirect_vreg.gather [hbm4b:s19+s2], $0x80, v2, vm0, $0xb8;
	[tilespmem:$0x1E800] =	vst v63  }
0x452: {  	s18 =	simm.s32 $0x7000  }
0x453: {  	[tilespmem:s18], [sflag:$0x1] =	stream.indirect_vreg.gather [hbm4b:s21+s2], $0x80, v2, vm0, $0xb8;
	[tilespmem:$0x1E800] =	vst v63  }
0x454: {  	s20 =	simm.s32 $0x7800  }
0x455: {  	[tilespmem:s20], [sflag:$0x1] =	stream.indirect_vreg.gather [hbm4b:s22+s2], $0x80, v2, vm0, $0xb8;
	[tilespmem:$0x1E800] =	vst v63  }
0x456: {  	s3 =	simm.s32 $0x8000  }
0x457: {  	[tilespmem:s3], [sflag:$0x1] =	stream.indirect_vreg.gather [hbm4b:s23+s2], $0x80, v2, vm0, $0xb8;
	[tilespmem:$0x1E800] =	vst v63  }
0x458: {  	s6 =	simm.s32 $0x8800  }
0x459: {  	[tilespmem:s6], [sflag:$0x1] =	stream.indirect_vreg.gather [hbm4b:s24+s2], $0x80, v2, vm0, $0xb8;
	[tilespmem:$0x1E800] =	vst v63  }
0x45a: {  	s7 =	simm.s32 $0x9000  }
0x45b: {  	[tilespmem:s7], [sflag:$0x1] =	stream.indirect_vreg.gather [hbm4b:s25+s2], $0x80, v2, vm0, $0xb8;
	[tilespmem:$0x1E800] =	vst v63  }
0x45c: {  	s8 =	simm.s32 $0x9800  }
0x45d: {  	[tilespmem:s8], [sflag:$0x1] =	stream.indirect_vreg.gather [hbm4b:s26+s2], $0x80, v2, vm0, $0xb8;
	[tilespmem:$0x1E800] =	vst v63  }
0x45e: {  	s11 =	simm.s32 $0xA000  }
0x45f: {  	[tilespmem:s11], [sflag:$0x1] =	stream.indirect_vreg.gather [hbm4b:s28+s2], $0x80, v2, vm0, $0xb8;
	[tilespmem:$0x1E800] =	vst v63  }
0x460: {  	s12 =	simm.s32 $0xA800  }
0x461: {  	[tilespmem:s12], [sflag:$0x1] =	stream.indirect_vreg.gather [hbm4b:s29+s2], $0x80, v2, vm0, $0xb8;
	[tilespmem:$0x1E800] =	vst v63  }
0x462: {  	s13 =	simm.s32 $0xB000  }
0x463: {  	[tilespmem:s13], [sflag:$0x1] =	stream.indirect_vreg.gather [hbm4b:s30+s2], $0x80, v2, vm0, $0xb8;
	[tilespmem:$0x1E800] =	vst v63  }
0x464: {  	s14 =	simm.s32 $0xB800;
	s15 =	sld [smem:$0x7D9]  }
0x465: {  	[tilespmem:s14], [sflag:$0x1] =	stream.indirect_vreg.gather [hbm4b:s31+s2], $0x80, v2, vm0, $0xb8;
	[tilespmem:$0x1E800] =	vst v63  }
0x466: {  	s17 =	simm.s32 $0xC000;
	s20 =	sld [smem:$0x7DA]  }
0x467: {  	[tilespmem:s17], [sflag:$0x1] =	stream.indirect_vreg.gather [hbm4b:s15+s2], $0x80, v2, vm0, $0xb8;
	[tilespmem:$0x1E800] =	vst v63  }
0x468: {  	s18 =	simm.s32 $0xC800  }
0x469: {  	[tilespmem:s18], [sflag:$0x1] =	stream.indirect_vreg.gather [hbm4b:s20+s2], $0x80, v2, vm0, $0xb8;
	[tilespmem:$0x1E800] =	vst v63  }
0x46a: {  	s6 =	simm.s32 $0xD000  }
0x46b: {  	[tilespmem:s6], [sflag:$0x1] =	stream.indirect_vreg.gather [hbm4b:s16+s2], $0x80, v2, vm0, $0xb8;
	[tilespmem:$0x1E800] =	vst v63  }
0x46c: {  	s7 =	simm.s32 $0xD800  }
0x46d: {  	[tilespmem:s7], [sflag:$0x1] =	stream.indirect_vreg.gather [hbm4b:s9+s2], $0x80, v2, vm0, $0xb8;
	[tilespmem:$0x1E800] =	vst v63  }
0x46e: {  	s9 =	sld [smem:$0x7DD];
	_ =	sdelay $0x1  }
0x46f: {  	s8 =	simm.s32 $0xE000;
	s12 =	sld [smem:$0x7DE]  }
0x470: {  	[tilespmem:s8], [sflag:$0x1] =	stream.indirect_vreg.gather [hbm4b:s9+s2], $0x80, v2, vm0, $0xb8;
	[tilespmem:$0x1E800] =	vst v63  }
0x471: {  	s11 =	simm.s32 $0xE800;
	s14 =	sld [smem:$0x7DF]  }
0x472: {  	[tilespmem:s11], [sflag:$0x1] =	stream.indirect_vreg.gather [hbm4b:s12+s2], $0x80, v2, vm0, $0xb8;
	[tilespmem:$0x1E800] =	vst v63  }
0x473: {  	s13 =	simm.s32 $0xF000  }
0x474: {  	[tilespmem:s13], [sflag:$0x1] =	stream.indirect_vreg.gather [hbm4b:s14+s2], $0x80, v2, vm0, $0xb8;
	[tilespmem:$0x1E800] =	vst v63  }
0x475: {  	s3 =	sld [smem:$0x7E1];
	s15 =	simm.s32 $0xF800  }
0x476: {  	[tilespmem:s15], [sflag:$0x1] =	stream.indirect_vreg.gather [hbm4b:s0+s2], $0x80, v2, vm0, $0xb8;
	[tilespmem:$0x1E800] =	vst v63  }
0x477: {  	s16 =	simm.s32 $0x10000  }
0x478: {  	[tilespmem:s16], [sflag:$0x1] =	stream.indirect_vreg.gather [hbm4b:s3+s2], $0x80, v2, vm0, $0xb8;
	[tilespmem:$0x1E800] =	vst v63  }
0x479: {  	s1 =	sld [smem:$0x7E3];
	s17 =	simm.s32 $0x10800  }
0x47a: {  	[tilespmem:s17], [sflag:$0x1] =	stream.indirect_vreg.gather [hbm4b:s5+s2], $0x80, v2, vm0, $0xb8;
	[tilespmem:$0x1E800] =	vst v63  }
0x47b: {  	s18 =	simm.s32 $0x11000  }
0x47c: {  	[tilespmem:s18], [sflag:$0x1] =	stream.indirect_vreg.gather [hbm4b:s1+s2], $0x80, v2, vm0, $0xb8;
	[tilespmem:$0x1E800] =	vst v63  }
0x47d: {  	s20 =	simm.s32 $0x11800;
	s6 =	sld [smem:$0x7E5]  }
0x47e: {  	[tilespmem:s20], [sflag:$0x1] =	stream.indirect_vreg.gather [hbm4b:s10+s2], $0x80, v2, vm0, $0xb8;
	[tilespmem:$0x1E800] =	vst v63  }
0x47f: {  	s8 =	sld [smem:$0x7E6];
	s0 =	simm.s32 $0x12000  }
0x480: {  	[tilespmem:s0], [sflag:$0x1] =	stream.indirect_vreg.gather [hbm4b:s6+s2], $0x80, v2, vm0, $0xb8;
	[tilespmem:$0x1E800] =	vst v63  }
0x481: {  	s7 =	simm.s32 $0x12800;
	s5 =	sld [smem:$0x7E7]  }
0x482: {  	[tilespmem:s7], [sflag:$0x1] =	stream.indirect_vreg.gather [hbm4b:s8+s2], $0x80, v2, vm0, $0xb8;
	[tilespmem:$0x1E800] =	vst v63  }
0x483: {  	s18 =	sld [smem:$0x7E8];
	s10 =	simm.s32 $0x13000  }
0x484: {  	[tilespmem:s10], [sflag:$0x1] =	stream.indirect_vreg.gather [hbm4b:s5+s2], $0x80, v2, vm0, $0xb8;
	[tilespmem:$0x1E800] =	vst v63  }
0x485: {  	s11 =	simm.s32 $0x13800  }
0x486: {  	[tilespmem:s11], [sflag:$0x1] =	stream.indirect_vreg.gather [hbm4b:s18+s2], $0x80, v2, vm0, $0xb8;
	[tilespmem:$0x1E800] =	vst v63  }
0x487: {  	s11 =	sld [smem:$0x7E9];
	_ =	sdelay $0x1  }
0x488: {  	s12 =	simm.s32 $0x14000;
	s14 =	sld [smem:$0x7EA]  }
0x489: {  	[tilespmem:s12], [sflag:$0x1] =	stream.indirect_vreg.gather [hbm4b:s11+s2], $0x80, v2, vm0, $0xb8;
	[tilespmem:$0x1E800] =	vst v63  }
0x48a: {  	s13 =	simm.s32 $0x14800;
	s16 =	sld [smem:$0x7EB]  }
0x48b: {  	[tilespmem:s13], [sflag:$0x1] =	stream.indirect_vreg.gather [hbm4b:s14+s2], $0x80, v2, vm0, $0xb8;
	[tilespmem:$0x1E800] =	vst v63  }
0x48c: {  	s15 =	simm.s32 $0x15000;
	s17 =	sld [smem:$0x7EC]  }
0x48d: {  	[tilespmem:s15], [sflag:$0x1] =	stream.indirect_vreg.gather [hbm4b:s16+s2], $0x80, v2, vm0, $0xb8;
	[tilespmem:$0x1E800] =	vst v63  }
0x48e: {  	s20 =	simm.s32 $0x15800;
	s7 =	sld [smem:$0x7ED]  }
0x48f: {  	[tilespmem:s20], [sflag:$0x1] =	stream.indirect_vreg.gather [hbm4b:s17+s2], $0x80, v2, vm0, $0xb8;
	[tilespmem:$0x1E800] =	vst v63  }
0x490: {  	s0 =	simm.s32 $0x16000;
	s12 =	sld [smem:$0x7EE]  }
0x491: {  	[tilespmem:s0], [sflag:$0x1] =	stream.indirect_vreg.gather [hbm4b:s7+s2], $0x80, v2, vm0, $0xb8;
	[tilespmem:$0x1E800] =	vst v63  }
0x492: {  	s10 =	simm.s32 $0x16800;
	s7 =	sld [smem:$0x7EF]  }
0x493: {  	[tilespmem:s10], [sflag:$0x1] =	stream.indirect_vreg.gather [hbm4b:s12+s2], $0x80, v2, vm0, $0xb8;
	[tilespmem:$0x1E800] =	vst v63  }
0x494: {  	s13 =	simm.s32 $0x17000;
	s12 =	sld [smem:$0x7F0]  }
0x495: {  	[tilespmem:s13], [sflag:$0x1] =	stream.indirect_vreg.gather [hbm4b:s7+s2], $0x80, v2, vm0, $0xb8;
	[tilespmem:$0x1E800] =	vst v63  }
0x496: {  	s14 =	simm.s32 $0x17800;
	s20 =	sld [smem:$0x7F1]  }
0x497: {  	[tilespmem:s14], [sflag:$0x1] =	stream.indirect_vreg.gather [hbm4b:s12+s2], $0x80, v2, vm0, $0xb8;
	[tilespmem:$0x1E800] =	vst v63  }
0x498: {  	s15 =	simm.s32 $0x18000;
	s17 =	sld [smem:$0x7F2]  }
0x499: {  	[tilespmem:s15], [sflag:$0x1] =	stream.indirect_vreg.gather [hbm4b:s20+s2], $0x80, v2, vm0, $0xb8;
	[tilespmem:$0x1E800] =	vst v63  }
0x49a: {  	s16 =	simm.s32 $0x18800;
	s13 =	sld [smem:$0x7F3]  }
0x49b: {  	[tilespmem:s16], [sflag:$0x1] =	stream.indirect_vreg.gather [hbm4b:s17+s2], $0x80, v2, vm0, $0xb8;
	[tilespmem:$0x1E800] =	vst v63  }
0x49c: {  	s10 =	simm.s32 $0x19000  }
0x49d: {  	[tilespmem:s10], [sflag:$0x1] =	stream.indirect_vreg.gather [hbm4b:s13+s2], $0x80, v2, vm0, $0xb8;
	[tilespmem:$0x1E800] =	vst v63  }
0x49e: {  	s10 =	sld [smem:$0x7F4];
	_ =	sdelay $0x1  }
0x49f: {  	s14 =	simm.s32 $0x19800;
	s13 =	sld [smem:$0x7F5]  }
0x4a0: {  	[tilespmem:s14], [sflag:$0x1] =	stream.indirect_vreg.gather [hbm4b:s10+s2], $0x80, v2, vm0, $0xb8;
	[tilespmem:$0x1E800] =	vst v63  }
0x4a1: {  	s15 =	simm.s32 $0x1A000;
	s17 =	sld [smem:$0x7F6]  }
0x4a2: {  	[tilespmem:s15], [sflag:$0x1] =	stream.indirect_vreg.gather [hbm4b:s13+s2], $0x80, v2, vm0, $0xb8;
	[tilespmem:$0x1E800] =	vst v63  }
0x4a3: {  	s16 =	simm.s32 $0x1A800;
	s15 =	sld [smem:$0x7F7]  }
0x4a4: {  	[tilespmem:s16], [sflag:$0x1] =	stream.indirect_vreg.gather [hbm4b:s17+s2], $0x80, v2, vm0, $0xb8;
	[tilespmem:$0x1E800] =	vst v63  }
0x4a5: {  	s14 =	simm.s32 $0x1B000;
	s17 =	sld [smem:$0x7F8]  }
0x4a6: {  	[tilespmem:s14], [sflag:$0x1] =	stream.indirect_vreg.gather [hbm4b:s15+s2], $0x80, v2, vm0, $0xb8;
	[tilespmem:$0x1E800] =	vst v63  }
0x4a7: {  	s16 =	simm.s32 $0x1B800;
	s14 =	sld [smem:$0x7F9]  }
0x4a8: {  	[tilespmem:s16], [sflag:$0x1] =	stream.indirect_vreg.gather [hbm4b:s17+s2], $0x80, v2, vm0, $0xb8;
	[tilespmem:$0x1E800] =	vst v63  }
0x4a9: {  	s0 =	simm.s32 $0x1C000  }
0x4aa: {  	[tilespmem:s0], [sflag:$0x1] =	stream.indirect_vreg.gather [hbm4b:s14+s2], $0x80, v2, vm0, $0xb8;
	[tilespmem:$0x1E800] =	vst v63  }
0x4ab: {  	s14 =	sld [smem:$0x7FA];
	_ =	sdelay $0x1  }
0x4ac: {  	s15 =	simm.s32 $0x1C800  }
0x4ad: {  	[tilespmem:s15], [sflag:$0x1] =	stream.indirect_vreg.gather [hbm4b:s14+s2], $0x80, v2, vm0, $0xb8;
	[tilespmem:$0x1E800] =	vst v63  }
0x4ae: {  	s15 =	sld [smem:$0x7FB];
	_ =	sdelay $0x1  }
0x4af: {  	s16 =	simm.s32 $0x1D000  }
0x4b0: {  	[tilespmem:s16], [sflag:$0x1] =	stream.indirect_vreg.gather [hbm4b:s15+s2], $0x80, v2, vm0, $0xb8;
	[tilespmem:$0x1E800] =	vst v63  }
0x4b1: {  	s16 =	sld [smem:$0x7FC];
	_ =	sdelay $0x1  }
0x4b2: {  	s17 =	simm.s32 $0x1D800  }
0x4b3: {  	[tilespmem:s17], [sflag:$0x1] =	stream.indirect_vreg.gather [hbm4b:s16+s2], $0x80, v2, vm0, $0xb8;
	[tilespmem:$0x1E800] =	vst v63  }
0x4b4: {  	s17 =	sld [smem:$0x7FD];
	_ =	sdelay $0x1  }
0x4b5: {  	s6 =	simm.s32 $0x1E000;
	s0 =	simm.s32 $0x1  }
0x4b6: {  	[tilespmem:s6], [sflag:$0x1] =	stream.indirect_vreg.gather [hbm4b:s17+s2], $0x80, v2, vm0, $0xb8;
	[tilespmem:$0x1E800] =	vst v63  }
0x4b7: {  	_ =	swait.ge [sflag:s0], $0x1E000  }
0x4b8: {  	[sflag:s0] =	ssyncset.done $0x0  }
0x4b9: {  	s6 =	rddreg [dreg:$0xa];
	[sflag:s0] =	ssyncadd.s32 $0xFFFE2000;
	s0 =	simm.s32 $0x800  }
0x4ba: {  	[hbm4b:s6+s2] =	stream.linear.scatter [tilespmem:s0], [sflag:$0x2], $0x1E000, $0x38;
	[tilespmem:$0x1E800] =	vst v63  }
0x4bb: {  	s6 =	simm.s32 $0x2  }
0x4bc: {  	_ =	swait.ge [sflag:s6], $0x1E000  }
0x4bd: {  	[sflag:s6] =	ssyncset.done $0x0  }
0x4be: {  	[sflag:s6] =	ssyncadd.s32 $0xFFFE2000  }
0x4bf: {  	v2 =	vld.msk [tilespmem:$0x400], $0xff;
	_ =	sdelay $0x4  }
0x4c0: {  	v3 =	vshrl.u32 v2, $0x3  }
0x4c1: {  	v3 =	vmul.u32 $0x3C0, v3  }
0x4c2: {  	v2 =	vand.u32 $0x7, v2  }
0x4c3: {  	v2 =	vor.u32 v2, v3  }
0x4c4: {  	v2 =	vperm.xlane v2, v0;
	_ =	sdelay $0x1  }
0x4c5: {  	v2 =	vadd.s32 v1, v2;
	_ =	sdelay $0x3  }
0x4c6: {  	s6 =	rddreg [dreg:$0xd]  }
0x4c7: {  	[tilespmem:s0], [sflag:$0x1] =	stream.indirect_vreg.gather [hbm4b:s6+s2], $0x80, v2, vm0, $0xb8;
	[tilespmem:$0x1E800] =	vst v63  }
0x4c8: {  	s0 =	rddreg [dreg:$0xe];
	s6 =	simm.s32 $0x1000  }
0x4c9: {  	[tilespmem:s6], [sflag:$0x1] =	stream.indirect_vreg.gather [hbm4b:s0+s2], $0x80, v2, vm0, $0xb8;
	[tilespmem:$0x1E800] =	vst v63  }
0x4ca: {  	s0 =	rddreg [dreg:$0xf];
	s6 =	simm.s32 $0x1800  }
0x4cb: {  	[tilespmem:s6], [sflag:$0x1] =	stream.indirect_vreg.gather [hbm4b:s0+s2], $0x80, v2, vm0, $0xb8;
	[tilespmem:$0x1E800] =	vst v63  }
0x4cc: {  	s0 =	rddreg [dreg:$0x10];
	s6 =	simm.s32 $0x2000  }
0x4cd: {  	[tilespmem:s6], [sflag:$0x1] =	stream.indirect_vreg.gather [hbm4b:s0+s2], $0x80, v2, vm0, $0xb8;
	[tilespmem:$0x1E800] =	vst v63  }
0x4ce: {  	s0 =	rddreg [dreg:$0x11];
	s6 =	simm.s32 $0x2800  }
0x4cf: {  	[tilespmem:s6], [sflag:$0x1] =	stream.indirect_vreg.gather [hbm4b:s0+s2], $0x80, v2, vm0, $0xb8;
	[tilespmem:$0x1E800] =	vst v63  }
0x4d0: {  	s6 =	simm.s32 $0x3000  }
0x4d1: {  	[tilespmem:s6], [sflag:$0x1] =	stream.indirect_vreg.gather [hbm4b:s4+s2], $0x80, v2, vm0, $0xb8;
	[tilespmem:$0x1E800] =	vst v63  }
0x4d2: {  	s4 =	simm.s32 $0x3800;
	s6 =	rddreg [dreg:$0x13]  }
0x4d3: {  	[tilespmem:s4], [sflag:$0x1] =	stream.indirect_vreg.gather [hbm4b:s6+s2], $0x80, v2, vm0, $0xb8;
	[tilespmem:$0x1E800] =	vst v63  }
0x4d4: {  	s4 =	simm.s32 $0x4000;
	s6 =	rddreg [dreg:$0x14]  }
0x4d5: {  	[tilespmem:s4], [sflag:$0x1] =	stream.indirect_vreg.gather [hbm4b:s6+s2], $0x80, v2, vm0, $0xb8;
	[tilespmem:$0x1E800] =	vst v63  }
0x4d6: {  	s4 =	simm.s32 $0x4800;
	s6 =	rddreg [dreg:$0x15]  }
0x4d7: {  	[tilespmem:s4], [sflag:$0x1] =	stream.indirect_vreg.gather [hbm4b:s6+s2], $0x80, v2, vm0, $0xb8;
	[tilespmem:$0x1E800] =	vst v63  }
0x4d8: {  	s4 =	simm.s32 $0x5000;
	s6 =	rddreg [dreg:$0x16]  }
0x4d9: {  	[tilespmem:s4], [sflag:$0x1] =	stream.indirect_vreg.gather [hbm4b:s6+s2], $0x80, v2, vm0, $0xb8;
	[tilespmem:$0x1E800] =	vst v63  }
0x4da: {  	s4 =	simm.s32 $0x5800;
	s6 =	rddreg [dreg:$0x17]  }
0x4db: {  	[tilespmem:s4], [sflag:$0x1] =	stream.indirect_vreg.gather [hbm4b:s6+s2], $0x80, v2, vm0, $0xb8;
	[tilespmem:$0x1E800] =	vst v63  }
0x4dc: {  	s4 =	rddreg [dreg:$0x18];
	s6 =	simm.s32 $0x6000  }
0x4dd: {  	[tilespmem:s6], [sflag:$0x1] =	stream.indirect_vreg.gather [hbm4b:s4+s2], $0x80, v2, vm0, $0xb8;
	[tilespmem:$0x1E800] =	vst v63  }
0x4de: {  	s6 =	simm.s32 $0x6800  }
0x4df: {  	[tilespmem:s6], [sflag:$0x1] =	stream.indirect_vreg.gather [hbm4b:s19+s2], $0x80, v2, vm0, $0xb8;
	[tilespmem:$0x1E800] =	vst v63  }
0x4e0: {  	s19 =	simm.s32 $0x7000  }
0x4e1: {  	[tilespmem:s19], [sflag:$0x1] =	stream.indirect_vreg.gather [hbm4b:s21+s2], $0x80, v2, vm0, $0xb8;
	[tilespmem:$0x1E800] =	vst v63  }
0x4e2: {  	s21 =	simm.s32 $0x7800  }
0x4e3: {  	[tilespmem:s21], [sflag:$0x1] =	stream.indirect_vreg.gather [hbm4b:s22+s2], $0x80, v2, vm0, $0xb8;
	[tilespmem:$0x1E800] =	vst v63  }
0x4e4: {  	s4 =	simm.s32 $0x8000  }
0x4e5: {  	[tilespmem:s4], [sflag:$0x1] =	stream.indirect_vreg.gather [hbm4b:s23+s2], $0x80, v2, vm0, $0xb8;
	[tilespmem:$0x1E800] =	vst v63  }
0x4e6: {  	s6 =	simm.s32 $0x8800  }
0x4e7: {  	[tilespmem:s6], [sflag:$0x1] =	stream.indirect_vreg.gather [hbm4b:s24+s2], $0x80, v2, vm0, $0xb8;
	[tilespmem:$0x1E800] =	vst v63  }
0x4e8: {  	s19 =	simm.s32 $0x9000  }
0x4e9: {  	[tilespmem:s19], [sflag:$0x1] =	stream.indirect_vreg.gather [hbm4b:s25+s2], $0x80, v2, vm0, $0xb8;
	[tilespmem:$0x1E800] =	vst v63  }
0x4ea: {  	s21 =	simm.s32 $0x9800  }
0x4eb: {  	[tilespmem:s21], [sflag:$0x1] =	stream.indirect_vreg.gather [hbm4b:s26+s2], $0x80, v2, vm0, $0xb8;
	[tilespmem:$0x1E800] =	vst v63  }
0x4ec: {  	s4 =	simm.s32 $0xA000  }
0x4ed: {  	[tilespmem:s4], [sflag:$0x1] =	stream.indirect_vreg.gather [hbm4b:s28+s2], $0x80, v2, vm0, $0xb8;
	[tilespmem:$0x1E800] =	vst v63  }
0x4ee: {  	s6 =	simm.s32 $0xA800  }
0x4ef: {  	[tilespmem:s6], [sflag:$0x1] =	stream.indirect_vreg.gather [hbm4b:s29+s2], $0x80, v2, vm0, $0xb8;
	[tilespmem:$0x1E800] =	vst v63  }
0x4f0: {  	s19 =	simm.s32 $0xB000  }
0x4f1: {  	[tilespmem:s19], [sflag:$0x1] =	stream.indirect_vreg.gather [hbm4b:s30+s2], $0x80, v2, vm0, $0xb8;
	[tilespmem:$0x1E800] =	vst v63  }
0x4f2: {  	s21 =	simm.s32 $0xB800;
	s4 =	sld [smem:$0x7D9]  }
0x4f3: {  	[tilespmem:s21], [sflag:$0x1] =	stream.indirect_vreg.gather [hbm4b:s31+s2], $0x80, v2, vm0, $0xb8;
	[tilespmem:$0x1E800] =	vst v63  }
0x4f4: {  	s30 =	simm.s32 $0xC000;
	s19 =	sld [smem:$0x7DA]  }
0x4f5: {  	[tilespmem:s30], [sflag:$0x1] =	stream.indirect_vreg.gather [hbm4b:s4+s2], $0x80, v2, vm0, $0xb8;
	[tilespmem:$0x1E800] =	vst v63  }
0x4f6: {  	s6 =	simm.s32 $0xC800;
	s21 =	sld [smem:$0x7DB]  }
0x4f7: {  	[tilespmem:s6], [sflag:$0x1] =	stream.indirect_vreg.gather [hbm4b:s19+s2], $0x80, v2, vm0, $0xb8;
	[tilespmem:$0x1E800] =	vst v63  }
0x4f8: {  	s30 =	simm.s32 $0xD000  }
0x4f9: {  	[tilespmem:s30], [sflag:$0x1] =	stream.indirect_vreg.gather [hbm4b:s21+s2], $0x80, v2, vm0, $0xb8;
	[tilespmem:$0x1E800] =	vst v63  }
0x4fa: {  	s21 =	sld [smem:$0x7DC];
	_ =	sdelay $0x1  }
0x4fb: {  	s30 =	simm.s32 $0xD800  }
0x4fc: {  	[tilespmem:s30], [sflag:$0x1] =	stream.indirect_vreg.gather [hbm4b:s21+s2], $0x80, v2, vm0, $0xb8;
	[tilespmem:$0x1E800] =	vst v63  }
0x4fd: {  	s6 =	simm.s32 $0xE000  }
0x4fe: {  	[tilespmem:s6], [sflag:$0x1] =	stream.indirect_vreg.gather [hbm4b:s9+s2], $0x80, v2, vm0, $0xb8;
	[tilespmem:$0x1E800] =	vst v63  }
0x4ff: {  	s9 =	sld [smem:$0x7DE];
	_ =	sdelay $0x1  }
0x500: {  	s21 =	simm.s32 $0xE800  }
0x501: {  	[tilespmem:s21], [sflag:$0x1] =	stream.indirect_vreg.gather [hbm4b:s9+s2], $0x80, v2, vm0, $0xb8;
	[tilespmem:$0x1E800] =	vst v63  }
0x502: {  	s21 =	sld [smem:$0x7DF];
	_ =	sdelay $0x1  }
0x503: {  	s30 =	simm.s32 $0xF000;
	s6 =	sld [smem:$0x7E0]  }
0x504: {  	[tilespmem:s30], [sflag:$0x1] =	stream.indirect_vreg.gather [hbm4b:s21+s2], $0x80, v2, vm0, $0xb8;
	[tilespmem:$0x1E800] =	vst v63  }
0x505: {  	s30 =	simm.s32 $0xF800  }
0x506: {  	[tilespmem:s30], [sflag:$0x1] =	stream.indirect_vreg.gather [hbm4b:s6+s2], $0x80, v2, vm0, $0xb8;
	[tilespmem:$0x1E800] =	vst v63  }
0x507: {  	s30 =	simm.s32 $0x10000  }
0x508: {  	[tilespmem:s30], [sflag:$0x1] =	stream.indirect_vreg.gather [hbm4b:s3+s2], $0x80, v2, vm0, $0xb8;
	[tilespmem:$0x1E800] =	vst v63  }
0x509: {  	s3 =	sld [smem:$0x7E2];
	_ =	sdelay $0x1  }
0x50a: {  	s6 =	simm.s32 $0x10800  }
0x50b: {  	[tilespmem:s6], [sflag:$0x1] =	stream.indirect_vreg.gather [hbm4b:s3+s2], $0x80, v2, vm0, $0xb8;
	[tilespmem:$0x1E800] =	vst v63  }
0x50c: {  	s30 =	simm.s32 $0x11000;
	s3 =	sld [smem:$0x7E4]  }
0x50d: {  	[tilespmem:s30], [sflag:$0x1] =	stream.indirect_vreg.gather [hbm4b:s1+s2], $0x80, v2, vm0, $0xb8;
	[tilespmem:$0x1E800] =	vst v63  }
0x50e: {  	s6 =	simm.s32 $0x11800;
	s1 =	sld [smem:$0x7E5]  }
0x50f: {  	[tilespmem:s6], [sflag:$0x1] =	stream.indirect_vreg.gather [hbm4b:s3+s2], $0x80, v2, vm0, $0xb8;
	[tilespmem:$0x1E800] =	vst v63  }
0x510: {  	s30 =	simm.s32 $0x12000  }
0x511: {  	[tilespmem:s30], [sflag:$0x1] =	stream.indirect_vreg.gather [hbm4b:s1+s2], $0x80, v2, vm0, $0xb8;
	[tilespmem:$0x1E800] =	vst v63  }
0x512: {  	s3 =	simm.s32 $0x12800  }
0x513: {  	[tilespmem:s3], [sflag:$0x1] =	stream.indirect_vreg.gather [hbm4b:s8+s2], $0x80, v2, vm0, $0xb8;
	[tilespmem:$0x1E800] =	vst v63  }
0x514: {  	s6 =	simm.s32 $0x13000  }
0x515: {  	[tilespmem:s6], [sflag:$0x1] =	stream.indirect_vreg.gather [hbm4b:s5+s2], $0x80, v2, vm0, $0xb8;
	[tilespmem:$0x1E800] =	vst v63  }
0x516: {  	s8 =	simm.s32 $0x13800  }
0x517: {  	[tilespmem:s8], [sflag:$0x1] =	stream.indirect_vreg.gather [hbm4b:s18+s2], $0x80, v2, vm0, $0xb8;
	[tilespmem:$0x1E800] =	vst v63  }
0x518: {  	s30 =	simm.s32 $0x14000;
	s5 =	sld [smem:$0x7EA]  }
0x519: {  	[tilespmem:s30], [sflag:$0x1] =	stream.indirect_vreg.gather [hbm4b:s11+s2], $0x80, v2, vm0, $0xb8;
	[tilespmem:$0x1E800] =	vst v63  }
0x51a: {  	s3 =	simm.s32 $0x14800;
	s8 =	sld [smem:$0x7EB]  }
0x51b: {  	[tilespmem:s3], [sflag:$0x1] =	stream.indirect_vreg.gather [hbm4b:s5+s2], $0x80, v2, vm0, $0xb8;
	[tilespmem:$0x1E800] =	vst v63  }
0x51c: {  	s6 =	simm.s32 $0x15000;
	s18 =	sld [smem:$0x7EC]  }
0x51d: {  	[tilespmem:s6], [sflag:$0x1] =	stream.indirect_vreg.gather [hbm4b:s8+s2], $0x80, v2, vm0, $0xb8;
	[tilespmem:$0x1E800] =	vst v63  }
0x51e: {  	s11 =	simm.s32 $0x15800  }
0x51f: {  	[tilespmem:s11], [sflag:$0x1] =	stream.indirect_vreg.gather [hbm4b:s18+s2], $0x80, v2, vm0, $0xb8;
	[tilespmem:$0x1E800] =	vst v63  }
0x520: {  	s11 =	sld [smem:$0x7ED];
	_ =	sdelay $0x1  }
0x521: {  	s30 =	simm.s32 $0x16000;
	s18 =	sld [smem:$0x7EE]  }
0x522: {  	[tilespmem:s30], [sflag:$0x1] =	stream.indirect_vreg.gather [hbm4b:s11+s2], $0x80, v2, vm0, $0xb8;
	[tilespmem:$0x1E800] =	vst v63  }
0x523: {  	s3 =	simm.s32 $0x16800  }
0x524: {  	[tilespmem:s3], [sflag:$0x1] =	stream.indirect_vreg.gather [hbm4b:s18+s2], $0x80, v2, vm0, $0xb8;
	[tilespmem:$0x1E800] =	vst v63  }
0x525: {  	s6 =	simm.s32 $0x17000  }
0x526: {  	[tilespmem:s6], [sflag:$0x1] =	stream.indirect_vreg.gather [hbm4b:s7+s2], $0x80, v2, vm0, $0xb8;
	[tilespmem:$0x1E800] =	vst v63  }
0x527: {  	s7 =	simm.s32 $0x17800  }
0x528: {  	[tilespmem:s7], [sflag:$0x1] =	stream.indirect_vreg.gather [hbm4b:s12+s2], $0x80, v2, vm0, $0xb8;
	[tilespmem:$0x1E800] =	vst v63  }
0x529: {  	s12 =	simm.s32 $0x18000;
	s7 =	sld [smem:$0x7F2]  }
0x52a: {  	[tilespmem:s12], [sflag:$0x1] =	stream.indirect_vreg.gather [hbm4b:s20+s2], $0x80, v2, vm0, $0xb8;
	[tilespmem:$0x1E800] =	vst v63  }
0x52b: {  	s30 =	simm.s32 $0x18800;
	s12 =	sld [smem:$0x7F3]  }
0x52c: {  	[tilespmem:s30], [sflag:$0x1] =	stream.indirect_vreg.gather [hbm4b:s7+s2], $0x80, v2, vm0, $0xb8;
	[tilespmem:$0x1E800] =	vst v63  }
0x52d: {  	s3 =	simm.s32 $0x19000  }
0x52e: {  	[tilespmem:s3], [sflag:$0x1] =	stream.indirect_vreg.gather [hbm4b:s12+s2], $0x80, v2, vm0, $0xb8;
	[tilespmem:$0x1E800] =	vst v63  }
0x52f: {  	s6 =	simm.s32 $0x19800  }
0x530: {  	[tilespmem:s6], [sflag:$0x1] =	stream.indirect_vreg.gather [hbm4b:s10+s2], $0x80, v2, vm0, $0xb8;
	[tilespmem:$0x1E800] =	vst v63  }
0x531: {  	s10 =	simm.s32 $0x1A000  }
0x532: {  	[tilespmem:s10], [sflag:$0x1] =	stream.indirect_vreg.gather [hbm4b:s13+s2], $0x80, v2, vm0, $0xb8;
	[tilespmem:$0x1E800] =	vst v63  }
0x533: {  	s10 =	sld [smem:$0x7F6];
	_ =	sdelay $0x1  }
0x534: {  	s13 =	simm.s32 $0x1A800  }
0x535: {  	[tilespmem:s13], [sflag:$0x1] =	stream.indirect_vreg.gather [hbm4b:s10+s2], $0x80, v2, vm0, $0xb8;
	[tilespmem:$0x1E800] =	vst v63  }
0x536: {  	s13 =	sld [smem:$0x7F7];
	_ =	sdelay $0x1  }
0x537: {  	s20 =	simm.s32 $0x1B000  }
0x538: {  	[tilespmem:s20], [sflag:$0x1] =	stream.indirect_vreg.gather [hbm4b:s13+s2], $0x80, v2, vm0, $0xb8;
	[tilespmem:$0x1E800] =	vst v63  }
0x539: {  	s20 =	sld [smem:$0x7F8];
	_ =	sdelay $0x1  }
0x53a: {  	s30 =	simm.s32 $0x1B800  }
0x53b: {  	[tilespmem:s30], [sflag:$0x1] =	stream.indirect_vreg.gather [hbm4b:s20+s2], $0x80, v2, vm0, $0xb8;
	[tilespmem:$0x1E800] =	vst v63  }
0x53c: {  	s30 =	sld [smem:$0x7F9];
	_ =	sdelay $0x1  }
0x53d: {  	s3 =	simm.s32 $0x1C000  }
0x53e: {  	[tilespmem:s3], [sflag:$0x1] =	stream.indirect_vreg.gather [hbm4b:s30+s2], $0x80, v2, vm0, $0xb8;
	[tilespmem:$0x1E800] =	vst v63  }
0x53f: {  	s6 =	simm.s32 $0x1C800  }
0x540: {  	[tilespmem:s6], [sflag:$0x1] =	stream.indirect_vreg.gather [hbm4b:s14+s2], $0x80, v2, vm0, $0xb8;
	[tilespmem:$0x1E800] =	vst v63  }
0x541: {  	s3 =	simm.s32 $0x1D000  }
0x542: {  	[tilespmem:s3], [sflag:$0x1] =	stream.indirect_vreg.gather [hbm4b:s15+s2], $0x80, v2, vm0, $0xb8;
	[tilespmem:$0x1E800] =	vst v63  }
0x543: {  	s6 =	simm.s32 $0x1D800  }
0x544: {  	[tilespmem:s6], [sflag:$0x1] =	stream.indirect_vreg.gather [hbm4b:s16+s2], $0x80, v2, vm0, $0xb8;
	[tilespmem:$0x1E800] =	vst v63  }
0x545: {  	s3 =	simm.s32 $0x1E000;
	s6 =	simm.s32 $0x1  }
0x546: {  	[tilespmem:s3], [sflag:$0x1] =	stream.indirect_vreg.gather [hbm4b:s17+s2], $0x80, v2, vm0, $0xb8;
	[tilespmem:$0x1E800] =	vst v63  }
0x547: {  	_ =	swait.ge [sflag:s6], $0x1E000  }
0x548: {  	s0 =	simm.s32 $0x800;
	[sflag:s6] =	ssyncset.done $0x0  }
0x549: {  	s3 =	rddreg [dreg:$0xb];
	[sflag:s6] =	ssyncadd.s32 $0xFFFE2000;
	s6 =	simm.s32 $0x2  }
0x54a: {  	[hbm4b:s3+s2] =	stream.linear.scatter [tilespmem:s0], [sflag:$0x2], $0x1E000, $0x38;
	[tilespmem:$0x1E800] =	vst v63  }
0x54b: {  	_ =	swait.ge [sflag:s6], $0x1E000  }
0x54c: {  	[sflag:s6] =	ssyncset.done $0x0  }
0x54d: {  	[sflag:s6] =	ssyncadd.s32 $0xFFFE2000  }
0x54e: {  	v2 =	vld.msk [tilespmem:$0x480], $0xff;
	_ =	sdelay $0x4  }
0x54f: {  	v3 =	vshrl.u32 v2, $0x3  }
0x550: {  	v3 =	vmul.u32 $0x3C0, v3  }
0x551: {  	v2 =	vand.u32 $0x7, v2  }
0x552: {  	v2 =	vor.u32 v2, v3  }
0x553: {  	v2 =	vperm.xlane v2, v0;
	_ =	sdelay $0x1  }
0x554: {  	v2 =	vadd.s32 v1, v2;
	_ =	sdelay $0x3  }
0x555: {  	s6 =	rddreg [dreg:$0xd]  }
0x556: {  	[tilespmem:s0], [sflag:$0x1] =	stream.indirect_vreg.gather [hbm4b:s6+s2], $0x80, v2, vm0, $0xb8;
	[tilespmem:$0x1E800] =	vst v63  }
0x557: {  	s0 =	rddreg [dreg:$0xe];
	s6 =	simm.s32 $0x1000  }
0x558: {  	[tilespmem:s6], [sflag:$0x1] =	stream.indirect_vreg.gather [hbm4b:s0+s2], $0x80, v2, vm0, $0xb8;
	[tilespmem:$0x1E800] =	vst v63  }
0x559: {  	s0 =	rddreg [dreg:$0xf];
	s6 =	simm.s32 $0x1800  }
0x55a: {  	[tilespmem:s6], [sflag:$0x1] =	stream.indirect_vreg.gather [hbm4b:s0+s2], $0x80, v2, vm0, $0xb8;
	[tilespmem:$0x1E800] =	vst v63  }
0x55b: {  	s0 =	rddreg [dreg:$0x10];
	s6 =	simm.s32 $0x2000  }
0x55c: {  	[tilespmem:s6], [sflag:$0x1] =	stream.indirect_vreg.gather [hbm4b:s0+s2], $0x80, v2, vm0, $0xb8;
	[tilespmem:$0x1E800] =	vst v63  }
0x55d: {  	s0 =	rddreg [dreg:$0x11];
	s6 =	simm.s32 $0x2800  }
0x55e: {  	[tilespmem:s6], [sflag:$0x1] =	stream.indirect_vreg.gather [hbm4b:s0+s2], $0x80, v2, vm0, $0xb8;
	[tilespmem:$0x1E800] =	vst v63  }
0x55f: {  	s0 =	simm.s32 $0x3000;
	s6 =	rddreg [dreg:$0x12]  }
0x560: {  	[tilespmem:s0], [sflag:$0x1] =	stream.indirect_vreg.gather [hbm4b:s6+s2], $0x80, v2, vm0, $0xb8;
	[tilespmem:$0x1E800] =	vst v63  }
0x561: {  	s0 =	simm.s32 $0x3800;
	s6 =	rddreg [dreg:$0x13]  }
0x562: {  	[tilespmem:s0], [sflag:$0x1] =	stream.indirect_vreg.gather [hbm4b:s6+s2], $0x80, v2, vm0, $0xb8;
	[tilespmem:$0x1E800] =	vst v63  }
0x563: {  	s0 =	simm.s32 $0x4000;
	s6 =	rddreg [dreg:$0x14]  }
0x564: {  	[tilespmem:s0], [sflag:$0x1] =	stream.indirect_vreg.gather [hbm4b:s6+s2], $0x80, v2, vm0, $0xb8;
	[tilespmem:$0x1E800] =	vst v63  }
0x565: {  	s0 =	simm.s32 $0x4800;
	s6 =	rddreg [dreg:$0x15]  }
0x566: {  	[tilespmem:s0], [sflag:$0x1] =	stream.indirect_vreg.gather [hbm4b:s6+s2], $0x80, v2, vm0, $0xb8;
	[tilespmem:$0x1E800] =	vst v63  }
0x567: {  	s0 =	simm.s32 $0x5000;
	s6 =	rddreg [dreg:$0x16]  }
0x568: {  	[tilespmem:s0], [sflag:$0x1] =	stream.indirect_vreg.gather [hbm4b:s6+s2], $0x80, v2, vm0, $0xb8;
	[tilespmem:$0x1E800] =	vst v63  }
0x569: {  	s0 =	simm.s32 $0x5800;
	s6 =	rddreg [dreg:$0x17]  }
0x56a: {  	[tilespmem:s0], [sflag:$0x1] =	stream.indirect_vreg.gather [hbm4b:s6+s2], $0x80, v2, vm0, $0xb8;
	[tilespmem:$0x1E800] =	vst v63  }
0x56b: {  	s0 =	rddreg [dreg:$0x18];
	s6 =	simm.s32 $0x6000  }
0x56c: {  	[tilespmem:s6], [sflag:$0x1] =	stream.indirect_vreg.gather [hbm4b:s0+s2], $0x80, v2, vm0, $0xb8;
	[tilespmem:$0x1E800] =	vst v63  }
0x56d: {  	s0 =	simm.s32 $0x6800;
	s6 =	rddreg [dreg:$0x19]  }
0x56e: {  	[tilespmem:s0], [sflag:$0x1] =	stream.indirect_vreg.gather [hbm4b:s6+s2], $0x80, v2, vm0, $0xb8;
	[tilespmem:$0x1E800] =	vst v63  }
0x56f: {  	s0 =	simm.s32 $0x7000;
	s6 =	rddreg [dreg:$0x1a]  }
0x570: {  	[tilespmem:s0], [sflag:$0x1] =	stream.indirect_vreg.gather [hbm4b:s6+s2], $0x80, v2, vm0, $0xb8;
	[tilespmem:$0x1E800] =	vst v63  }
0x571: {  	s6 =	simm.s32 $0x7800  }
0x572: {  	[tilespmem:s6], [sflag:$0x1] =	stream.indirect_vreg.gather [hbm4b:s22+s2], $0x80, v2, vm0, $0xb8;
	[tilespmem:$0x1E800] =	vst v63  }
0x573: {  	s22 =	simm.s32 $0x8000  }
0x574: {  	[tilespmem:s22], [sflag:$0x1] =	stream.indirect_vreg.gather [hbm4b:s23+s2], $0x80, v2, vm0, $0xb8;
	[tilespmem:$0x1E800] =	vst v63  }
0x575: {  	s23 =	simm.s32 $0x8800  }
0x576: {  	[tilespmem:s23], [sflag:$0x1] =	stream.indirect_vreg.gather [hbm4b:s24+s2], $0x80, v2, vm0, $0xb8;
	[tilespmem:$0x1E800] =	vst v63  }
0x577: {  	s24 =	simm.s32 $0x9000  }
0x578: {  	[tilespmem:s24], [sflag:$0x1] =	stream.indirect_vreg.gather [hbm4b:s25+s2], $0x80, v2, vm0, $0xb8;
	[tilespmem:$0x1E800] =	vst v63  }
0x579: {  	s25 =	simm.s32 $0x9800  }
0x57a: {  	[tilespmem:s25], [sflag:$0x1] =	stream.indirect_vreg.gather [hbm4b:s26+s2], $0x80, v2, vm0, $0xb8;
	[tilespmem:$0x1E800] =	vst v63  }
0x57b: {  	s26 =	simm.s32 $0xA000  }
0x57c: {  	[tilespmem:s26], [sflag:$0x1] =	stream.indirect_vreg.gather [hbm4b:s28+s2], $0x80, v2, vm0, $0xb8;
	[tilespmem:$0x1E800] =	vst v63  }
0x57d: {  	s22 =	sld [smem:$0x7D7];
	s28 =	simm.s32 $0xA800  }
0x57e: {  	[tilespmem:s28], [sflag:$0x1] =	stream.indirect_vreg.gather [hbm4b:s29+s2], $0x80, v2, vm0, $0xb8;
	[tilespmem:$0x1E800] =	vst v63  }
0x57f: {  	s6 =	simm.s32 $0xB000  }
0x580: {  	[tilespmem:s6], [sflag:$0x1] =	stream.indirect_vreg.gather [hbm4b:s22+s2], $0x80, v2, vm0, $0xb8;
	[tilespmem:$0x1E800] =	vst v63  }
0x581: {  	s23 =	simm.s32 $0xB800  }
0x582: {  	[tilespmem:s23], [sflag:$0x1] =	stream.indirect_vreg.gather [hbm4b:s31+s2], $0x80, v2, vm0, $0xb8;
	[tilespmem:$0x1E800] =	vst v63  }
0x583: {  	s24 =	simm.s32 $0xC000  }
0x584: {  	[tilespmem:s24], [sflag:$0x1] =	stream.indirect_vreg.gather [hbm4b:s4+s2], $0x80, v2, vm0, $0xb8;
	[tilespmem:$0x1E800] =	vst v63  }
0x585: {  	s25 =	simm.s32 $0xC800;
	s26 =	sld [smem:$0x7DB]  }
0x586: {  	[tilespmem:s25], [sflag:$0x1] =	stream.indirect_vreg.gather [hbm4b:s19+s2], $0x80, v2, vm0, $0xb8;
	[tilespmem:$0x1E800] =	vst v63  }
0x587: {  	s28 =	simm.s32 $0xD000;
	s29 =	sld [smem:$0x7DC]  }
0x588: {  	[tilespmem:s28], [sflag:$0x1] =	stream.indirect_vreg.gather [hbm4b:s26+s2], $0x80, v2, vm0, $0xb8;
	[tilespmem:$0x1E800] =	vst v63  }
0x589: {  	s6 =	sld [smem:$0x7DD];
	s31 =	simm.s32 $0xD800  }
0x58a: {  	[tilespmem:s31], [sflag:$0x1] =	stream.indirect_vreg.gather [hbm4b:s29+s2], $0x80, v2, vm0, $0xb8;
	[tilespmem:$0x1E800] =	vst v63  }
0x58b: {  	s19 =	simm.s32 $0xE000  }
0x58c: {  	[tilespmem:s19], [sflag:$0x1] =	stream.indirect_vreg.gather [hbm4b:s6+s2], $0x80, v2, vm0, $0xb8;
	[tilespmem:$0x1E800] =	vst v63  }
0x58d: {  	s22 =	simm.s32 $0xE800  }
0x58e: {  	[tilespmem:s22], [sflag:$0x1] =	stream.indirect_vreg.gather [hbm4b:s9+s2], $0x80, v2, vm0, $0xb8;
	[tilespmem:$0x1E800] =	vst v63  }
0x58f: {  	s23 =	simm.s32 $0xF000;
	s24 =	sld [smem:$0x7E0]  }
0x590: {  	[tilespmem:s23], [sflag:$0x1] =	stream.indirect_vreg.gather [hbm4b:s21+s2], $0x80, v2, vm0, $0xb8;
	[tilespmem:$0x1E800] =	vst v63  }
0x591: {  	s25 =	simm.s32 $0xF800;
	s28 =	sld [smem:$0x7E1]  }
0x592: {  	[tilespmem:s25], [sflag:$0x1] =	stream.indirect_vreg.gather [hbm4b:s24+s2], $0x80, v2, vm0, $0xb8;
	[tilespmem:$0x1E800] =	vst v63  }
0x593: {  	s26 =	simm.s32 $0x10000;
	s29 =	sld [smem:$0x7E2]  }
0x594: {  	[tilespmem:s26], [sflag:$0x1] =	stream.indirect_vreg.gather [hbm4b:s28+s2], $0x80, v2, vm0, $0xb8;
	[tilespmem:$0x1E800] =	vst v63  }
0x595: {  	s31 =	simm.s32 $0x10800;
	s9 =	sld [smem:$0x7E3]  }
0x596: {  	[tilespmem:s31], [sflag:$0x1] =	stream.indirect_vreg.gather [hbm4b:s29+s2], $0x80, v2, vm0, $0xb8;
	[tilespmem:$0x1E800] =	vst v63  }
0x597: {  	s19 =	simm.s32 $0x11000;
	s21 =	sld [smem:$0x7E4]  }
0x598: {  	[tilespmem:s19], [sflag:$0x1] =	stream.indirect_vreg.gather [hbm4b:s9+s2], $0x80, v2, vm0, $0xb8;
	[tilespmem:$0x1E800] =	vst v63  }
0x599: {  	s22 =	simm.s32 $0x11800  }
0x59a: {  	[tilespmem:s22], [sflag:$0x1] =	stream.indirect_vreg.gather [hbm4b:s21+s2], $0x80, v2, vm0, $0xb8;
	[tilespmem:$0x1E800] =	vst v63  }
0x59b: {  	s23 =	simm.s32 $0x12000;
	s24 =	sld [smem:$0x7E6]  }
0x59c: {  	[tilespmem:s23], [sflag:$0x1] =	stream.indirect_vreg.gather [hbm4b:s1+s2], $0x80, v2, vm0, $0xb8;
	[tilespmem:$0x1E800] =	vst v63  }
0x59d: {  	s25 =	simm.s32 $0x12800;
	s28 =	sld [smem:$0x7E7]  }
0x59e: {  	[tilespmem:s25], [sflag:$0x1] =	stream.indirect_vreg.gather [hbm4b:s24+s2], $0x80, v2, vm0, $0xb8;
	[tilespmem:$0x1E800] =	vst v63  }
0x59f: {  	s26 =	simm.s32 $0x13000;
	s31 =	sld [smem:$0x7E8]  }
0x5a0: {  	[tilespmem:s26], [sflag:$0x1] =	stream.indirect_vreg.gather [hbm4b:s28+s2], $0x80, v2, vm0, $0xb8;
	[tilespmem:$0x1E800] =	vst v63  }
0x5a1: {  	s6 =	sld [smem:$0x7E9];
	s29 =	simm.s32 $0x13800  }
0x5a2: {  	[tilespmem:s29], [sflag:$0x1] =	stream.indirect_vreg.gather [hbm4b:s31+s2], $0x80, v2, vm0, $0xb8;
	[tilespmem:$0x1E800] =	vst v63  }
0x5a3: {  	s9 =	simm.s32 $0x14000  }
0x5a4: {  	[tilespmem:s9], [sflag:$0x1] =	stream.indirect_vreg.gather [hbm4b:s6+s2], $0x80, v2, vm0, $0xb8;
	[tilespmem:$0x1E800] =	vst v63  }
0x5a5: {  	s19 =	simm.s32 $0x14800  }
0x5a6: {  	[tilespmem:s19], [sflag:$0x1] =	stream.indirect_vreg.gather [hbm4b:s5+s2], $0x80, v2, vm0, $0xb8;
	[tilespmem:$0x1E800] =	vst v63  }
0x5a7: {  	s21 =	simm.s32 $0x15000;
	s23 =	sld [smem:$0x7EC]  }
0x5a8: {  	[tilespmem:s21], [sflag:$0x1] =	stream.indirect_vreg.gather [hbm4b:s8+s2], $0x80, v2, vm0, $0xb8;
	[tilespmem:$0x1E800] =	vst v63  }
0x5a9: {  	s22 =	simm.s32 $0x15800  }
0x5aa: {  	[tilespmem:s22], [sflag:$0x1] =	stream.indirect_vreg.gather [hbm4b:s23+s2], $0x80, v2, vm0, $0xb8;
	[tilespmem:$0x1E800] =	vst v63  }
0x5ab: {  	s24 =	simm.s32 $0x16000  }
0x5ac: {  	[tilespmem:s24], [sflag:$0x1] =	stream.indirect_vreg.gather [hbm4b:s11+s2], $0x80, v2, vm0, $0xb8;
	[tilespmem:$0x1E800] =	vst v63  }
0x5ad: {  	s25 =	simm.s32 $0x16800;
	s26 =	sld [smem:$0x7EF]  }
0x5ae: {  	[tilespmem:s25], [sflag:$0x1] =	stream.indirect_vreg.gather [hbm4b:s18+s2], $0x80, v2, vm0, $0xb8;
	[tilespmem:$0x1E800] =	vst v63  }
0x5af: {  	s28 =	simm.s32 $0x17000;
	s29 =	sld [smem:$0x7F0]  }
0x5b0: {  	[tilespmem:s28], [sflag:$0x1] =	stream.indirect_vreg.gather [hbm4b:s26+s2], $0x80, v2, vm0, $0xb8;
	[tilespmem:$0x1E800] =	vst v63  }
0x5b1: {  	s31 =	simm.s32 $0x17800;
	s5 =	sld [smem:$0x7F1]  }
0x5b2: {  	[tilespmem:s31], [sflag:$0x1] =	stream.indirect_vreg.gather [hbm4b:s29+s2], $0x80, v2, vm0, $0xb8;
	[tilespmem:$0x1E800] =	vst v63  }
0x5b3: {  	s4 =	simm.s32 $0x18000  }
0x5b4: {  	[tilespmem:s4], [sflag:$0x1] =	stream.indirect_vreg.gather [hbm4b:s5+s2], $0x80, v2, vm0, $0xb8;
	[tilespmem:$0x1E800] =	vst v63  }
0x5b5: {  	s6 =	simm.s32 $0x18800  }
0x5b6: {  	[tilespmem:s6], [sflag:$0x1] =	stream.indirect_vreg.gather [hbm4b:s7+s2], $0x80, v2, vm0, $0xb8;
	[tilespmem:$0x1E800] =	vst v63  }
0x5b7: {  	s8 =	sld [smem:$0x7F4];
	s7 =	simm.s32 $0x19000  }
0x5b8: {  	[tilespmem:s7], [sflag:$0x1] =	stream.indirect_vreg.gather [hbm4b:s12+s2], $0x80, v2, vm0, $0xb8;
	[tilespmem:$0x1E800] =	vst v63  }
0x5b9: {  	s9 =	simm.s32 $0x19800;
	s12 =	sld [smem:$0x7F5]  }
0x5ba: {  	[tilespmem:s9], [sflag:$0x1] =	stream.indirect_vreg.gather [hbm4b:s8+s2], $0x80, v2, vm0, $0xb8;
	[tilespmem:$0x1E800] =	vst v63  }
0x5bb: {  	s11 =	simm.s32 $0x1A000  }
0x5bc: {  	[tilespmem:s11], [sflag:$0x1] =	stream.indirect_vreg.gather [hbm4b:s12+s2], $0x80, v2, vm0, $0xb8;
	[tilespmem:$0x1E800] =	vst v63  }
0x5bd: {  	s18 =	simm.s32 $0x1A800  }
0x5be: {  	[tilespmem:s18], [sflag:$0x1] =	stream.indirect_vreg.gather [hbm4b:s10+s2], $0x80, v2, vm0, $0xb8;
	[tilespmem:$0x1E800] =	vst v63  }
0x5bf: {  	s19 =	simm.s32 $0x1B000  }
0x5c0: {  	[tilespmem:s19], [sflag:$0x1] =	stream.indirect_vreg.gather [hbm4b:s13+s2], $0x80, v2, vm0, $0xb8;
	[tilespmem:$0x1E800] =	vst v63  }
0x5c1: {  	s21 =	simm.s32 $0x1B800  }
0x5c2: {  	[tilespmem:s21], [sflag:$0x1] =	stream.indirect_vreg.gather [hbm4b:s20+s2], $0x80, v2, vm0, $0xb8;
	[tilespmem:$0x1E800] =	vst v63  }
0x5c3: {  	s22 =	simm.s32 $0x1C000  }
0x5c4: {  	[tilespmem:s22], [sflag:$0x1] =	stream.indirect_vreg.gather [hbm4b:s30+s2], $0x80, v2, vm0, $0xb8;
	[tilespmem:$0x1E800] =	vst v63  }
0x5c5: {  	s23 =	simm.s32 $0x1C800  }
0x5c6: {  	[tilespmem:s23], [sflag:$0x1] =	stream.indirect_vreg.gather [hbm4b:s14+s2], $0x80, v2, vm0, $0xb8;
	[tilespmem:$0x1E800] =	vst v63  }
0x5c7: {  	s24 =	simm.s32 $0x1D000  }
0x5c8: {  	[tilespmem:s24], [sflag:$0x1] =	stream.indirect_vreg.gather [hbm4b:s15+s2], $0x80, v2, vm0, $0xb8;
	[tilespmem:$0x1E800] =	vst v63  }
0x5c9: {  	s0 =	sld [smem:$0x7D3];
	s25 =	simm.s32 $0x1D800  }
0x5ca: {  	[tilespmem:s25], [sflag:$0x1] =	stream.indirect_vreg.gather [hbm4b:s16+s2], $0x80, v2, vm0, $0xb8;
	[tilespmem:$0x1E800] =	vst v63  }
0x5cb: {  	s26 =	simm.s32 $0x1E000;
	s28 =	simm.s32 $0x1  }
0x5cc: {  	[tilespmem:s26], [sflag:$0x1] =	stream.indirect_vreg.gather [hbm4b:s17+s2], $0x80, v2, vm0, $0xb8;
	[tilespmem:$0x1E800] =	vst v63  }
0x5cd: {  	s3 =	simm.s32 $0x2;
	p0 =	sne.s32 s0, $0x1;
	_ =	swait.ge [sflag:s28], $0x1E000  }
0x5ce: {  	s31 =	simm.s32 $0x800;
	s30 =	simm.s32 $0x1;
	[sflag:s28] =	ssyncset.done $0x0  }
.Ltmp0:
0x5cf: {  	s29 =	rddreg [dreg:$0xc];
	[sflag:s30] =	ssyncadd.s32 $0xFFFE2000;
	(pc) =	sbr.rel @p0 .LBB2_1-.Ltmp0, $4  }
0x5d0: {  	[hbm4b:s29+s2] =	stream.linear.scatter [tilespmem:s31], [sflag:$0x2], $0x1E000, $0x38;
	[tilespmem:$0x1E800] =	vst v63  }
0x5d1: {  	_ =	swait.ge [sflag:s3], $0x1E000  }
0x5d2: {  	[sflag:s3] =	ssyncset.done $0x0  }
0x5d3: {  	s0 =	sadd.s32 $0xFFFFFFFF, s0;
	[sflag:s3] =	ssyncadd.s32 $0xFFFE2000  }
0x5d4: {  	_ =	sfence.sel $0x180000  }
0x5d5: {  	[bflag:$0x0] =	sbarrier.arrive $0xFFFF  }
0x5d6: {  	_ =	strace $0x90000047  }
0x5d7: {  	s0 =	stileid.u32;
	[bflag:$0x2] =	sbarrier.arrive $0xFFFF  }
0x5d8: {  	p0 =	sne.s32 s0, $0x0;
	s0 =	rddreg [dreg:$0x2]  }
0x5d9: {  	s0 =	sadd.s32 @!p0 $0x100000, s0  }
0x5da: {  	[sflag:s0] =	ssyncadd.tile.s32 @!p0 $0x1;
	_ =	shalt  }
.Lfunc_end2:
_tile_overlayer_lowered:
.L_overlay_start_2:
0x5db: {  	(tag) =	ssettag $0x2  }
0x5dc: {  	s0 =	rddreg [dreg:$0x0];
	s2 =	stileid.u32  }
0x5dd: {  	s1 =	rddreg [dreg:$0x1];
	p0 =	sne.s32 s2, $0x0  }
0x5de: {  	s3 =	rddreg [dreg:$0x2];
	[bflag:$0x3] =	sbarrier.arrive $0xFFFF;
	s2 =	simm.s32 @!p0 $0x1C02  }
0x5df: {  	[timem:s3], [sflag:s2] =	dma.local @!p0 [hbm:s0], s1  }
0x5e0: {  	s0 =	simm.s32 @!p0 $0x2  }
0x5e1: {  	_ =	swait.ge @!p0 [sflag:s0], s1  }
0x5e2: {  	s1 =	ssub.s32 @!p0 $0x0, s1;
	[sflag:s0] =	ssyncset.done @!p0 $0x0  }
0x5e3: {  	[sflag:s0] =	ssyncadd.s32 @!p0 s1  }
0x5e4: {  	[bflag:$0x3] =	sbarrier.arrive $0xFFFF  }
0x5e5: {  	_ =	shalt  }

// kernel: sparse-core-data-format-call.cloned.1.call-start
scs
called_computation_lowered:
.L_overlay_start_0:
0x0: {  	s2 =	sld [smem:$0x3FD9]  }
0x1: {  	s3 =	sld [smem:$0x3FFE];
	_ =	sdelay $0x1  }
0x2: {  	s1 =	srdreg.scid  }
0x3: {  	s0 =	sand.u32 $0x1, s1  }
0x4: {  	s15 =	sshll.u32 s0, $0xA;
	s2 =	sadd.s32 s3, s2  }
0x5: {  	s2 =	sadd.s32 s2, s15  }
0x6: {  	[smem:$0x3FC5] =	sst s2  }
0x7: {  	_ = 	snop  }
0x8: {  	s2 =	sld [smem:$0x3FD0];
	_ =	sdelay $0x2  }
0x9: {  	s16 =	simm.s32 $0xA;
	s4 =	simm.s32 $0x10  }
0xa: {  	[smem:s4], [sflag:s16] =	dma.local [hbm:s2], $0x1  }
0xb: {  	_ =	swait.eq [sflag:s16], $0x1  }
0xc: {  	[sflag:s16] =	ssyncset.done $0x0  }
0xd: {  	[sflag:s16] =	ssyncadd.s32 $0xFFFFFFFF  }
0xe: {  	s17 =	sld [smem:$0x10];
	(tm) =	ssettm $0x1  }
0xf: {  	s18 =	sld [smem:$0x3FFB];
	_ =	sdelay $0x3  }
0x10: {  	_ =	strace s18  }
0x11: {  	s3 =	sld [smem:$0x3FFC];
	_ =	sdelay $0x3  }
0x12: {  	_ =	strace s3  }
0x13: {  	s3 =	sld [smem:$0x3FFD];
	_ =	sdelay $0x3  }
0x14: {  	_ =	strace s3  }
0x15: {  	_ =	strace $0x8FFFFFFF  }
0x16: {  	s19 =	sld [smem:$0x3FDB];
	_ =	sdelay $0x1  }
0x17: {  	s20 =	simm.s32 $_scs_section_size  }
0x18: {  	s5 =	simm.s32 $_size__tile_overlayer_lowered;
	s6 =	simm.s32 $_tile_overlayer_lowered  }
0x19: {  	s23 =	simm.s32 $0x1BFF;
	s22 =	sshll.u32 s6, $0x1;
	s3 =	sadd.s32 s20, s19  }
0x1a: {  	s7 =	simm.s32 $0x0;
	s21 =	sshll.u32 s5, $0x1;
	s5 =	sadd.s32 s22, s3  }
0x1b: {  	[timem:s7], [sflag:s23] =	dma.local [hbm:s5], s21  }
0x1c: {  	_ =	swait.ge [sflag:s23], s21  }
0x1d: {  	s4 =	ssub.s32 $0x0, s21;
	[sflag:s23] =	ssyncset.done $0x0  }
0x1e: {  	[sflag:s23] =	ssyncadd.s32 s4;
	_ =	sdelay $0x1  }
0x1f: {  	s24 =	simm.s32 $0x1B8B  }
0x20: {  	_ =	swait.ge [sflag:s24], $0x1  }
0x21: {  	[sflag:s24] =	ssyncset.done $0x0  }
0x22: {  	s26 =	simm.s32 $0x1B8E;
	s25 =	sld [smem:$0x3FFE];
	[sflag:s24] =	ssyncadd.s32 $0xFFFFFFFF  }
0x23: {  	s27 =	simm.s32 $execute0_lowered;
	[smem:$0x3FD2] =	sst s26  }
0x24: {  	s5 =	sshll.u32 s27, $0x1;
	_ =	strace $0x80000049;
	[dreg:$0x1] =	wrdreg $0xFFFFFFFF  }
0x25: {  	s28 =	simm.s32 $_size_execute0_lowered;
	s3 =	sadd.s32 s3, s5;
	[dreg:$0x0] =	wrdreg $0x0  }
0x26: {  	s5 =	sshll.u32 s28, $0x1;
	[dreg:$0x2] =	wrdreg s3  }
0x27: {  	[dreg:$0x3] =	wrdreg s5  }
0x28: {  	[dreg:$0x4] =	wrdreg $0xC0  }
0x29: {  	_ =	task [dreg:s7], $0x5FFFF  }
0x2a: {  	[dreg:$0x1] =	wrdreg $0xFFFFFFFF  }
0x2b: {  	[dreg:$0x0] =	wrdreg $0x60  }
0x2c: {  	[dreg:$0x2] =	wrdreg s25  }
0x2d: {  	[dreg:$0x3] =	wrdreg s17  }
0x2e: {  	[dreg:$0x4] =	wrdreg $0x9  }
0x2f: {  	_ =	task.clear_ibuf [dreg:s7], $0x5FFFF;
	_ =	strace $0x90000049  }
0x30: {  	s29 =	simm.s32 $0x9;
	_ =	strace $0x8000004B  }
0x31: {  	_ =	swait.ge [sflag:s29], $0x1  }
0x32: {  	[sflag:s29] =	ssyncadd.s32 $0xFFFFFFFF  }
0x33: {  	_ =	strace $0x9000004B  }
0x34: {  	_ =	sfence  }
0x35: {  	s30 =	sld [smem:$0x0];
	_ =	sdelay $0x2  }
0x36: {  	s31 =	sshll.u32 s1, $0xD;
	s1 =	sshrl.u32 s1, $0x2  }
0x37: {  	s3 =	sand.u32 $0x4000, s31;
	s1 =	sadd.s32 s1, s30  }
0x38: {  	s0 =	sor.u32 s3, s0;
	s1 =	sshll.u32 s1, $0x11  }
0x39: {  	s0 =	sor.u32 s1, s0  }
0x3a: {  	s0 =	sadd.s32 $0x8F2B, s0  }
0x3b: {  	[sflag:s0] =	ssyncadd.remote.s32 $0x1  }
0x3c: {  	_ =	sfence.sel $0xFFFF  }
0x3d: {  	[dreg:$0x0] =	wrdreg $0xFFFFFFFF;
	(pc) =	sbr.abs _section_cstart, $3  }
0x3e: {  	[dreg:$0x1] =	wrdreg $0xFFFFFFFF  }
0x3f: {  	_ =	task.clear_ibuf [dreg:s7], $0x2FFFF;
	_ =	strace $0x9FFFFFFF  }
0x40: {  	(tm) =	ssettm $0x7FFFFFFF  }
0x41: {  	_ =	shalt  }
tec
execute0_lowered:
.L_overlay_start_1:
0x0: {  	(tag) =	ssettag $0x1  }
0x1: {  	s1 =	rddreg [dreg:$0x0]  }
0x2: {  	s2 =	rddreg [dreg:$0x1]  }
0x3: {  	s0 =	rddreg [dreg:$0x2];
	_ =	strace $0x8000004A;
	s4 =	srdreg.scid  }
0x4: {  	s6 =	simm.s32 $0x2;
	s15 =	simm.s32 $0x0;
	p0 =	por $0x0, $0x0  }
0x5: {  	s7 =	simm.s32 $0x800;
	s14 =	simm.s32 $0x0;
	s16 =	simm.s32 $0x0  }
0x6: {  	s17 =	simm.s32 $0x0;
	s18 =	simm.s32 $0x0;
	s9 =	simm.s32 $0x0  }
.Ltmp0:
0x7: {  	s10 =	simm.s32 $0x0;
	s11 =	simm.s32 $0x0;
	(pc) =	sbr.rel .LBB1_1-.Ltmp0, $4  }
0x8: {  	s13 =	simm.s32 $0x0;
	s3 =	sadd.s32 $0xE00, s1;
	s5 =	sshll.u32 s4, $0x4  }
0x9: {  	s1 =	stileid.u32;
	s4 =	simm.s32 $0x1;
	s5 =	sand.u32 $0x10, s5  }
0xa: {  	s8 =	simm.s32 $0x0;
	[sflag:s4] =	ssyncpa.u1 $0x0;
	s5 =	sor.u32 s1, s5  }
0xb: {  	[sflag:s6] =	ssyncpa.u1 $0x0;
	s6 =	simm.s32 $0x40;
	s12 =	smov.u32 s5  }
.LBB1_3:
0xc: {  	p1 =	seq.s32 s8, $0x0  }
0xd: {  	p2 =	seq.s32 @!p1 s8, $0xF1  }
0xe: {  	p1 =	por p1, p2  }
.Ltmp1:
0xf: {  	_ = 	snop;
	(pc) =	sbr.rel @!p1 .LBB1_4-.Ltmp1, $1  }
0x10: {  	_ =	sdelay $0x3  }
.LBB1_7:
0x11: {  	s19 =	sadd.s32 $0x1, s9  }
0x12: {  	s14 =	sadd.s32 $0x80, s10;
	s20 =	smov.u32 s10;
	p2 =	sgt.s32 s19, $0xB  }
0x13: {  	s20 =	smov.u32 @p2 s14  }
0x14: {  	s14 =	simm.s32 $0x1;
	p3 =	sgt.s32 s20, $0x4F  }
0x15: {  	s14 =	simm.s32 @!p3 $0x0  }
0x16: {  	s21 =	sadd.s32 s14, s11  }
0x17: {  	s22 =	smov.u32 s12;
	s14 =	sadd.s32 $0x20, s12;
	p4 =	sgt.s32 s21, $0x1  }
0x18: {  	s22 =	smov.u32 @p4 s14  }
0x19: {  	s19 =	simm.s32 @p2 $0x0;
	s14 =	simm.s32 $0x1;
	p2 =	sgt.s32 s22, $0x3F  }
0x1a: {  	p1 =	slt.u32 s8, $0x2;
	s14 =	simm.s32 @!p2 $0x0  }
0x1b: {  	s8 =	sadd.s32 $0x1, s8;
	s15 =	smov.u32 s9;
	s24 =	sadd.s32 s14, s13  }
0x1c: {  	s16 =	smov.u32 s11;
	s22 =	smov.u32 @p2 s5;
	p2 =	sgt.s32 s24, $0x4  }
0x1d: {  	s23 =	simm.s32 @!p1 $0x2;
	s24 =	simm.s32 @p2 $0x0;
	p2 =	sne.s32 s8, $0xF2  }
.Ltmp2:
0x1e: {  	s17 =	smov.u32 s12;
	_ =	swait.ge @!p1 [sflag:s23], $0x2000;
	(pc) =	sbr.rel @!p2 .LBB1_8-.Ltmp2, $4  }
0x1f: {  	s18 =	smov.u32 s13;
	p0 =	por !p0, !p0;
	[sflag:s23] =	ssyncset.done @!p1 $0x0  }
0x20: {  	s9 =	smov.u32 s19;
	s20 =	simm.s32 @p3 $0x0;
	s21 =	simm.s32 @p4 $0x0  }
0x21: {  	[sflag:s23] =	ssyncadd.s32 @!p1 $0xFFFFE000;
	s11 =	smov.u32 s21;
	s14 =	smov.u32 s10  }
0x22: {  	s10 =	smov.u32 s20;
	s12 =	smov.u32 s22;
	s13 =	smov.u32 s24  }
.LBB1_1:
0x23: {  	p1 =	sgt.u32 s8, $0xEF  }
.Ltmp3:
0x24: {  	_ = 	snop;
	(pc) =	sbr.rel @p1 .LBB1_3-.Ltmp3, $1  }
0x25: {  	_ =	sdelay $0x3  }
0x26: {  	p1 =	sgt.s32 s13, $0x4;
	s19 =	smov.u32 s13  }
0x27: {  	s20 =	sshra.s32 s13, $0x1F;
	s21 =	smov.u32 s12;
	s22 =	sshra.s32 s12, $0x1F  }
0x28: {  	s29 =	sshra.s32 s11, $0x1F;
	p2 =	sgt.s32 s11, $0x1;
	s24 =	smul.u32 $0x280000, s13  }
0x29: {  	s23 =	sshra.s32 s10, $0x1F;
	s30 =	sshra.s32 s9, $0x1F;
	s25 =	smul.u32 $0xA000, s12  }
0x2a: {  	s26 =	smul.u32 $0x5000, s11;
	s19 =	simm.s32 @!p1 $0x4;
	p1 =	sgt.s32 s12, $0x3F  }
0x2b: {  	s20 =	sand.u32 s20, s13;
	s22 =	sand.u32 s22, s12;
	s21 =	simm.s32 @!p1 $0x3F  }
0x2c: {  	s23 =	sand.u32 s23, s10;
	s19 =	ssub.s32 s19, s20;
	s28 =	ssub.s32 s21, s22  }
0x2d: {  	s31 =	sand.u32 s30, s9;
	s19 =	sadd.s32 $0xFFFFFFFC, s19;
	s21 =	sadd.s32 $0xFFFFFFC1, s28  }
0x2e: {  	s22 =	sand.u32 s29, s11;
	p1 =	sgt.s32 s21, $0x0;
	s21 =	smov.u32 s11  }
0x2f: {  	s20 =	ssub.s32 $0x40, s28;
	s22 =	sxor.u32 $0xFFFFFFFF, s22;
	s21 =	simm.s32 @!p2 $0x1  }
0x30: {  	p2 =	sgt.s32 s19, $0x0;
	s20 =	simm.s32 @p1 $0x0;
	p1 =	sgt.s32 s10, $0xFFFFFFD0  }
0x31: {  	s19 =	sshll.u32 s19, $0x6;
	s21 =	sadd.s32 s22, s21;
	s22 =	smov.u32 s10  }
0x32: {  	s29 =	sshll.u32 s9, $0x4;
	s19 =	ssub.s32 $0x40, s19;
	s22 =	simm.s32 @!p1 $0xFFFFFFD0  }
0x33: {  	p1 =	sgt.s32 s21, $0x0;
	s19 =	simm.s32 @p2 $0x0;
	s21 =	ssub.s32 $0x1, s21  }
0x34: {  	p2 =	sgt.s32 s9, $0xF;
	s22 =	ssub.s32 s22, s23;
	s19 =	smul.u32 s20, s19  }
0x35: {  	s23 =	sadd.s32 $0x30, s22;
	s20 =	ssub.s32 $0x50, s22;
	s22 =	smov.u32 s9  }
0x36: {  	s28 =	sshll.u32 s10, $0x8;
	s21 =	simm.s32 @p1 $0x0;
	s22 =	simm.s32 @!p2 $0xF  }
0x37: {  	p1 =	sgt.s32 s23, $0x7F;
	s19 =	smul.u32 s21, s19;
	s21 =	ssub.s32 s22, s31  }
0x38: {  	s20 =	simm.s32 @p1 $0x0;
	s22 =	sadd.s32 s3, s24;
	s23 =	sadd.s32 $0xFFFFFFF1, s21  }
0x39: {  	s19 =	smul.u32 s20, s19;
	s20 =	ssub.s32 $0x10, s21;
	p1 =	sgt.s32 s23, $0x0  }
.Ltmp4:
0x3a: {  	s27 =	sadd.s32 s25, s22;
	s20 =	simm.s32 @p1 $0x0;
	(pc) =	sbr.rel .LBB1_3-.Ltmp4, $4  }
0x3b: {  	s24 =	sxor.u32 $0xFFFFFFFF, s8;
	s19 =	smul.u32 s20, s19;
	s20 =	sadd.s32 s26, s27  }
0x3c: {  	s30 =	sshll.u32 s24, $0xD;
	s22 =	sand.u32 $0xF0, s29;
	s20 =	sadd.s32 s28, s20  }
0x3d: {  	s31 =	sand.u32 $0x2000, s30;
	s19 =	sand.u32 $0x3FFFFFC0, s19;
	s20 =	sadd.s32 s22, s20  }
0x3e: {  	[tilespmem:s31], [sflag:$0x1] =	stream.strided.gather [hbm4b:s20+s6], s19, s7, s6, $0x38;
	[tilespmem:$0x8080] =	vst v63  }
.LBB1_4:
0x3f: {  	p1 =	sgt.s32 s18, $0x4;
	s19 =	smov.u32 s18;
	s20 =	sshra.s32 s18, $0x1F  }
0x40: {  	s21 =	smov.u32 s17;
	s22 =	sshra.s32 s17, $0x1F;
	s23 =	sshra.s32 s16, $0x1F  }
0x41: {  	s24 =	sshra.s32 s14, $0x1F;
	s25 =	sshra.s32 s15, $0x1F;
	s19 =	simm.s32 @!p1 $0x4  }
0x42: {  	s20 =	sand.u32 s20, s18;
	p1 =	sgt.s32 s17, $0x3F;
	s22 =	sand.u32 s22, s17  }
0x43: {  	s25 =	sand.u32 s25, s15;
	s19 =	ssub.s32 s19, s20;
	s21 =	simm.s32 @!p1 $0x3F  }
0x44: {  	s19 =	sadd.s32 $0xFFFFFFFC, s19;
	s20 =	ssub.s32 s21, s22;
	s22 =	smov.u32 s16  }
0x45: {  	p1 =	sgt.s32 s19, $0x0;
	s21 =	sadd.s32 $0xFFFFFFC1, s20;
	s20 =	ssub.s32 $0x40, s20  }
0x46: {  	s19 =	sshll.u32 s19, $0x6;
	p2 =	sgt.s32 s21, $0x0;
	s21 =	sand.u32 s23, s16  }
0x47: {  	s23 =	smov.u32 s14;
	s19 =	ssub.s32 $0x40, s19;
	s20 =	simm.s32 @p2 $0x0  }
0x48: {  	p2 =	sgt.s32 s16, $0x1;
	s21 =	sxor.u32 $0xFFFFFFFF, s21;
	s19 =	simm.s32 @p1 $0x0  }
0x49: {  	p1 =	sgt.s32 s15, $0xF;
	s22 =	simm.s32 @!p2 $0x1;
	p2 =	sgt.s32 s14, $0xFFFFFFD0  }
0x4a: {  	s19 =	smul.u32 s20, s19;
	s21 =	sadd.s32 s21, s22;
	s23 =	simm.s32 @!p2 $0xFFFFFFD0  }
0x4b: {  	s22 =	sand.u32 s24, s14;
	s24 =	smov.u32 s15;
	p2 =	sgt.s32 s21, $0x0  }
0x4c: {  	s21 =	ssub.s32 $0x1, s21;
	s22 =	ssub.s32 s23, s22;
	s24 =	simm.s32 @!p1 $0xF  }
0x4d: {  	s21 =	simm.s32 @p2 $0x0;
	s23 =	sadd.s32 $0x30, s22;
	s22 =	ssub.s32 $0x50, s22  }
0x4e: {  	s20 =	ssub.s32 s24, s25;
	p2 =	sgt.s32 s23, $0x7F;
	s19 =	smul.u32 s21, s19  }
0x4f: {  	s26 =	sadd.s32 $0xFFFFFFF1, s20;
	s22 =	simm.s32 @p2 $0x0  }
0x50: {  	s20 =	ssub.s32 $0x10, s20;
	p1 =	sgt.s32 s26, $0x0;
	s19 =	smul.u32 s22, s19  }
0x51: {  	s20 =	simm.s32 @p1 $0x0  }
0x52: {  	s19 =	smul.u32 s20, s19;
	_ =	sdelay $0x1  }
0x53: {  	s20 =	simm.s32 $0x1;
	s19 =	sand.u32 $0x3FFFFFC0, s19  }
0x54: {  	s20 =	simm.s32 @!p0 $0x0;
	_ =	swait.ge [sflag:s4], s19  }
0x55: {  	s27 =	sshll.u32 s20, $0xD;
	s19 =	ssub.s32 $0x0, s19;
	[sflag:s4] =	ssyncset.done $0x0  }
0x56: {  	s28 =	sor.u32 $0x20, s27;
	[sflag:s4] =	ssyncadd.s32 s19  }
0x57: {  	s29 =	smul.u32 $0x8100, s20;
	v3 =	vld [tilespmem:s28+$0x10]  }
0x58: {  	s30 =	sand.u32 $0x1, s8;
	v2 =	vld [tilespmem:s28+$0xFFFFFFF0]  }
0x59: {  	s20 =	smul.u32 $0x8100, s30;
	s19 =	sshrl.u32 s29, $0x2;
	v0 =	vld [tilespmem:s28+$0x0]  }
0x5a: {  	s21 =	sor.u32 $0x4000, s19;
	v1 =	vld [tilespmem:s28+$0xFFFFFFE0]  }
0x5b: {  	s31 =	sshrl.u32 s20, $0x2;
	s20 =	sadd.s32 $0x0, s21  }
0x5c: {  	s22 =	simm.s32 $0x4;
	s23 =	sadd.s32 $0x40, s28;
	s19 =	sor.u32 $0x4000, s31;
	[tilespmem:s20+$0x1830 ss:$0x81] =	vst.msk $0xffff, v3  }
.LBB1_5:
0x5d: {  	v3 =	vld [tilespmem:s23+$0x10];
	p1 =	sne.s32 s22, $0x1FC;
	[tilespmem:s20+$0x810 ss:$0x81] =	vst.msk $0xffff, v2;
	s24 =	smov.u32 s22;
	s22 =	sadd.s32 $0x4, s22  }
.Ltmp5:
0x5e: {  	v2 =	vld [tilespmem:s23+$0xFFFFFFF0];
	[tilespmem:s20+$0x1020 ss:$0x81] =	vst.msk $0xffff, v0;
	(pc) =	sbr.rel @p1 .LBB1_5-.Ltmp5, $4  }
0x5f: {  	v0 =	vld [tilespmem:s23+$0x0];
	[tilespmem:s20+$0x0 ss:$0x81] =	vst.msk $0xffff, v1  }
0x60: {  	s20 =	sshra.s32 s24, $0x2;
	v1 =	vld [tilespmem:s23+$0xFFFFFFE0]  }
0x61: {  	s20 =	sadd.s32 s20, s21  }
0x62: {  	s23 =	sadd.s32 $0x40, s23;
	[tilespmem:s20+$0x1830 ss:$0x81] =	vst.msk $0xffff, v3  }
0x63: {  	s18 =	smul.u32 $0x180000, s18  }
0x64: {  	s17 =	smul.u32 $0x6000, s17  }
0x65: {  	s16 =	smul.u32 $0x3000, s16;
	s18 =	sadd.s32 s2, s18  }
0x66: {  	s17 =	sadd.s32 s17, s18  }
.Ltmp6:
0x67: {  	s29 =	sand.u32 $0x380, s14;
	s16 =	sadd.s32 s16, s17;
	(pc) =	sbr.rel .LBB1_7-.Ltmp6, $4  }
0x68: {  	[tilespmem:s20+$0x810 ss:$0x81] =	vst.msk $0xffff, v2;
	s15 =	sshll.u32 s15, $0xA;
	s30 =	sshrl.u32 s14, $0x3;
	s16 =	sadd.s32 s29, s16  }
0x69: {  	[tilespmem:s20+$0x1020 ss:$0x81] =	vst.msk $0xffff, v0;
	s17 =	sand.u32 $0xF, s30;
	s15 =	sadd.s32 s15, s16  }
0x6a: {  	s31 =	sand.u32 $0x7, s14;
	[tilespmem:s20+$0x0 ss:$0x81] =	vst.msk $0xffff, v1;
	s15 =	sadd.s32 s17, s15  }
0x6b: {  	[hbm4b:s15+s31] =	stream.linear.scatter [tilespmem:s19], [sflag:$0x2], $0x2000, $0x20;
	[tilespmem:$0x8080] =	vst v63  }
.LBB1_8:
0x6c: {  	_ =	sfence.sel $0x180000  }
0x6d: {  	s2 =	simm.s32 $0x1;
	[bflag:$0x0] =	sbarrier.arrive $0xFFFF  }
0x6e: {  	s31 =	simm.s32 $0x2;
	[sflag:s2] =	ssyncpa.u1 $0x1  }
0x6f: {  	[sflag:s31] =	ssyncpa.u1 $0x1  }
0x70: {  	p0 =	sne.s32 s1, $0x0;
	_ =	strace $0x9000004A  }
0x71: {  	s0 =	sadd.s32 @!p0 $0x100000, s0;
	[bflag:$0x2] =	sbarrier.arrive $0xFFFF  }
0x72: {  	[sflag:s0] =	ssyncadd.tile.s32 @!p0 $0x1;
	_ =	shalt  }
.Lfunc_end1:
_tile_overlayer_lowered:
.L_overlay_start_2:
0x73: {  	(tag) =	ssettag $0x2  }
0x74: {  	s0 =	rddreg [dreg:$0x0];
	s2 =	stileid.u32  }
0x75: {  	s1 =	rddreg [dreg:$0x1];
	p0 =	sne.s32 s2, $0x0  }
0x76: {  	s3 =	rddreg [dreg:$0x2];
	[bflag:$0x3] =	sbarrier.arrive $0xFFFF;
	s2 =	simm.s32 @!p0 $0x1C01  }
0x77: {  	[timem:s3], [sflag:s2] =	dma.local @!p0 [hbm:s0], s1  }
0x78: {  	s0 =	simm.s32 @!p0 $0x1  }
0x79: {  	_ =	swait.ge @!p0 [sflag:s0], s1  }
0x7a: {  	s1 =	ssub.s32 @!p0 $0x0, s1;
	[sflag:s0] =	ssyncset.done @!p0 $0x0  }
0x7b: {  	[sflag:s0] =	ssyncadd.s32 @!p0 s1  }
0x7c: {  	[bflag:$0x3] =	sbarrier.arrive $0xFFFF  }
0x7d: {  	_ =	shalt  }

</sc_bundles>
